<compile_context>
chip_gen: v7x
topology: tpu7x:2x2x1
jax: 0.10.2.dev20260603
libtpu: 0.0.44.dev20260713+nightly
codegen_flags: <defaults>
</compile_context>

<pallas_src>
import functools

import jax
import jax.numpy as jnp
from jax import lax
from jax.experimental import pallas as pl
from jax.experimental.pallas import tpu as pltpu
from jax.experimental.pallas import tpu_sc as plsc

_H = 300
_W = 300
_N = 256
_NCLS = 64
_NC = 2
_NSUB = 16
_NW = _NC * _NSUB
_RPT = 10
_WPAD = 304
_LANES = 16
_NCHUNK = _WPAD // _LANES


def _round_half_even(x):
    f = jnp.floor(x)
    fi = f.astype(jnp.int32)
    frac = x - f
    up = (frac > 0.5) | ((frac == 0.5) & ((fi & 1) == 1))
    return fi + up.astype(jnp.int32)


def _prep_body(data_ref, img_ref, bnds_ref, coef_ref):
    data = data_ref[...]
    imgs = img_ref[...]

    x = _round_half_even(data[:, 0:1] * _H)
    y = _round_half_even(data[:, 1:2] * _W)
    h = _round_half_even(data[:, 2:3] * _H)
    w = _round_half_even(data[:, 3:4] * _W)
    x1 = x - (h >> 1)
    x2 = x + ((h + 1) >> 1)
    y1 = y - (w >> 1)
    y2 = y + ((w + 1) >> 1)
    xs = jnp.where(x1 < 0, jnp.maximum(x1 + _H, 0), x1)
    xe = jnp.clip(x2, 0, _H)
    ys = jnp.where(y1 < 0, jnp.maximum(y1 + _W, 0), y1)
    ye = jnp.clip(y2, 0, _W)

    logits = data[:, 5:]
    mx = jnp.max(logits, axis=1, keepdims=True)
    col = lax.broadcasted_iota(jnp.int32, logits.shape, 1)
    cls = jnp.min(jnp.where(logits == mx, col, _NCLS), axis=1, keepdims=True)
    onehot = (col == cls).astype(jnp.float32)
    rgba = jnp.dot(onehot, imgs, preferred_element_type=jnp.float32)
    a = rgba[:, 3:4]
    p = rgba[:, 0:3] * a
    q = 1.0 - a

    d = data[:, 4:5]
    dt = lax.transpose(d, (1, 0))
    i_col = lax.broadcasted_iota(jnp.int32, (_N, _N), 1)
    j_row = lax.broadcasted_iota(jnp.int32, (_N, _N), 0)
    before = (dt < d) | ((dt == d) & (i_col < j_row))
    rank = jnp.sum(before.astype(jnp.int32), axis=1, keepdims=True)
    perm = (lax.transpose(rank, (1, 0)) == j_row).astype(jnp.float32)

    fb = jnp.concatenate(
        [xs.astype(jnp.float32), xe.astype(jnp.float32),
         ys.astype(jnp.float32), ye.astype(jnp.float32)], axis=1)
    fc = jnp.concatenate([p, q], axis=1)
    sb = jnp.dot(perm, fb, preferred_element_type=jnp.float32)
    sc = jnp.dot(perm, fc, preferred_element_type=jnp.float32)
    pad = jnp.zeros((_N, _LANES - 4), jnp.float32)
    bnds_ref[...] = (jnp.concatenate([sb, pad], axis=1) + 0.5).astype(jnp.int32)
    coef_ref[...] = jnp.concatenate([sc, pad], axis=1)


_prep = pl.pallas_call(
    _prep_body,
    out_shape=(
        jax.ShapeDtypeStruct((_N, _LANES), jnp.int32),
        jax.ShapeDtypeStruct((_N, _LANES), jnp.float32),
    ),
)


_CH = _RPT * _WPAD


def _composite_body(bnds_hbm, coef_hbm, out_hbm, bnds_v, coef_v, canvas,
                    sem, insem):
    wid = lax.axis_index("s") * _NC + lax.axis_index("c")
    pltpu.make_async_copy(bnds_hbm, bnds_v, insem).start()
    pltpu.make_async_copy(coef_hbm, coef_v, insem).start()

    ones16 = jnp.full((_LANES,), 1.0, jnp.float32)
    iota16 = lax.broadcasted_iota(jnp.int32, (_LANES,), 0)

    @plsc.parallel_loop(0, 4 * _CH // _LANES, unroll=8)
    def _init(n):
        canvas[pl.ds(n * _LANES, _LANES)] = ones16

    for i in range(_RPT):
        pltpu.make_async_copy(
            canvas.at[pl.ds(3 * _CH + i * _WPAD, _WPAD)],
            out_hbm.at[pl.ds((3 * _NW * _RPT + wid + _NW * i) * _WPAD,
                             _WPAD)], sem).start()

    pltpu.make_async_copy(bnds_hbm, bnds_v, insem).wait()
    pltpu.make_async_copy(coef_hbm, coef_v, insem).wait()

    def _step(k, _):
        brow = bnds_v[k]
        xs = brow[0]
        xe = brow[1]
        ys = brow[2]
        ye = brow[3]
        i_lo = jnp.maximum((xs - wid + (_NW - 1)) >> 5, 0)
        i_hi = jnp.minimum((xe - wid + (_NW - 1)) >> 5, _RPT)
        t0 = ys >> 4
        t_last = (ye - 1) >> 4

        @pl.when((i_lo < i_hi) & (ys < ye))
        def _nonempty():
            crow = coef_v[k]
            qv = jnp.full((_LANES,), crow[3])
            pv = [jnp.full((_LANES,), crow[ch]) for ch in range(3)]

            def _edge(t, msk, blend):
                off0 = t * _LANES

                @plsc.parallel_loop(i_lo, i_hi, unroll=2)
                def _row(i):
                    base = off0 + i * _WPAD
                    for ch in range(3):
                        sl = pl.ds(base + ch * _CH, _LANES)
                        v = canvas[sl]
                        nv = v * qv + pv[ch] if blend else pv[ch]
                        canvas[sl] = jnp.where(msk, nv, v)

            def _do(blend):
                colv = iota16 + t0 * _LANES
                m0 = (colv >= ys) & (colv < ye)

                @pl.when(t_last == t0)
                def _single():
                    _edge(t0, m0, blend)

                @pl.when(t_last > t0)
                def _multi():
                    colv2 = iota16 + t_last * _LANES
                    mL = colv2 < ye
                    off0 = t0 * _LANES
                    offl = t_last * _LANES

                    @plsc.parallel_loop(i_lo, i_hi)
                    def _row(i):
                        base = i * _WPAD
                        for ch in range(3):
                            sl = pl.ds(base + off0 + ch * _CH, _LANES)
                            v = canvas[sl]
                            nv = v * qv + pv[ch] if blend else pv[ch]
                            canvas[sl] = jnp.where(m0, nv, v)

                        @plsc.parallel_loop(t0 + 1, t_last, unroll=4)
                        def _t(t):
                            tb = base + t * _LANES
                            for ch in range(3):
                                sl = pl.ds(tb + ch * _CH, _LANES)
                                if blend:
                                    canvas[sl] = canvas[sl] * qv + pv[ch]
                                else:
                                    canvas[sl] = pv[ch]

                        for ch in range(3):
                            sl = pl.ds(base + offl + ch * _CH, _LANES)
                            v = canvas[sl]
                            nv = v * qv + pv[ch] if blend else pv[ch]
                            canvas[sl] = jnp.where(mL, nv, v)

            opaque = crow[3] == 0.0

            @pl.when(opaque)
            def _paint():
                _do(False)

            @pl.when(jnp.logical_not(opaque))
            def _blendp():
                _do(True)

        return 0

    lax.fori_loop(0, _N, _step, 0)

    for i in range(_RPT):
        for ch in range(3):
            pltpu.make_async_copy(
                canvas.at[pl.ds(ch * _CH + i * _WPAD, _WPAD)],
                out_hbm.at[pl.ds((ch * _NW * _RPT + wid + _NW * i) * _WPAD,
                                 _WPAD)], sem).start()
    for i in range(_RPT):
        for ch in range(4):
            pltpu.make_async_copy(
                canvas.at[pl.ds(ch * _CH + i * _WPAD, _WPAD)],
                out_hbm.at[pl.ds((ch * _NW * _RPT + wid + _NW * i) * _WPAD,
                                 _WPAD)], sem).wait()


_composite = functools.partial(
    pl.kernel,
    out_type=jax.ShapeDtypeStruct((4 * _NW * _RPT * _WPAD,), jnp.float32),
    mesh=plsc.VectorSubcoreMesh(
        core_axis_name="c", subcore_axis_name="s",
        num_cores=_NC, num_subcores=_NSUB),
    scratch_types=[
        pltpu.VMEM((_N, _LANES), jnp.int32),
        pltpu.VMEM((_N, _LANES), jnp.float32),
        pltpu.VMEM((4 * _CH,), jnp.float32),
        pltpu.SemaphoreType.DMA,
        pltpu.SemaphoreType.DMA,
    ],
)(_composite_body)


def kernel(data, images):
    bnds, coef = _prep(data, jnp.reshape(images, (_NCLS, 4)))
    tiles = _composite(bnds, coef).reshape(4, _NW * _RPT, _WPAD)
    return tiles[:, :_H, :_W]

# --- scband reference (transcript-rebuilt; emitter-appended) ---
"""Pipeline reference for scband-decoder-88141318848887 (READ-ONLY COPY).

The authoritative reference and input builder live on the scoring server;
editing this copy changes nothing except your own understanding.
"""

import jax, jax.numpy as jnp
import numpy as np

IMAGE_SHAPE = (4, 300, 300)
EMOJI_SHAPE = (4, 1, 1)
N_IMAGES = 64
N_SAMPLES = 256


def setup_inputs(seed: int = 0):
    key = jax.random.key(seed)
    data = jax.random.uniform(key, (N_SAMPLES, 5 + N_IMAGES), dtype=jnp.float32)
    images = jnp.ones((N_IMAGES,) + EMOJI_SHAPE, dtype=jnp.float32)
    return {"data": data, "images": images}


def _int_fields(data):
    _, H, W = IMAGE_SHAPE
    x = jnp.round(data[:, 0] * H).astype(jnp.int32)
    y = jnp.round(data[:, 1] * W).astype(jnp.int32)
    h = jnp.round(data[:, 2] * H).astype(jnp.int32)
    w = jnp.round(data[:, 3] * W).astype(jnp.int32)
    x1 = x - h // 2
    x2 = x + (h + 1) // 2
    y1 = y - w // 2
    y2 = y + (w + 1) // 2
    # replicate python slice semantics: negative start wraps by +H/+W, stop clipped
    xs = jnp.where(x1 < 0, jnp.maximum(x1 + H, 0), x1)
    xe = jnp.clip(x2, 0, H)
    ys = jnp.where(y1 < 0, jnp.maximum(y1 + W, 0), y1)
    ye = jnp.clip(y2, 0, W)
    cls = jnp.argmax(data[:, 5:], axis=1).astype(jnp.int32)
    order = jnp.argsort(data[:, 4]).astype(jnp.int32)
    return xs, xe, ys, ye, cls, order


def reference(data, images):
    _, H, W = IMAGE_SHAPE
    xs, xe, ys, ye, cls, order = _int_fields(data)
    rows = jnp.arange(H)[:, None]
    cols = jnp.arange(W)[None, :]
    image0 = jnp.ones(IMAGE_SHAPE, dtype=jnp.float32)

    def step(image, j):
        mask = (rows >= xs[j]) & (rows < xe[j]) & (cols >= ys[j]) & (cols < ye[j])
        emoji = images[cls[j]]
        c_new = emoji[:3, 0, 0][:, None, None]
        a_new = emoji[3, 0, 0]
        c_old = image[:3]
        a_old = image[3]
        a0 = a_new + a_old * (1.0 - a_new)
        c_comp = (c_new * a_new + c_old * a_old * (1.0 - a_new)) / a0
        new_c = jnp.where(mask[None, :, :], c_comp, c_old)
        new_a = jnp.where(mask, a0, a_old)
        return jnp.concatenate([new_c, new_a[None, :, :]], axis=0), None

    image, _ = jax.lax.scan(step, image0, order)
    return image

if __name__ == "__main__":
    import jax
    _d = setup_inputs()
    print(jax.jit(kernel)(*tuple(_d.values())))

</pallas_src>

<mosaic_0001>
#map = affine_map<(d0, d1) -> (0, 0)>
#map1 = affine_map<(d0, d1) -> (0)>
module attributes {stable_mosaic.version = 14 : i64} {
  func.func @_composite_body(%arg0: i32, %arg1: i32, %arg2: memref<256x16xi32, #tpu.memory_space<hbm>>, %arg3: memref<256x16xf32, #tpu.memory_space<hbm>>, %arg4: memref<389120xf32, #tpu.memory_space<hbm>>, %arg5: memref<256x16xi32, #tpu.memory_space<vmem>>, %arg6: memref<256x16xf32, #tpu.memory_space<vmem>>, %arg7: memref<12160xf32, #tpu.memory_space<vmem>>, %arg8: memref<!tpu.dma_semaphore, #tpu.memory_space<semaphore_mem>>, %arg9: memref<!tpu.dma_semaphore, #tpu.memory_space<semaphore_mem>>) attributes {dimension_semantics = [#tpu.dimension_semantics<core_parallel>, #tpu.dimension_semantics<subcore_parallel>], iteration_bounds = array<i64: 2, 16>, scalar_prefetch = 0 : i64, scratch_operands = 5 : i64, tpu.core_type = #tpu.core_type<sc_vector_subcore>, window_params = [{transform_indices = #map}, {transform_indices = #map}, {transform_indices = #map1}]} {
    %mul3A = arith.constant 2 : i32
    %mul3A_0 = arith.muli %arg1, %mul3A : i32
    %add3A = arith.addi %mul3A_0, %arg0 : i32
    tpu.enqueue_dma source(%arg2 : memref<256x16xi32, #tpu.memory_space<hbm>>) target(%arg5 : memref<256x16xi32, #tpu.memory_space<vmem>>) target_semaphore(%arg9 : memref<!tpu.dma_semaphore, #tpu.memory_space<semaphore_mem>>)
    tpu.enqueue_dma source(%arg3 : memref<256x16xf32, #tpu.memory_space<hbm>>) target(%arg6 : memref<256x16xf32, #tpu.memory_space<vmem>>) target_semaphore(%arg9 : memref<!tpu.dma_semaphore, #tpu.memory_space<semaphore_mem>>)
    %broadcast_in_dim3A = arith.constant 1.000000e+00 : f32
    %broadcast_in_dim3A_1 = vector.broadcast %broadcast_in_dim3A : f32 to vector<16xf32>
    %iota3A = tpu.iota {dimensions = array<i32: 0>} : vector<16xi32>
    %parallel_loop3A = arith.constant 0 : i32
    %parallel_loop3A_2 = arith.constant 760 : i32
    %parallel_loop3A_3 = arith.constant 1 : i32
    scf.for %parallel_loop3A_968 = %parallel_loop3A to %parallel_loop3A_2 step %parallel_loop3A_3  : i32 {
      %parallel_loop3A_969 = arith.constant 16 : i32
      %parallel_loop3A_970 = arith.muli %parallel_loop3A_968, %parallel_loop3A_969 : i32
      %parallel_loop3A_971 = arith.index_cast %parallel_loop3A_970 : i32 to index
      %parallel_loop3A_972 = tpu.vector_load %arg7[%parallel_loop3A_971] {strides = array<i32>} : memref<12160xf32, #tpu.memory_space<vmem>>, vector<16xf32>,
      %parallel_loop3A_973 = vector.shape_cast %parallel_loop3A_972 : vector<16xf32> to vector<16xf32>
      %parallel_loop3A_974 = vector.shape_cast %broadcast_in_dim3A_1 : vector<16xf32> to vector<16xf32>
      tpu.vector_store %arg7[%parallel_loop3A_971], %parallel_loop3A_974 {strides = array<i32>} : memref<12160xf32, #tpu.memory_space<vmem>>, vector<16xf32>,
    } {sc.loop_unroll_factor = 8 : i64, sc.parallel_access}
    %add3A_4 = arith.constant 960 : i32
    %add3A_5 = arith.addi %add3A_4, %add3A : i32
    %add3A_6 = arith.constant 0 : i32
    %add3A_7 = arith.addi %add3A_5, %add3A_6 : i32
    %mul3A_8 = arith.constant 304 : i32
    %mul3A_9 = arith.muli %add3A_7, %mul3A_8 : i32
    %dma_start3A = arith.constant 9120 : i32
    %dma_start3A_10 = tpu.memref_slice %arg7[%dma_start3A] : memref<12160xf32, #tpu.memory_space<vmem>> -> memref<304xf32, #tpu.memory_space<vmem>>
    %dma_start3A_11 = tpu.memref_slice %arg4[%mul3A_9] : memref<389120xf32, #tpu.memory_space<hbm>> -> memref<304xf32, #tpu.memory_space<hbm>>
    %dma_start3A_12 = tpu.memref_slice %arg4[%mul3A_9] : memref<389120xf32, #tpu.memory_space<hbm>> -> memref<304xf32, #tpu.memory_space<hbm>>
    %dma_start3A_13 = arith.constant 9120 : i32
    %dma_start3A_14 = tpu.memref_slice %arg7[%dma_start3A_13] : memref<12160xf32, #tpu.memory_space<vmem>> -> memref<304xf32, #tpu.memory_space<vmem>>
    tpu.enqueue_dma source(%dma_start3A_14 : memref<304xf32, #tpu.memory_space<vmem>>) target(%dma_start3A_12 : memref<304xf32, #tpu.memory_space<hbm>>) target_semaphore(%arg8 : memref<!tpu.dma_semaphore, #tpu.memory_space<semaphore_mem>>)
    %add3A_15 = arith.constant 960 : i32
    %add3A_16 = arith.addi %add3A_15, %add3A : i32
    %add3A_17 = arith.constant 32 : i32
    %add3A_18 = arith.addi %add3A_16, %add3A_17 : i32
    %mul3A_19 = arith.constant 304 : i32
    %mul3A_20 = arith.muli %add3A_18, %mul3A_19 : i32
    %dma_start3A_21 = arith.constant 9424 : i32
    %dma_start3A_22 = tpu.memref_slice %arg7[%dma_start3A_21] : memref<12160xf32, #tpu.memory_space<vmem>> -> memref<304xf32, #tpu.memory_space<vmem>>
    %dma_start3A_23 = tpu.memref_slice %arg4[%mul3A_20] : memref<389120xf32, #tpu.memory_space<hbm>> -> memref<304xf32, #tpu.memory_space<hbm>>
    %dma_start3A_24 = tpu.memref_slice %arg4[%mul3A_20] : memref<389120xf32, #tpu.memory_space<hbm>> -> memref<304xf32, #tpu.memory_space<hbm>>
    %dma_start3A_25 = arith.constant 9424 : i32
    %dma_start3A_26 = tpu.memref_slice %arg7[%dma_start3A_25] : memref<12160xf32, #tpu.memory_space<vmem>> -> memref<304xf32, #tpu.memory_space<vmem>>
    tpu.enqueue_dma source(%dma_start3A_26 : memref<304xf32, #tpu.memory_space<vmem>>) target(%dma_start3A_24 : memref<304xf32, #tpu.memory_space<hbm>>) target_semaphore(%arg8 : memref<!tpu.dma_semaphore, #tpu.memory_space<semaphore_mem>>)
    %add3A_27 = arith.constant 960 : i32
    %add3A_28 = arith.addi %add3A_27, %add3A : i32
    %add3A_29 = arith.constant 64 : i32
    %add3A_30 = arith.addi %add3A_28, %add3A_29 : i32
    %mul3A_31 = arith.constant 304 : i32
    %mul3A_32 = arith.muli %add3A_30, %mul3A_31 : i32
    %dma_start3A_33 = arith.constant 9728 : i32
    %dma_start3A_34 = tpu.memref_slice %arg7[%dma_start3A_33] : memref<12160xf32, #tpu.memory_space<vmem>> -> memref<304xf32, #tpu.memory_space<vmem>>
    %dma_start3A_35 = tpu.memref_slice %arg4[%mul3A_32] : memref<389120xf32, #tpu.memory_space<hbm>> -> memref<304xf32, #tpu.memory_space<hbm>>
    %dma_start3A_36 = tpu.memref_slice %arg4[%mul3A_32] : memref<389120xf32, #tpu.memory_space<hbm>> -> memref<304xf32, #tpu.memory_space<hbm>>
    %dma_start3A_37 = arith.constant 9728 : i32
    %dma_start3A_38 = tpu.memref_slice %arg7[%dma_start3A_37] : memref<12160xf32, #tpu.memory_space<vmem>> -> memref<304xf32, #tpu.memory_space<vmem>>
    tpu.enqueue_dma source(%dma_start3A_38 : memref<304xf32, #tpu.memory_space<vmem>>) target(%dma_start3A_36 : memref<304xf32, #tpu.memory_space<hbm>>) target_semaphore(%arg8 : memref<!tpu.dma_semaphore, #tpu.memory_space<semaphore_mem>>)
    %add3A_39 = arith.constant 960 : i32
    %add3A_40 = arith.addi %add3A_39, %add3A : i32
    %add3A_41 = arith.constant 96 : i32
    %add3A_42 = arith.addi %add3A_40, %add3A_41 : i32
    %mul3A_43 = arith.constant 304 : i32
    %mul3A_44 = arith.muli %add3A_42, %mul3A_43 : i32
    %dma_start3A_45 = arith.constant 10032 : i32
    %dma_start3A_46 = tpu.memref_slice %arg7[%dma_start3A_45] : memref<12160xf32, #tpu.memory_space<vmem>> -> memref<304xf32, #tpu.memory_space<vmem>>
    %dma_start3A_47 = tpu.memref_slice %arg4[%mul3A_44] : memref<389120xf32, #tpu.memory_space<hbm>> -> memref<304xf32, #tpu.memory_space<hbm>>
    %dma_start3A_48 = tpu.memref_slice %arg4[%mul3A_44] : memref<389120xf32, #tpu.memory_space<hbm>> -> memref<304xf32, #tpu.memory_space<hbm>>
    %dma_start3A_49 = arith.constant 10032 : i32
    %dma_start3A_50 = tpu.memref_slice %arg7[%dma_start3A_49] : memref<12160xf32, #tpu.memory_space<vmem>> -> memref<304xf32, #tpu.memory_space<vmem>>
    tpu.enqueue_dma source(%dma_start3A_50 : memref<304xf32, #tpu.memory_space<vmem>>) target(%dma_start3A_48 : memref<304xf32, #tpu.memory_space<hbm>>) target_semaphore(%arg8 : memref<!tpu.dma_semaphore, #tpu.memory_space<semaphore_mem>>)
    %add3A_51 = arith.constant 960 : i32
    %add3A_52 = arith.addi %add3A_51, %add3A : i32
    %add3A_53 = arith.constant 128 : i32
    %add3A_54 = arith.addi %add3A_52, %add3A_53 : i32
    %mul3A_55 = arith.constant 304 : i32
    %mul3A_56 = arith.muli %add3A_54, %mul3A_55 : i32
    %dma_start3A_57 = arith.constant 10336 : i32
    %dma_start3A_58 = tpu.memref_slice %arg7[%dma_start3A_57] : memref<12160xf32, #tpu.memory_space<vmem>> -> memref<304xf32, #tpu.memory_space<vmem>>
    %dma_start3A_59 = tpu.memref_slice %arg4[%mul3A_56] : memref<389120xf32, #tpu.memory_space<hbm>> -> memref<304xf32, #tpu.memory_space<hbm>>
    %dma_start3A_60 = tpu.memref_slice %arg4[%mul3A_56] : memref<389120xf32, #tpu.memory_space<hbm>> -> memref<304xf32, #tpu.memory_space<hbm>>
    %dma_start3A_61 = arith.constant 10336 : i32
    %dma_start3A_62 = tpu.memref_slice %arg7[%dma_start3A_61] : memref<12160xf32, #tpu.memory_space<vmem>> -> memref<304xf32, #tpu.memory_space<vmem>>
    tpu.enqueue_dma source(%dma_start3A_62 : memref<304xf32, #tpu.memory_space<vmem>>) target(%dma_start3A_60 : memref<304xf32, #tpu.memory_space<hbm>>) target_semaphore(%arg8 : memref<!tpu.dma_semaphore, #tpu.memory_space<semaphore_mem>>)
    %add3A_63 = arith.constant 960 : i32
    %add3A_64 = arith.addi %add3A_63, %add3A : i32
    %add3A_65 = arith.constant 160 : i32
    %add3A_66 = arith.addi %add3A_64, %add3A_65 : i32
    %mul3A_67 = arith.constant 304 : i32
    %mul3A_68 = arith.muli %add3A_66, %mul3A_67 : i32
    %dma_start3A_69 = arith.constant 10640 : i32
    %dma_start3A_70 = tpu.memref_slice %arg7[%dma_start3A_69] : memref<12160xf32, #tpu.memory_space<vmem>> -> memref<304xf32, #tpu.memory_space<vmem>>
    %dma_start3A_71 = tpu.memref_slice %arg4[%mul3A_68] : memref<389120xf32, #tpu.memory_space<hbm>> -> memref<304xf32, #tpu.memory_space<hbm>>
    %dma_start3A_72 = tpu.memref_slice %arg4[%mul3A_68] : memref<389120xf32, #tpu.memory_space<hbm>> -> memref<304xf32, #tpu.memory_space<hbm>>
    %dma_start3A_73 = arith.constant 10640 : i32
    %dma_start3A_74 = tpu.memref_slice %arg7[%dma_start3A_73] : memref<12160xf32, #tpu.memory_space<vmem>> -> memref<304xf32, #tpu.memory_space<vmem>>
    tpu.enqueue_dma source(%dma_start3A_74 : memref<304xf32, #tpu.memory_space<vmem>>) target(%dma_start3A_72 : memref<304xf32, #tpu.memory_space<hbm>>) target_semaphore(%arg8 : memref<!tpu.dma_semaphore, #tpu.memory_space<semaphore_mem>>)
    %add3A_75 = arith.constant 960 : i32
    %add3A_76 = arith.addi %add3A_75, %add3A : i32
    %add3A_77 = arith.constant 192 : i32
    %add3A_78 = arith.addi %add3A_76, %add3A_77 : i32
    %mul3A_79 = arith.constant 304 : i32
    %mul3A_80 = arith.muli %add3A_78, %mul3A_79 : i32
    %dma_start3A_81 = arith.constant 10944 : i32
    %dma_start3A_82 = tpu.memref_slice %arg7[%dma_start3A_81] : memref<12160xf32, #tpu.memory_space<vmem>> -> memref<304xf32, #tpu.memory_space<vmem>>
    %dma_start3A_83 = tpu.memref_slice %arg4[%mul3A_80] : memref<389120xf32, #tpu.memory_space<hbm>> -> memref<304xf32, #tpu.memory_space<hbm>>
    %dma_start3A_84 = tpu.memref_slice %arg4[%mul3A_80] : memref<389120xf32, #tpu.memory_space<hbm>> -> memref<304xf32, #tpu.memory_space<hbm>>
    %dma_start3A_85 = arith.constant 10944 : i32
    %dma_start3A_86 = tpu.memref_slice %arg7[%dma_start3A_85] : memref<12160xf32, #tpu.memory_space<vmem>> -> memref<304xf32, #tpu.memory_space<vmem>>
    tpu.enqueue_dma source(%dma_start3A_86 : memref<304xf32, #tpu.memory_space<vmem>>) target(%dma_start3A_84 : memref<304xf32, #tpu.memory_space<hbm>>) target_semaphore(%arg8 : memref<!tpu.dma_semaphore, #tpu.memory_space<semaphore_mem>>)
    %add3A_87 = arith.constant 960 : i32
    %add3A_88 = arith.addi %add3A_87, %add3A : i32
    %add3A_89 = arith.constant 224 : i32
    %add3A_90 = arith.addi %add3A_88, %add3A_89 : i32
    %mul3A_91 = arith.constant 304 : i32
    %mul3A_92 = arith.muli %add3A_90, %mul3A_91 : i32
    %dma_start3A_93 = arith.constant 11248 : i32
    %dma_start3A_94 = tpu.memref_slice %arg7[%dma_start3A_93] : memref<12160xf32, #tpu.memory_space<vmem>> -> memref<304xf32, #tpu.memory_space<vmem>>
    %dma_start3A_95 = tpu.memref_slice %arg4[%mul3A_92] : memref<389120xf32, #tpu.memory_space<hbm>> -> memref<304xf32, #tpu.memory_space<hbm>>
    %dma_start3A_96 = tpu.memref_slice %arg4[%mul3A_92] : memref<389120xf32, #tpu.memory_space<hbm>> -> memref<304xf32, #tpu.memory_space<hbm>>
    %dma_start3A_97 = arith.constant 11248 : i32
    %dma_start3A_98 = tpu.memref_slice %arg7[%dma_start3A_97] : memref<12160xf32, #tpu.memory_space<vmem>> -> memref<304xf32, #tpu.memory_space<vmem>>
    tpu.enqueue_dma source(%dma_start3A_98 : memref<304xf32, #tpu.memory_space<vmem>>) target(%dma_start3A_96 : memref<304xf32, #tpu.memory_space<hbm>>) target_semaphore(%arg8 : memref<!tpu.dma_semaphore, #tpu.memory_space<semaphore_mem>>)
    %add3A_99 = arith.constant 960 : i32
    %add3A_100 = arith.addi %add3A_99, %add3A : i32
    %add3A_101 = arith.constant 256 : i32
    %add3A_102 = arith.addi %add3A_100, %add3A_101 : i32
    %mul3A_103 = arith.constant 304 : i32
    %mul3A_104 = arith.muli %add3A_102, %mul3A_103 : i32
    %dma_start3A_105 = arith.constant 11552 : i32
    %dma_start3A_106 = tpu.memref_slice %arg7[%dma_start3A_105] : memref<12160xf32, #tpu.memory_space<vmem>> -> memref<304xf32, #tpu.memory_space<vmem>>
    %dma_start3A_107 = tpu.memref_slice %arg4[%mul3A_104] : memref<389120xf32, #tpu.memory_space<hbm>> -> memref<304xf32, #tpu.memory_space<hbm>>
    %dma_start3A_108 = tpu.memref_slice %arg4[%mul3A_104] : memref<389120xf32, #tpu.memory_space<hbm>> -> memref<304xf32, #tpu.memory_space<hbm>>
    %dma_start3A_109 = arith.constant 11552 : i32
    %dma_start3A_110 = tpu.memref_slice %arg7[%dma_start3A_109] : memref<12160xf32, #tpu.memory_space<vmem>> -> memref<304xf32, #tpu.memory_space<vmem>>
    tpu.enqueue_dma source(%dma_start3A_110 : memref<304xf32, #tpu.memory_space<vmem>>) target(%dma_start3A_108 : memref<304xf32, #tpu.memory_space<hbm>>) target_semaphore(%arg8 : memref<!tpu.dma_semaphore, #tpu.memory_space<semaphore_mem>>)
    %add3A_111 = arith.constant 960 : i32
    %add3A_112 = arith.addi %add3A_111, %add3A : i32
    %add3A_113 = arith.constant 288 : i32
    %add3A_114 = arith.addi %add3A_112, %add3A_113 : i32
    %mul3A_115 = arith.constant 304 : i32
    %mul3A_116 = arith.muli %add3A_114, %mul3A_115 : i32
    %dma_start3A_117 = arith.constant 11856 : i32
    %dma_start3A_118 = tpu.memref_slice %arg7[%dma_start3A_117] : memref<12160xf32, #tpu.memory_space<vmem>> -> memref<304xf32, #tpu.memory_space<vmem>>
    %dma_start3A_119 = tpu.memref_slice %arg4[%mul3A_116] : memref<389120xf32, #tpu.memory_space<hbm>> -> memref<304xf32, #tpu.memory_space<hbm>>
    %dma_start3A_120 = tpu.memref_slice %arg4[%mul3A_116] : memref<389120xf32, #tpu.memory_space<hbm>> -> memref<304xf32, #tpu.memory_space<hbm>>
    %dma_start3A_121 = arith.constant 11856 : i32
    %dma_start3A_122 = tpu.memref_slice %arg7[%dma_start3A_121] : memref<12160xf32, #tpu.memory_space<vmem>> -> memref<304xf32, #tpu.memory_space<vmem>>
    tpu.enqueue_dma source(%dma_start3A_122 : memref<304xf32, #tpu.memory_space<vmem>>) target(%dma_start3A_120 : memref<304xf32, #tpu.memory_space<hbm>>) target_semaphore(%arg8 : memref<!tpu.dma_semaphore, #tpu.memory_space<semaphore_mem>>)
    tpu.wait_dma2 semaphore(%arg9 : memref<!tpu.dma_semaphore, #tpu.memory_space<semaphore_mem>>) src(%arg2 : memref<256x16xi32, #tpu.memory_space<hbm>>) dst(%arg5 : memref<256x16xi32, #tpu.memory_space<vmem>>)
    tpu.wait_dma2 semaphore(%arg9 : memref<!tpu.dma_semaphore, #tpu.memory_space<semaphore_mem>>) src(%arg3 : memref<256x16xf32, #tpu.memory_space<hbm>>) dst(%arg6 : memref<256x16xf32, #tpu.memory_space<vmem>>)
    %scan3A = arith.constant 0 : i32
    %scan3A_123 = arith.constant 0 : i32
    %scan3A_124 = arith.constant 256 : i32
    %scan3A_125 = arith.addi %scan3A_123, %scan3A_124 : i32
    %scan3A_126 = arith.constant 1 : i32
    %scan3A_127 = scf.for %scan3A_968 = %scan3A_123 to %scan3A_125 step %scan3A_126 iter_args(%scan3A_969 = %scan3A) -> (i32)  : i32 {
      %get3A = arith.index_cast %scan3A_968 : i32 to index
      %get3A_970 = arith.constant 0 : index
      %get3A_971 = tpu.vector_load %arg5[%get3A, %get3A_970] {strides = array<i32>} : memref<256x16xi32, #tpu.memory_space<vmem>>, vector<1x16xi32>,
      %get3A_972 = vector.shape_cast %get3A_971 : vector<1x16xi32> to vector<16xi32>
      %slice3A = vector.extract_strided_slice %get3A_972 {offsets = [0], sizes = [1], strides = [1]} : vector<16xi32> to vector<1xi32>
      %squeeze3A = vector.extract %slice3A[0] : i32 from vector<1xi32>
      %slice3A_973 = vector.extract_strided_slice %get3A_972 {offsets = [1], sizes = [1], strides = [1]} : vector<16xi32> to vector<1xi32>
      %squeeze3A_974 = vector.extract %slice3A_973[0] : i32 from vector<1xi32>
      %slice3A_975 = vector.extract_strided_slice %get3A_972 {offsets = [2], sizes = [1], strides = [1]} : vector<16xi32> to vector<1xi32>
      %squeeze3A_976 = vector.extract %slice3A_975[0] : i32 from vector<1xi32>
      %slice3A_977 = vector.extract_strided_slice %get3A_972 {offsets = [3], sizes = [1], strides = [1]} : vector<16xi32> to vector<1xi32>
      %squeeze3A_978 = vector.extract %slice3A_977[0] : i32 from vector<1xi32>
      %sub3A = arith.subi %squeeze3A, %add3A : i32
      %add3A_979 = arith.constant 31 : i32
      %add3A_980 = arith.addi %sub3A, %add3A_979 : i32
      %shift_right_arithmetic3A = arith.constant 5 : i32
      %shift_right_arithmetic3A_981 = arith.shrsi %add3A_980, %shift_right_arithmetic3A : i32
      %max3A = arith.constant 0 : i32
      %max3A_982 = arith.maxsi %shift_right_arithmetic3A_981, %max3A : i32
      %sub3A_983 = arith.subi %squeeze3A_974, %add3A : i32
      %add3A_984 = arith.constant 31 : i32
      %add3A_985 = arith.addi %sub3A_983, %add3A_984 : i32
      %shift_right_arithmetic3A_986 = arith.constant 5 : i32
      %shift_right_arithmetic3A_987 = arith.shrsi %add3A_985, %shift_right_arithmetic3A_986 : i32
      %min3A = arith.constant 10 : i32
      %min3A_988 = arith.minsi %shift_right_arithmetic3A_987, %min3A : i32
      %shift_right_arithmetic3A_989 = arith.constant 4 : i32
      %shift_right_arithmetic3A_990 = arith.shrsi %squeeze3A_976, %shift_right_arithmetic3A_989 : i32
      %sub3A_991 = arith.constant 1 : i32
      %sub3A_992 = arith.subi %squeeze3A_978, %sub3A_991 : i32
      %shift_right_arithmetic3A_993 = arith.constant 4 : i32
      %shift_right_arithmetic3A_994 = arith.shrsi %sub3A_992, %shift_right_arithmetic3A_993 : i32
      %lt3A = arith.cmpi slt, %max3A_982, %min3A_988 : i32
      %lt3A_995 = arith.cmpi slt, %squeeze3A_976, %squeeze3A_978 : i32
      %and3A = arith.andi %lt3A, %lt3A_995 : i1
      %convert_element_type3A = arith.extui %and3A : i1 to i32
      %cond3A = arith.constant 0 : i32
      %cond3A_996 = arith.cmpi ne, %convert_element_type3A, %cond3A : i32
      scf.if %cond3A_996 {
        %get3A_998 = arith.index_cast %scan3A_968 : i32 to index
        %get3A_999 = arith.constant 0 : index
        %get3A_1000 = tpu.vector_load %arg6[%get3A_998, %get3A_999] {strides = array<i32>} : memref<256x16xf32, #tpu.memory_space<vmem>>, vector<1x16xf32>,
        %get3A_1001 = vector.shape_cast %get3A_1000 : vector<1x16xf32> to vector<16xf32>
        %slice3A_1002 = vector.extract_strided_slice %get3A_1001 {offsets = [3], sizes = [1], strides = [1]} : vector<16xf32> to vector<1xf32>
        %squeeze3A_1003 = vector.extract %slice3A_1002[0] : f32 from vector<1xf32>
        %broadcast_in_dim3A_1004 = vector.broadcast %squeeze3A_1003 : f32 to vector<16xf32>
        %slice3A_1005 = vector.extract_strided_slice %get3A_1001 {offsets = [0], sizes = [1], strides = [1]} : vector<16xf32> to vector<1xf32>
        %squeeze3A_1006 = vector.extract %slice3A_1005[0] : f32 from vector<1xf32>
        %broadcast_in_dim3A_1007 = vector.broadcast %squeeze3A_1006 : f32 to vector<16xf32>
        %slice3A_1008 = vector.extract_strided_slice %get3A_1001 {offsets = [1], sizes = [1], strides = [1]} : vector<16xf32> to vector<1xf32>
        %squeeze3A_1009 = vector.extract %slice3A_1008[0] : f32 from vector<1xf32>
        %broadcast_in_dim3A_1010 = vector.broadcast %squeeze3A_1009 : f32 to vector<16xf32>
        %slice3A_1011 = vector.extract_strided_slice %get3A_1001 {offsets = [2], sizes = [1], strides = [1]} : vector<16xf32> to vector<1xf32>
        %squeeze3A_1012 = vector.extract %slice3A_1011[0] : f32 from vector<1xf32>
        %broadcast_in_dim3A_1013 = vector.broadcast %squeeze3A_1012 : f32 to vector<16xf32>
        %slice3A_1014 = vector.extract_strided_slice %get3A_1001 {offsets = [3], sizes = [1], strides = [1]} : vector<16xf32> to vector<1xf32>
        %squeeze3A_1015 = vector.extract %slice3A_1014[0] : f32 from vector<1xf32>
        %eq3A = arith.constant 0.000000e+00 : f32
        %eq3A_1016 = arith.cmpf oeq, %squeeze3A_1015, %eq3A : f32
        %convert_element_type3A_1017 = arith.extui %eq3A_1016 : i1 to i32
        %cond3A_1018 = arith.constant 0 : i32
        %cond3A_1019 = arith.cmpi ne, %convert_element_type3A_1017, %cond3A_1018 : i32
        scf.if %cond3A_1019 {
          %mul3A_1024 = arith.constant 16 : i32
          %mul3A_1025 = arith.muli %shift_right_arithmetic3A_990, %mul3A_1024 : i32
          %add3A_1026 = vector.broadcast %mul3A_1025 : i32 to vector<16xi32>
          %add3A_1027 = arith.addi %iota3A, %add3A_1026 : vector<16xi32>
          %ge3A = vector.broadcast %squeeze3A_976 : i32 to vector<16xi32>
          %ge3A_1028 = arith.cmpi sge, %add3A_1027, %ge3A : vector<16xi32>
          %lt3A_1029 = vector.broadcast %squeeze3A_978 : i32 to vector<16xi32>
          %lt3A_1030 = arith.cmpi slt, %add3A_1027, %lt3A_1029 : vector<16xi32>
          %and3A_1031 = arith.andi %ge3A_1028, %lt3A_1030 : vector<16xi1>
          %eq3A_1032 = arith.cmpi eq, %shift_right_arithmetic3A_994, %shift_right_arithmetic3A_990 : i32
          %convert_element_type3A_1033 = arith.extui %eq3A_1032 : i1 to i32
          %cond3A_1034 = arith.constant 0 : i32
          %cond3A_1035 = arith.cmpi ne, %convert_element_type3A_1033, %cond3A_1034 : i32
          scf.if %cond3A_1035 {
            %mul3A_1039 = arith.constant 16 : i32
            %mul3A_1040 = arith.muli %shift_right_arithmetic3A_990, %mul3A_1039 : i32
            %parallel_loop3A_1041 = arith.constant 1 : i32
            scf.for %parallel_loop3A_1042 = %max3A_982 to %min3A_988 step %parallel_loop3A_1041  : i32 {
              %parallel_loop3A_1043 = arith.constant 304 : i32
              %parallel_loop3A_1044 = arith.muli %parallel_loop3A_1042, %parallel_loop3A_1043 : i32
              %parallel_loop3A_1045 = arith.addi %mul3A_1040, %parallel_loop3A_1044 : i32
              %parallel_loop3A_1046 = arith.constant 0 : i32
              %parallel_loop3A_1047 = arith.addi %parallel_loop3A_1045, %parallel_loop3A_1046 : i32
              %parallel_loop3A_1048 = arith.index_cast %parallel_loop3A_1047 : i32 to index
              %parallel_loop3A_1049 = tpu.vector_load %arg7[%parallel_loop3A_1048] {strides = array<i32>} : memref<12160xf32, #tpu.memory_space<vmem>>, vector<16xf32>,
              %parallel_loop3A_1050 = vector.shape_cast %parallel_loop3A_1049 : vector<16xf32> to vector<16xf32>
              %parallel_loop3A_1051 = arith.select %and3A_1031, %broadcast_in_dim3A_1007, %parallel_loop3A_1050 : vector<16xi1>, vector<16xf32>
              %parallel_loop3A_1052 = arith.index_cast %parallel_loop3A_1047 : i32 to index
              %parallel_loop3A_1053 = tpu.vector_load %arg7[%parallel_loop3A_1052] {strides = array<i32>} : memref<12160xf32, #tpu.memory_space<vmem>>, vector<16xf32>,
              %parallel_loop3A_1054 = vector.shape_cast %parallel_loop3A_1053 : vector<16xf32> to vector<16xf32>
              %parallel_loop3A_1055 = vector.shape_cast %parallel_loop3A_1051 : vector<16xf32> to vector<16xf32>
              tpu.vector_store %arg7[%parallel_loop3A_1052], %parallel_loop3A_1055 {strides = array<i32>} : memref<12160xf32, #tpu.memory_space<vmem>>, vector<16xf32>,
              %parallel_loop3A_1056 = arith.constant 3040 : i32
              %parallel_loop3A_1057 = arith.addi %parallel_loop3A_1045, %parallel_loop3A_1056 : i32
              %parallel_loop3A_1058 = arith.index_cast %parallel_loop3A_1057 : i32 to index
              %parallel_loop3A_1059 = tpu.vector_load %arg7[%parallel_loop3A_1058] {strides = array<i32>} : memref<12160xf32, #tpu.memory_space<vmem>>, vector<16xf32>,
              %parallel_loop3A_1060 = vector.shape_cast %parallel_loop3A_1059 : vector<16xf32> to vector<16xf32>
              %parallel_loop3A_1061 = arith.select %and3A_1031, %broadcast_in_dim3A_1010, %parallel_loop3A_1060 : vector<16xi1>, vector<16xf32>
              %parallel_loop3A_1062 = arith.index_cast %parallel_loop3A_1057 : i32 to index
              %parallel_loop3A_1063 = tpu.vector_load %arg7[%parallel_loop3A_1062] {strides = array<i32>} : memref<12160xf32, #tpu.memory_space<vmem>>, vector<16xf32>,
              %parallel_loop3A_1064 = vector.shape_cast %parallel_loop3A_1063 : vector<16xf32> to vector<16xf32>
              %parallel_loop3A_1065 = vector.shape_cast %parallel_loop3A_1061 : vector<16xf32> to vector<16xf32>
              tpu.vector_store %arg7[%parallel_loop3A_1062], %parallel_loop3A_1065 {strides = array<i32>} : memref<12160xf32, #tpu.memory_space<vmem>>, vector<16xf32>,
              %parallel_loop3A_1066 = arith.constant 6080 : i32
              %parallel_loop3A_1067 = arith.addi %parallel_loop3A_1045, %parallel_loop3A_1066 : i32
              %parallel_loop3A_1068 = arith.index_cast %parallel_loop3A_1067 : i32 to index
              %parallel_loop3A_1069 = tpu.vector_load %arg7[%parallel_loop3A_1068] {strides = array<i32>} : memref<12160xf32, #tpu.memory_space<vmem>>, vector<16xf32>,
              %parallel_loop3A_1070 = vector.shape_cast %parallel_loop3A_1069 : vector<16xf32> to vector<16xf32>
              %parallel_loop3A_1071 = arith.select %and3A_1031, %broadcast_in_dim3A_1013, %parallel_loop3A_1070 : vector<16xi1>, vector<16xf32>
              %parallel_loop3A_1072 = arith.index_cast %parallel_loop3A_1067 : i32 to index
              %parallel_loop3A_1073 = tpu.vector_load %arg7[%parallel_loop3A_1072] {strides = array<i32>} : memref<12160xf32, #tpu.memory_space<vmem>>, vector<16xf32>,
              %parallel_loop3A_1074 = vector.shape_cast %parallel_loop3A_1073 : vector<16xf32> to vector<16xf32>
              %parallel_loop3A_1075 = vector.shape_cast %parallel_loop3A_1071 : vector<16xf32> to vector<16xf32>
              tpu.vector_store %arg7[%parallel_loop3A_1072], %parallel_loop3A_1075 {strides = array<i32>} : memref<12160xf32, #tpu.memory_space<vmem>>, vector<16xf32>,
            } {sc.loop_unroll_factor = 2 : i64, sc.parallel_access}
          } else {
          }
          %gt3A = arith.cmpi sgt, %shift_right_arithmetic3A_994, %shift_right_arithmetic3A_990 : i32
          %convert_element_type3A_1036 = arith.extui %gt3A : i1 to i32
          %cond3A_1037 = arith.constant 0 : i32
          %cond3A_1038 = arith.cmpi ne, %convert_element_type3A_1036, %cond3A_1037 : i32
          scf.if %cond3A_1038 {
            %mul3A_1039 = arith.constant 16 : i32
            %mul3A_1040 = arith.muli %shift_right_arithmetic3A_994, %mul3A_1039 : i32
            %add3A_1041 = vector.broadcast %mul3A_1040 : i32 to vector<16xi32>
            %add3A_1042 = arith.addi %iota3A, %add3A_1041 : vector<16xi32>
            %lt3A_1043 = vector.broadcast %squeeze3A_978 : i32 to vector<16xi32>
            %lt3A_1044 = arith.cmpi slt, %add3A_1042, %lt3A_1043 : vector<16xi32>
            %mul3A_1045 = arith.constant 16 : i32
            %mul3A_1046 = arith.muli %shift_right_arithmetic3A_990, %mul3A_1045 : i32
            %mul3A_1047 = arith.constant 16 : i32
            %mul3A_1048 = arith.muli %shift_right_arithmetic3A_994, %mul3A_1047 : i32
            %parallel_loop3A_1049 = arith.constant 1 : i32
            scf.for %parallel_loop3A_1050 = %max3A_982 to %min3A_988 step %parallel_loop3A_1049  : i32 {
              %parallel_loop3A_1051 = arith.constant 304 : i32
              %parallel_loop3A_1052 = arith.muli %parallel_loop3A_1050, %parallel_loop3A_1051 : i32
              %parallel_loop3A_1053 = arith.addi %parallel_loop3A_1052, %mul3A_1046 : i32
              %parallel_loop3A_1054 = arith.constant 0 : i32
              %parallel_loop3A_1055 = arith.addi %parallel_loop3A_1053, %parallel_loop3A_1054 : i32
              %parallel_loop3A_1056 = arith.index_cast %parallel_loop3A_1055 : i32 to index
              %parallel_loop3A_1057 = tpu.vector_load %arg7[%parallel_loop3A_1056] {strides = array<i32>} : memref<12160xf32, #tpu.memory_space<vmem>>, vector<16xf32>,
              %parallel_loop3A_1058 = vector.shape_cast %parallel_loop3A_1057 : vector<16xf32> to vector<16xf32>
              %parallel_loop3A_1059 = arith.select %and3A_1031, %broadcast_in_dim3A_1007, %parallel_loop3A_1058 : vector<16xi1>, vector<16xf32>
              %parallel_loop3A_1060 = arith.index_cast %parallel_loop3A_1055 : i32 to index
              %parallel_loop3A_1061 = tpu.vector_load %arg7[%parallel_loop3A_1060] {strides = array<i32>} : memref<12160xf32, #tpu.memory_space<vmem>>, vector<16xf32>,
              %parallel_loop3A_1062 = vector.shape_cast %parallel_loop3A_1061 : vector<16xf32> to vector<16xf32>
              %parallel_loop3A_1063 = vector.shape_cast %parallel_loop3A_1059 : vector<16xf32> to vector<16xf32>
              tpu.vector_store %arg7[%parallel_loop3A_1060], %parallel_loop3A_1063 {strides = array<i32>} : memref<12160xf32, #tpu.memory_space<vmem>>, vector<16xf32>,
              %parallel_loop3A_1064 = arith.addi %parallel_loop3A_1052, %mul3A_1046 : i32
              %parallel_loop3A_1065 = arith.constant 3040 : i32
              %parallel_loop3A_1066 = arith.addi %parallel_loop3A_1064, %parallel_loop3A_1065 : i32
              %parallel_loop3A_1067 = arith.index_cast %parallel_loop3A_1066 : i32 to index
              %parallel_loop3A_1068 = tpu.vector_load %arg7[%parallel_loop3A_1067] {strides = array<i32>} : memref<12160xf32, #tpu.memory_space<vmem>>, vector<16xf32>,
              %parallel_loop3A_1069 = vector.shape_cast %parallel_loop3A_1068 : vector<16xf32> to vector<16xf32>
              %parallel_loop3A_1070 = arith.select %and3A_1031, %broadcast_in_dim3A_1010, %parallel_loop3A_1069 : vector<16xi1>, vector<16xf32>
              %parallel_loop3A_1071 = arith.index_cast %parallel_loop3A_1066 : i32 to index
              %parallel_loop3A_1072 = tpu.vector_load %arg7[%parallel_loop3A_1071] {strides = array<i32>} : memref<12160xf32, #tpu.memory_space<vmem>>, vector<16xf32>,
              %parallel_loop3A_1073 = vector.shape_cast %parallel_loop3A_1072 : vector<16xf32> to vector<16xf32>
              %parallel_loop3A_1074 = vector.shape_cast %parallel_loop3A_1070 : vector<16xf32> to vector<16xf32>
              tpu.vector_store %arg7[%parallel_loop3A_1071], %parallel_loop3A_1074 {strides = array<i32>} : memref<12160xf32, #tpu.memory_space<vmem>>, vector<16xf32>,
              %parallel_loop3A_1075 = arith.addi %parallel_loop3A_1052, %mul3A_1046 : i32
              %parallel_loop3A_1076 = arith.constant 6080 : i32
              %parallel_loop3A_1077 = arith.addi %parallel_loop3A_1075, %parallel_loop3A_1076 : i32
              %parallel_loop3A_1078 = arith.index_cast %parallel_loop3A_1077 : i32 to index
              %parallel_loop3A_1079 = tpu.vector_load %arg7[%parallel_loop3A_1078] {strides = array<i32>} : memref<12160xf32, #tpu.memory_space<vmem>>, vector<16xf32>,
              %parallel_loop3A_1080 = vector.shape_cast %parallel_loop3A_1079 : vector<16xf32> to vector<16xf32>
              %parallel_loop3A_1081 = arith.select %and3A_1031, %broadcast_in_dim3A_1013, %parallel_loop3A_1080 : vector<16xi1>, vector<16xf32>
              %parallel_loop3A_1082 = arith.index_cast %parallel_loop3A_1077 : i32 to index
              %parallel_loop3A_1083 = tpu.vector_load %arg7[%parallel_loop3A_1082] {strides = array<i32>} : memref<12160xf32, #tpu.memory_space<vmem>>, vector<16xf32>,
              %parallel_loop3A_1084 = vector.shape_cast %parallel_loop3A_1083 : vector<16xf32> to vector<16xf32>
              %parallel_loop3A_1085 = vector.shape_cast %parallel_loop3A_1081 : vector<16xf32> to vector<16xf32>
              tpu.vector_store %arg7[%parallel_loop3A_1082], %parallel_loop3A_1085 {strides = array<i32>} : memref<12160xf32, #tpu.memory_space<vmem>>, vector<16xf32>,
              %parallel_loop3A_1086 = arith.constant 1 : i32
              %parallel_loop3A_1087 = arith.addi %shift_right_arithmetic3A_990, %parallel_loop3A_1086 : i32
              %parallel_loop3A_1088 = arith.constant 1 : i32
              scf.for %parallel_loop3A_1122 = %parallel_loop3A_1087 to %shift_right_arithmetic3A_994 step %parallel_loop3A_1088  : i32 {
                %parallel_loop3A_1123 = arith.constant 16 : i32
                %parallel_loop3A_1124 = arith.muli %parallel_loop3A_1122, %parallel_loop3A_1123 : i32
                %parallel_loop3A_1125 = arith.addi %parallel_loop3A_1052, %parallel_loop3A_1124 : i32
                %parallel_loop3A_1126 = arith.constant 0 : i32
                %parallel_loop3A_1127 = arith.addi %parallel_loop3A_1125, %parallel_loop3A_1126 : i32
                %parallel_loop3A_1128 = arith.index_cast %parallel_loop3A_1127 : i32 to index
                %parallel_loop3A_1129 = tpu.vector_load %arg7[%parallel_loop3A_1128] {strides = array<i32>} : memref<12160xf32, #tpu.memory_space<vmem>>, vector<16xf32>,
                %parallel_loop3A_1130 = vector.shape_cast %parallel_loop3A_1129 : vector<16xf32> to vector<16xf32>
                %parallel_loop3A_1131 = vector.shape_cast %broadcast_in_dim3A_1007 : vector<16xf32> to vector<16xf32>
                tpu.vector_store %arg7[%parallel_loop3A_1128], %parallel_loop3A_1131 {strides = array<i32>} : memref<12160xf32, #tpu.memory_space<vmem>>, vector<16xf32>,
                %parallel_loop3A_1132 = arith.constant 3040 : i32
                %parallel_loop3A_1133 = arith.addi %parallel_loop3A_1125, %parallel_loop3A_1132 : i32
                %parallel_loop3A_1134 = arith.index_cast %parallel_loop3A_1133 : i32 to index
                %parallel_loop3A_1135 = tpu.vector_load %arg7[%parallel_loop3A_1134] {strides = array<i32>} : memref<12160xf32, #tpu.memory_space<vmem>>, vector<16xf32>,
                %parallel_loop3A_1136 = vector.shape_cast %parallel_loop3A_1135 : vector<16xf32> to vector<16xf32>
                %parallel_loop3A_1137 = vector.shape_cast %broadcast_in_dim3A_1010 : vector<16xf32> to vector<16xf32>
                tpu.vector_store %arg7[%parallel_loop3A_1134], %parallel_loop3A_1137 {strides = array<i32>} : memref<12160xf32, #tpu.memory_space<vmem>>, vector<16xf32>,
                %parallel_loop3A_1138 = arith.constant 6080 : i32
                %parallel_loop3A_1139 = arith.addi %parallel_loop3A_1125, %parallel_loop3A_1138 : i32
                %parallel_loop3A_1140 = arith.index_cast %parallel_loop3A_1139 : i32 to index
                %parallel_loop3A_1141 = tpu.vector_load %arg7[%parallel_loop3A_1140] {strides = array<i32>} : memref<12160xf32, #tpu.memory_space<vmem>>, vector<16xf32>,
                %parallel_loop3A_1142 = vector.shape_cast %parallel_loop3A_1141 : vector<16xf32> to vector<16xf32>
                %parallel_loop3A_1143 = vector.shape_cast %broadcast_in_dim3A_1013 : vector<16xf32> to vector<16xf32>
                tpu.vector_store %arg7[%parallel_loop3A_1140], %parallel_loop3A_1143 {strides = array<i32>} : memref<12160xf32, #tpu.memory_space<vmem>>, vector<16xf32>,
              } {sc.loop_unroll_factor = 4 : i64, sc.parallel_access}
              %parallel_loop3A_1089 = arith.addi %parallel_loop3A_1052, %mul3A_1048 : i32
              %parallel_loop3A_1090 = arith.constant 0 : i32
              %parallel_loop3A_1091 = arith.addi %parallel_loop3A_1089, %parallel_loop3A_1090 : i32
              %parallel_loop3A_1092 = arith.index_cast %parallel_loop3A_1091 : i32 to index
              %parallel_loop3A_1093 = tpu.vector_load %arg7[%parallel_loop3A_1092] {strides = array<i32>} : memref<12160xf32, #tpu.memory_space<vmem>>, vector<16xf32>,
              %parallel_loop3A_1094 = vector.shape_cast %parallel_loop3A_1093 : vector<16xf32> to vector<16xf32>
              %parallel_loop3A_1095 = arith.select %lt3A_1044, %broadcast_in_dim3A_1007, %parallel_loop3A_1094 : vector<16xi1>, vector<16xf32>
              %parallel_loop3A_1096 = arith.index_cast %parallel_loop3A_1091 : i32 to index
              %parallel_loop3A_1097 = tpu.vector_load %arg7[%parallel_loop3A_1096] {strides = array<i32>} : memref<12160xf32, #tpu.memory_space<vmem>>, vector<16xf32>,
              %parallel_loop3A_1098 = vector.shape_cast %parallel_loop3A_1097 : vector<16xf32> to vector<16xf32>
              %parallel_loop3A_1099 = vector.shape_cast %parallel_loop3A_1095 : vector<16xf32> to vector<16xf32>
              tpu.vector_store %arg7[%parallel_loop3A_1096], %parallel_loop3A_1099 {strides = array<i32>} : memref<12160xf32, #tpu.memory_space<vmem>>, vector<16xf32>,
              %parallel_loop3A_1100 = arith.addi %parallel_loop3A_1052, %mul3A_1048 : i32
              %parallel_loop3A_1101 = arith.constant 3040 : i32
              %parallel_loop3A_1102 = arith.addi %parallel_loop3A_1100, %parallel_loop3A_1101 : i32
              %parallel_loop3A_1103 = arith.index_cast %parallel_loop3A_1102 : i32 to index
              %parallel_loop3A_1104 = tpu.vector_load %arg7[%parallel_loop3A_1103] {strides = array<i32>} : memref<12160xf32, #tpu.memory_space<vmem>>, vector<16xf32>,
              %parallel_loop3A_1105 = vector.shape_cast %parallel_loop3A_1104 : vector<16xf32> to vector<16xf32>
              %parallel_loop3A_1106 = arith.select %lt3A_1044, %broadcast_in_dim3A_1010, %parallel_loop3A_1105 : vector<16xi1>, vector<16xf32>
              %parallel_loop3A_1107 = arith.index_cast %parallel_loop3A_1102 : i32 to index
              %parallel_loop3A_1108 = tpu.vector_load %arg7[%parallel_loop3A_1107] {strides = array<i32>} : memref<12160xf32, #tpu.memory_space<vmem>>, vector<16xf32>,
              %parallel_loop3A_1109 = vector.shape_cast %parallel_loop3A_1108 : vector<16xf32> to vector<16xf32>
              %parallel_loop3A_1110 = vector.shape_cast %parallel_loop3A_1106 : vector<16xf32> to vector<16xf32>
              tpu.vector_store %arg7[%parallel_loop3A_1107], %parallel_loop3A_1110 {strides = array<i32>} : memref<12160xf32, #tpu.memory_space<vmem>>, vector<16xf32>,
              %parallel_loop3A_1111 = arith.addi %parallel_loop3A_1052, %mul3A_1048 : i32
              %parallel_loop3A_1112 = arith.constant 6080 : i32
              %parallel_loop3A_1113 = arith.addi %parallel_loop3A_1111, %parallel_loop3A_1112 : i32
              %parallel_loop3A_1114 = arith.index_cast %parallel_loop3A_1113 : i32 to index
              %parallel_loop3A_1115 = tpu.vector_load %arg7[%parallel_loop3A_1114] {strides = array<i32>} : memref<12160xf32, #tpu.memory_space<vmem>>, vector<16xf32>,
              %parallel_loop3A_1116 = vector.shape_cast %parallel_loop3A_1115 : vector<16xf32> to vector<16xf32>
              %parallel_loop3A_1117 = arith.select %lt3A_1044, %broadcast_in_dim3A_1013, %parallel_loop3A_1116 : vector<16xi1>, vector<16xf32>
              %parallel_loop3A_1118 = arith.index_cast %parallel_loop3A_1113 : i32 to index
              %parallel_loop3A_1119 = tpu.vector_load %arg7[%parallel_loop3A_1118] {strides = array<i32>} : memref<12160xf32, #tpu.memory_space<vmem>>, vector<16xf32>,
              %parallel_loop3A_1120 = vector.shape_cast %parallel_loop3A_1119 : vector<16xf32> to vector<16xf32>
              %parallel_loop3A_1121 = vector.shape_cast %parallel_loop3A_1117 : vector<16xf32> to vector<16xf32>
              tpu.vector_store %arg7[%parallel_loop3A_1118], %parallel_loop3A_1121 {strides = array<i32>} : memref<12160xf32, #tpu.memory_space<vmem>>, vector<16xf32>,
            } {sc.loop_unroll_factor = 1 : i64, sc.parallel_access}
          } else {
          }
        } else {
        }
        %not3A = arith.constant true
        %not3A_1020 = arith.xori %eq3A_1016, %not3A : i1
        %convert_element_type3A_1021 = arith.extui %not3A_1020 : i1 to i32
        %cond3A_1022 = arith.constant 0 : i32
        %cond3A_1023 = arith.cmpi ne, %convert_element_type3A_1021, %cond3A_1022 : i32
        scf.if %cond3A_1023 {
          %mul3A_1024 = arith.constant 16 : i32
          %mul3A_1025 = arith.muli %shift_right_arithmetic3A_990, %mul3A_1024 : i32
          %add3A_1026 = vector.broadcast %mul3A_1025 : i32 to vector<16xi32>
          %add3A_1027 = arith.addi %iota3A, %add3A_1026 : vector<16xi32>
          %ge3A = vector.broadcast %squeeze3A_976 : i32 to vector<16xi32>
          %ge3A_1028 = arith.cmpi sge, %add3A_1027, %ge3A : vector<16xi32>
          %lt3A_1029 = vector.broadcast %squeeze3A_978 : i32 to vector<16xi32>
          %lt3A_1030 = arith.cmpi slt, %add3A_1027, %lt3A_1029 : vector<16xi32>
          %and3A_1031 = arith.andi %ge3A_1028, %lt3A_1030 : vector<16xi1>
          %eq3A_1032 = arith.cmpi eq, %shift_right_arithmetic3A_994, %shift_right_arithmetic3A_990 : i32
          %convert_element_type3A_1033 = arith.extui %eq3A_1032 : i1 to i32
          %cond3A_1034 = arith.constant 0 : i32
          %cond3A_1035 = arith.cmpi ne, %convert_element_type3A_1033, %cond3A_1034 : i32
          scf.if %cond3A_1035 {
            %mul3A_1039 = arith.constant 16 : i32
            %mul3A_1040 = arith.muli %shift_right_arithmetic3A_990, %mul3A_1039 : i32
            %parallel_loop3A_1041 = arith.constant 1 : i32
            scf.for %parallel_loop3A_1042 = %max3A_982 to %min3A_988 step %parallel_loop3A_1041  : i32 {
              %parallel_loop3A_1043 = arith.constant 304 : i32
              %parallel_loop3A_1044 = arith.muli %parallel_loop3A_1042, %parallel_loop3A_1043 : i32
              %parallel_loop3A_1045 = arith.addi %mul3A_1040, %parallel_loop3A_1044 : i32
              %parallel_loop3A_1046 = arith.constant 0 : i32
              %parallel_loop3A_1047 = arith.addi %parallel_loop3A_1045, %parallel_loop3A_1046 : i32
              %parallel_loop3A_1048 = arith.index_cast %parallel_loop3A_1047 : i32 to index
              %parallel_loop3A_1049 = tpu.vector_load %arg7[%parallel_loop3A_1048] {strides = array<i32>} : memref<12160xf32, #tpu.memory_space<vmem>>, vector<16xf32>,
              %parallel_loop3A_1050 = vector.shape_cast %parallel_loop3A_1049 : vector<16xf32> to vector<16xf32>
              %parallel_loop3A_1051 = arith.mulf %parallel_loop3A_1050, %broadcast_in_dim3A_1004 : vector<16xf32>
              %parallel_loop3A_1052 = arith.addf %parallel_loop3A_1051, %broadcast_in_dim3A_1007 : vector<16xf32>
              %parallel_loop3A_1053 = arith.select %and3A_1031, %parallel_loop3A_1052, %parallel_loop3A_1050 : vector<16xi1>, vector<16xf32>
              %parallel_loop3A_1054 = arith.index_cast %parallel_loop3A_1047 : i32 to index
              %parallel_loop3A_1055 = tpu.vector_load %arg7[%parallel_loop3A_1054] {strides = array<i32>} : memref<12160xf32, #tpu.memory_space<vmem>>, vector<16xf32>,
              %parallel_loop3A_1056 = vector.shape_cast %parallel_loop3A_1055 : vector<16xf32> to vector<16xf32>
              %parallel_loop3A_1057 = vector.shape_cast %parallel_loop3A_1053 : vector<16xf32> to vector<16xf32>
              tpu.vector_store %arg7[%parallel_loop3A_1054], %parallel_loop3A_1057 {strides = array<i32>} : memref<12160xf32, #tpu.memory_space<vmem>>, vector<16xf32>,
              %parallel_loop3A_1058 = arith.constant 3040 : i32
              %parallel_loop3A_1059 = arith.addi %parallel_loop3A_1045, %parallel_loop3A_1058 : i32
              %parallel_loop3A_1060 = arith.index_cast %parallel_loop3A_1059 : i32 to index
              %parallel_loop3A_1061 = tpu.vector_load %arg7[%parallel_loop3A_1060] {strides = array<i32>} : memref<12160xf32, #tpu.memory_space<vmem>>, vector<16xf32>,
              %parallel_loop3A_1062 = vector.shape_cast %parallel_loop3A_1061 : vector<16xf32> to vector<16xf32>
              %parallel_loop3A_1063 = arith.mulf %parallel_loop3A_1062, %broadcast_in_dim3A_1004 : vector<16xf32>
              %parallel_loop3A_1064 = arith.addf %parallel_loop3A_1063, %broadcast_in_dim3A_1010 : vector<16xf32>
              %parallel_loop3A_1065 = arith.select %and3A_1031, %parallel_loop3A_1064, %parallel_loop3A_1062 : vector<16xi1>, vector<16xf32>
              %parallel_loop3A_1066 = arith.index_cast %parallel_loop3A_1059 : i32 to index
              %parallel_loop3A_1067 = tpu.vector_load %arg7[%parallel_loop3A_1066] {strides = array<i32>} : memref<12160xf32, #tpu.memory_space<vmem>>, vector<16xf32>,
              %parallel_loop3A_1068 = vector.shape_cast %parallel_loop3A_1067 : vector<16xf32> to vector<16xf32>
              %parallel_loop3A_1069 = vector.shape_cast %parallel_loop3A_1065 : vector<16xf32> to vector<16xf32>
              tpu.vector_store %arg7[%parallel_loop3A_1066], %parallel_loop3A_1069 {strides = array<i32>} : memref<12160xf32, #tpu.memory_space<vmem>>, vector<16xf32>,
              %parallel_loop3A_1070 = arith.constant 6080 : i32
              %parallel_loop3A_1071 = arith.addi %parallel_loop3A_1045, %parallel_loop3A_1070 : i32
              %parallel_loop3A_1072 = arith.index_cast %parallel_loop3A_1071 : i32 to index
              %parallel_loop3A_1073 = tpu.vector_load %arg7[%parallel_loop3A_1072] {strides = array<i32>} : memref<12160xf32, #tpu.memory_space<vmem>>, vector<16xf32>,
              %parallel_loop3A_1074 = vector.shape_cast %parallel_loop3A_1073 : vector<16xf32> to vector<16xf32>
              %parallel_loop3A_1075 = arith.mulf %parallel_loop3A_1074, %broadcast_in_dim3A_1004 : vector<16xf32>
              %parallel_loop3A_1076 = arith.addf %parallel_loop3A_1075, %broadcast_in_dim3A_1013 : vector<16xf32>
              %parallel_loop3A_1077 = arith.select %and3A_1031, %parallel_loop3A_1076, %parallel_loop3A_1074 : vector<16xi1>, vector<16xf32>
              %parallel_loop3A_1078 = arith.index_cast %parallel_loop3A_1071 : i32 to index
              %parallel_loop3A_1079 = tpu.vector_load %arg7[%parallel_loop3A_1078] {strides = array<i32>} : memref<12160xf32, #tpu.memory_space<vmem>>, vector<16xf32>,
              %parallel_loop3A_1080 = vector.shape_cast %parallel_loop3A_1079 : vector<16xf32> to vector<16xf32>
              %parallel_loop3A_1081 = vector.shape_cast %parallel_loop3A_1077 : vector<16xf32> to vector<16xf32>
              tpu.vector_store %arg7[%parallel_loop3A_1078], %parallel_loop3A_1081 {strides = array<i32>} : memref<12160xf32, #tpu.memory_space<vmem>>, vector<16xf32>,
            } {sc.loop_unroll_factor = 2 : i64, sc.parallel_access}
          } else {
          }
          %gt3A = arith.cmpi sgt, %shift_right_arithmetic3A_994, %shift_right_arithmetic3A_990 : i32
          %convert_element_type3A_1036 = arith.extui %gt3A : i1 to i32
          %cond3A_1037 = arith.constant 0 : i32
          %cond3A_1038 = arith.cmpi ne, %convert_element_type3A_1036, %cond3A_1037 : i32
          scf.if %cond3A_1038 {
            %mul3A_1039 = arith.constant 16 : i32
            %mul3A_1040 = arith.muli %shift_right_arithmetic3A_994, %mul3A_1039 : i32
            %add3A_1041 = vector.broadcast %mul3A_1040 : i32 to vector<16xi32>
            %add3A_1042 = arith.addi %iota3A, %add3A_1041 : vector<16xi32>
            %lt3A_1043 = vector.broadcast %squeeze3A_978 : i32 to vector<16xi32>
            %lt3A_1044 = arith.cmpi slt, %add3A_1042, %lt3A_1043 : vector<16xi32>
            %mul3A_1045 = arith.constant 16 : i32
            %mul3A_1046 = arith.muli %shift_right_arithmetic3A_990, %mul3A_1045 : i32
            %mul3A_1047 = arith.constant 16 : i32
            %mul3A_1048 = arith.muli %shift_right_arithmetic3A_994, %mul3A_1047 : i32
            %parallel_loop3A_1049 = arith.constant 1 : i32
            scf.for %parallel_loop3A_1050 = %max3A_982 to %min3A_988 step %parallel_loop3A_1049  : i32 {
              %parallel_loop3A_1051 = arith.constant 304 : i32
              %parallel_loop3A_1052 = arith.muli %parallel_loop3A_1050, %parallel_loop3A_1051 : i32
              %parallel_loop3A_1053 = arith.addi %parallel_loop3A_1052, %mul3A_1046 : i32
              %parallel_loop3A_1054 = arith.constant 0 : i32
              %parallel_loop3A_1055 = arith.addi %parallel_loop3A_1053, %parallel_loop3A_1054 : i32
              %parallel_loop3A_1056 = arith.index_cast %parallel_loop3A_1055 : i32 to index
              %parallel_loop3A_1057 = tpu.vector_load %arg7[%parallel_loop3A_1056] {strides = array<i32>} : memref<12160xf32, #tpu.memory_space<vmem>>, vector<16xf32>,
              %parallel_loop3A_1058 = vector.shape_cast %parallel_loop3A_1057 : vector<16xf32> to vector<16xf32>
              %parallel_loop3A_1059 = arith.mulf %parallel_loop3A_1058, %broadcast_in_dim3A_1004 : vector<16xf32>
              %parallel_loop3A_1060 = arith.addf %parallel_loop3A_1059, %broadcast_in_dim3A_1007 : vector<16xf32>
              %parallel_loop3A_1061 = arith.select %and3A_1031, %parallel_loop3A_1060, %parallel_loop3A_1058 : vector<16xi1>, vector<16xf32>
              %parallel_loop3A_1062 = arith.index_cast %parallel_loop3A_1055 : i32 to index
              %parallel_loop3A_1063 = tpu.vector_load %arg7[%parallel_loop3A_1062] {strides = array<i32>} : memref<12160xf32, #tpu.memory_space<vmem>>, vector<16xf32>,
              %parallel_loop3A_1064 = vector.shape_cast %parallel_loop3A_1063 : vector<16xf32> to vector<16xf32>
              %parallel_loop3A_1065 = vector.shape_cast %parallel_loop3A_1061 : vector<16xf32> to vector<16xf32>
              tpu.vector_store %arg7[%parallel_loop3A_1062], %parallel_loop3A_1065 {strides = array<i32>} : memref<12160xf32, #tpu.memory_space<vmem>>, vector<16xf32>,
              %parallel_loop3A_1066 = arith.addi %parallel_loop3A_1052, %mul3A_1046 : i32
              %parallel_loop3A_1067 = arith.constant 3040 : i32
              %parallel_loop3A_1068 = arith.addi %parallel_loop3A_1066, %parallel_loop3A_1067 : i32
              %parallel_loop3A_1069 = arith.index_cast %parallel_loop3A_1068 : i32 to index
              %parallel_loop3A_1070 = tpu.vector_load %arg7[%parallel_loop3A_1069] {strides = array<i32>} : memref<12160xf32, #tpu.memory_space<vmem>>, vector<16xf32>,
              %parallel_loop3A_1071 = vector.shape_cast %parallel_loop3A_1070 : vector<16xf32> to vector<16xf32>
              %parallel_loop3A_1072 = arith.mulf %parallel_loop3A_1071, %broadcast_in_dim3A_1004 : vector<16xf32>
              %parallel_loop3A_1073 = arith.addf %parallel_loop3A_1072, %broadcast_in_dim3A_1010 : vector<16xf32>
              %parallel_loop3A_1074 = arith.select %and3A_1031, %parallel_loop3A_1073, %parallel_loop3A_1071 : vector<16xi1>, vector<16xf32>
              %parallel_loop3A_1075 = arith.index_cast %parallel_loop3A_1068 : i32 to index
              %parallel_loop3A_1076 = tpu.vector_load %arg7[%parallel_loop3A_1075] {strides = array<i32>} : memref<12160xf32, #tpu.memory_space<vmem>>, vector<16xf32>,
              %parallel_loop3A_1077 = vector.shape_cast %parallel_loop3A_1076 : vector<16xf32> to vector<16xf32>
              %parallel_loop3A_1078 = vector.shape_cast %parallel_loop3A_1074 : vector<16xf32> to vector<16xf32>
              tpu.vector_store %arg7[%parallel_loop3A_1075], %parallel_loop3A_1078 {strides = array<i32>} : memref<12160xf32, #tpu.memory_space<vmem>>, vector<16xf32>,
              %parallel_loop3A_1079 = arith.addi %parallel_loop3A_1052, %mul3A_1046 : i32
              %parallel_loop3A_1080 = arith.constant 6080 : i32
              %parallel_loop3A_1081 = arith.addi %parallel_loop3A_1079, %parallel_loop3A_1080 : i32
              %parallel_loop3A_1082 = arith.index_cast %parallel_loop3A_1081 : i32 to index
              %parallel_loop3A_1083 = tpu.vector_load %arg7[%parallel_loop3A_1082] {strides = array<i32>} : memref<12160xf32, #tpu.memory_space<vmem>>, vector<16xf32>,
              %parallel_loop3A_1084 = vector.shape_cast %parallel_loop3A_1083 : vector<16xf32> to vector<16xf32>
              %parallel_loop3A_1085 = arith.mulf %parallel_loop3A_1084, %broadcast_in_dim3A_1004 : vector<16xf32>
              %parallel_loop3A_1086 = arith.addf %parallel_loop3A_1085, %broadcast_in_dim3A_1013 : vector<16xf32>
              %parallel_loop3A_1087 = arith.select %and3A_1031, %parallel_loop3A_1086, %parallel_loop3A_1084 : vector<16xi1>, vector<16xf32>
              %parallel_loop3A_1088 = arith.index_cast %parallel_loop3A_1081 : i32 to index
              %parallel_loop3A_1089 = tpu.vector_load %arg7[%parallel_loop3A_1088] {strides = array<i32>} : memref<12160xf32, #tpu.memory_space<vmem>>, vector<16xf32>,
              %parallel_loop3A_1090 = vector.shape_cast %parallel_loop3A_1089 : vector<16xf32> to vector<16xf32>
              %parallel_loop3A_1091 = vector.shape_cast %parallel_loop3A_1087 : vector<16xf32> to vector<16xf32>
              tpu.vector_store %arg7[%parallel_loop3A_1088], %parallel_loop3A_1091 {strides = array<i32>} : memref<12160xf32, #tpu.memory_space<vmem>>, vector<16xf32>,
              %parallel_loop3A_1092 = arith.constant 1 : i32
              %parallel_loop3A_1093 = arith.addi %shift_right_arithmetic3A_990, %parallel_loop3A_1092 : i32
              %parallel_loop3A_1094 = arith.constant 1 : i32
              scf.for %parallel_loop3A_1134 = %parallel_loop3A_1093 to %shift_right_arithmetic3A_994 step %parallel_loop3A_1094  : i32 {
                %parallel_loop3A_1135 = arith.constant 16 : i32
                %parallel_loop3A_1136 = arith.muli %parallel_loop3A_1134, %parallel_loop3A_1135 : i32
                %parallel_loop3A_1137 = arith.addi %parallel_loop3A_1052, %parallel_loop3A_1136 : i32
                %parallel_loop3A_1138 = arith.constant 0 : i32
                %parallel_loop3A_1139 = arith.addi %parallel_loop3A_1137, %parallel_loop3A_1138 : i32
                %parallel_loop3A_1140 = arith.index_cast %parallel_loop3A_1139 : i32 to index
                %parallel_loop3A_1141 = tpu.vector_load %arg7[%parallel_loop3A_1140] {strides = array<i32>} : memref<12160xf32, #tpu.memory_space<vmem>>, vector<16xf32>,
                %parallel_loop3A_1142 = vector.shape_cast %parallel_loop3A_1141 : vector<16xf32> to vector<16xf32>
                %parallel_loop3A_1143 = arith.mulf %parallel_loop3A_1142, %broadcast_in_dim3A_1004 : vector<16xf32>
                %parallel_loop3A_1144 = arith.addf %parallel_loop3A_1143, %broadcast_in_dim3A_1007 : vector<16xf32>
                %parallel_loop3A_1145 = arith.index_cast %parallel_loop3A_1139 : i32 to index
                %parallel_loop3A_1146 = tpu.vector_load %arg7[%parallel_loop3A_1145] {strides = array<i32>} : memref<12160xf32, #tpu.memory_space<vmem>>, vector<16xf32>,
                %parallel_loop3A_1147 = vector.shape_cast %parallel_loop3A_1146 : vector<16xf32> to vector<16xf32>
                %parallel_loop3A_1148 = vector.shape_cast %parallel_loop3A_1144 : vector<16xf32> to vector<16xf32>
                tpu.vector_store %arg7[%parallel_loop3A_1145], %parallel_loop3A_1148 {strides = array<i32>} : memref<12160xf32, #tpu.memory_space<vmem>>, vector<16xf32>,
                %parallel_loop3A_1149 = arith.constant 3040 : i32
                %parallel_loop3A_1150 = arith.addi %parallel_loop3A_1137, %parallel_loop3A_1149 : i32
                %parallel_loop3A_1151 = arith.index_cast %parallel_loop3A_1150 : i32 to index
                %parallel_loop3A_1152 = tpu.vector_load %arg7[%parallel_loop3A_1151] {strides = array<i32>} : memref<12160xf32, #tpu.memory_space<vmem>>, vector<16xf32>,
                %parallel_loop3A_1153 = vector.shape_cast %parallel_loop3A_1152 : vector<16xf32> to vector<16xf32>
                %parallel_loop3A_1154 = arith.mulf %parallel_loop3A_1153, %broadcast_in_dim3A_1004 : vector<16xf32>
                %parallel_loop3A_1155 = arith.addf %parallel_loop3A_1154, %broadcast_in_dim3A_1010 : vector<16xf32>
                %parallel_loop3A_1156 = arith.index_cast %parallel_loop3A_1150 : i32 to index
                %parallel_loop3A_1157 = tpu.vector_load %arg7[%parallel_loop3A_1156] {strides = array<i32>} : memref<12160xf32, #tpu.memory_space<vmem>>, vector<16xf32>,
                %parallel_loop3A_1158 = vector.shape_cast %parallel_loop3A_1157 : vector<16xf32> to vector<16xf32>
                %parallel_loop3A_1159 = vector.shape_cast %parallel_loop3A_1155 : vector<16xf32> to vector<16xf32>
                tpu.vector_store %arg7[%parallel_loop3A_1156], %parallel_loop3A_1159 {strides = array<i32>} : memref<12160xf32, #tpu.memory_space<vmem>>, vector<16xf32>,
                %parallel_loop3A_1160 = arith.constant 6080 : i32
                %parallel_loop3A_1161 = arith.addi %parallel_loop3A_1137, %parallel_loop3A_1160 : i32
                %parallel_loop3A_1162 = arith.index_cast %parallel_loop3A_1161 : i32 to index
                %parallel_loop3A_1163 = tpu.vector_load %arg7[%parallel_loop3A_1162] {strides = array<i32>} : memref<12160xf32, #tpu.memory_space<vmem>>, vector<16xf32>,
                %parallel_loop3A_1164 = vector.shape_cast %parallel_loop3A_1163 : vector<16xf32> to vector<16xf32>
                %parallel_loop3A_1165 = arith.mulf %parallel_loop3A_1164, %broadcast_in_dim3A_1004 : vector<16xf32>
                %parallel_loop3A_1166 = arith.addf %parallel_loop3A_1165, %broadcast_in_dim3A_1013 : vector<16xf32>
                %parallel_loop3A_1167 = arith.index_cast %parallel_loop3A_1161 : i32 to index
                %parallel_loop3A_1168 = tpu.vector_load %arg7[%parallel_loop3A_1167] {strides = array<i32>} : memref<12160xf32, #tpu.memory_space<vmem>>, vector<16xf32>,
                %parallel_loop3A_1169 = vector.shape_cast %parallel_loop3A_1168 : vector<16xf32> to vector<16xf32>
                %parallel_loop3A_1170 = vector.shape_cast %parallel_loop3A_1166 : vector<16xf32> to vector<16xf32>
                tpu.vector_store %arg7[%parallel_loop3A_1167], %parallel_loop3A_1170 {strides = array<i32>} : memref<12160xf32, #tpu.memory_space<vmem>>, vector<16xf32>,
              } {sc.loop_unroll_factor = 4 : i64, sc.parallel_access}
              %parallel_loop3A_1095 = arith.addi %parallel_loop3A_1052, %mul3A_1048 : i32
              %parallel_loop3A_1096 = arith.constant 0 : i32
              %parallel_loop3A_1097 = arith.addi %parallel_loop3A_1095, %parallel_loop3A_1096 : i32
              %parallel_loop3A_1098 = arith.index_cast %parallel_loop3A_1097 : i32 to index
              %parallel_loop3A_1099 = tpu.vector_load %arg7[%parallel_loop3A_1098] {strides = array<i32>} : memref<12160xf32, #tpu.memory_space<vmem>>, vector<16xf32>,
              %parallel_loop3A_1100 = vector.shape_cast %parallel_loop3A_1099 : vector<16xf32> to vector<16xf32>
              %parallel_loop3A_1101 = arith.mulf %parallel_loop3A_1100, %broadcast_in_dim3A_1004 : vector<16xf32>
              %parallel_loop3A_1102 = arith.addf %parallel_loop3A_1101, %broadcast_in_dim3A_1007 : vector<16xf32>
              %parallel_loop3A_1103 = arith.select %lt3A_1044, %parallel_loop3A_1102, %parallel_loop3A_1100 : vector<16xi1>, vector<16xf32>
              %parallel_loop3A_1104 = arith.index_cast %parallel_loop3A_1097 : i32 to index
              %parallel_loop3A_1105 = tpu.vector_load %arg7[%parallel_loop3A_1104] {strides = array<i32>} : memref<12160xf32, #tpu.memory_space<vmem>>, vector<16xf32>,
              %parallel_loop3A_1106 = vector.shape_cast %parallel_loop3A_1105 : vector<16xf32> to vector<16xf32>
              %parallel_loop3A_1107 = vector.shape_cast %parallel_loop3A_1103 : vector<16xf32> to vector<16xf32>
              tpu.vector_store %arg7[%parallel_loop3A_1104], %parallel_loop3A_1107 {strides = array<i32>} : memref<12160xf32, #tpu.memory_space<vmem>>, vector<16xf32>,
              %parallel_loop3A_1108 = arith.addi %parallel_loop3A_1052, %mul3A_1048 : i32
              %parallel_loop3A_1109 = arith.constant 3040 : i32
              %parallel_loop3A_1110 = arith.addi %parallel_loop3A_1108, %parallel_loop3A_1109 : i32
              %parallel_loop3A_1111 = arith.index_cast %parallel_loop3A_1110 : i32 to index
              %parallel_loop3A_1112 = tpu.vector_load %arg7[%parallel_loop3A_1111] {strides = array<i32>} : memref<12160xf32, #tpu.memory_space<vmem>>, vector<16xf32>,
              %parallel_loop3A_1113 = vector.shape_cast %parallel_loop3A_1112 : vector<16xf32> to vector<16xf32>
              %parallel_loop3A_1114 = arith.mulf %parallel_loop3A_1113, %broadcast_in_dim3A_1004 : vector<16xf32>
              %parallel_loop3A_1115 = arith.addf %parallel_loop3A_1114, %broadcast_in_dim3A_1010 : vector<16xf32>
              %parallel_loop3A_1116 = arith.select %lt3A_1044, %parallel_loop3A_1115, %parallel_loop3A_1113 : vector<16xi1>, vector<16xf32>
              %parallel_loop3A_1117 = arith.index_cast %parallel_loop3A_1110 : i32 to index
              %parallel_loop3A_1118 = tpu.vector_load %arg7[%parallel_loop3A_1117] {strides = array<i32>} : memref<12160xf32, #tpu.memory_space<vmem>>, vector<16xf32>,
              %parallel_loop3A_1119 = vector.shape_cast %parallel_loop3A_1118 : vector<16xf32> to vector<16xf32>
              %parallel_loop3A_1120 = vector.shape_cast %parallel_loop3A_1116 : vector<16xf32> to vector<16xf32>
              tpu.vector_store %arg7[%parallel_loop3A_1117], %parallel_loop3A_1120 {strides = array<i32>} : memref<12160xf32, #tpu.memory_space<vmem>>, vector<16xf32>,
              %parallel_loop3A_1121 = arith.addi %parallel_loop3A_1052, %mul3A_1048 : i32
              %parallel_loop3A_1122 = arith.constant 6080 : i32
              %parallel_loop3A_1123 = arith.addi %parallel_loop3A_1121, %parallel_loop3A_1122 : i32
              %parallel_loop3A_1124 = arith.index_cast %parallel_loop3A_1123 : i32 to index
              %parallel_loop3A_1125 = tpu.vector_load %arg7[%parallel_loop3A_1124] {strides = array<i32>} : memref<12160xf32, #tpu.memory_space<vmem>>, vector<16xf32>,
              %parallel_loop3A_1126 = vector.shape_cast %parallel_loop3A_1125 : vector<16xf32> to vector<16xf32>
              %parallel_loop3A_1127 = arith.mulf %parallel_loop3A_1126, %broadcast_in_dim3A_1004 : vector<16xf32>
              %parallel_loop3A_1128 = arith.addf %parallel_loop3A_1127, %broadcast_in_dim3A_1013 : vector<16xf32>
              %parallel_loop3A_1129 = arith.select %lt3A_1044, %parallel_loop3A_1128, %parallel_loop3A_1126 : vector<16xi1>, vector<16xf32>
              %parallel_loop3A_1130 = arith.index_cast %parallel_loop3A_1123 : i32 to index
              %parallel_loop3A_1131 = tpu.vector_load %arg7[%parallel_loop3A_1130] {strides = array<i32>} : memref<12160xf32, #tpu.memory_space<vmem>>, vector<16xf32>,
              %parallel_loop3A_1132 = vector.shape_cast %parallel_loop3A_1131 : vector<16xf32> to vector<16xf32>
              %parallel_loop3A_1133 = vector.shape_cast %parallel_loop3A_1129 : vector<16xf32> to vector<16xf32>
              tpu.vector_store %arg7[%parallel_loop3A_1130], %parallel_loop3A_1133 {strides = array<i32>} : memref<12160xf32, #tpu.memory_space<vmem>>, vector<16xf32>,
            } {sc.loop_unroll_factor = 1 : i64, sc.parallel_access}
          } else {
          }
        } else {
        }
      } else {
      }
      %scan3A_997 = arith.constant 0 : i32
      scf.yield %scan3A_997 : i32
    }
    %scan3A_128 = arith.constant 256 : i32
    %add3A_129 = arith.constant 0 : i32
    %add3A_130 = arith.addi %add3A_129, %add3A : i32
    %add3A_131 = arith.constant 0 : i32
    %add3A_132 = arith.addi %add3A_130, %add3A_131 : i32
    %mul3A_133 = arith.constant 304 : i32
    %mul3A_134 = arith.muli %add3A_132, %mul3A_133 : i32
    %dma_start3A_135 = arith.constant 0 : i32
    %dma_start3A_136 = tpu.memref_slice %arg7[%dma_start3A_135] : memref<12160xf32, #tpu.memory_space<vmem>> -> memref<304xf32, #tpu.memory_space<vmem>>
    %dma_start3A_137 = tpu.memref_slice %arg4[%mul3A_134] : memref<389120xf32, #tpu.memory_space<hbm>> -> memref<304xf32, #tpu.memory_space<hbm>>
    %dma_start3A_138 = tpu.memref_slice %arg4[%mul3A_134] : memref<389120xf32, #tpu.memory_space<hbm>> -> memref<304xf32, #tpu.memory_space<hbm>>
    %dma_start3A_139 = arith.constant 0 : i32
    %dma_start3A_140 = tpu.memref_slice %arg7[%dma_start3A_139] : memref<12160xf32, #tpu.memory_space<vmem>> -> memref<304xf32, #tpu.memory_space<vmem>>
    tpu.enqueue_dma source(%dma_start3A_140 : memref<304xf32, #tpu.memory_space<vmem>>) target(%dma_start3A_138 : memref<304xf32, #tpu.memory_space<hbm>>) target_semaphore(%arg8 : memref<!tpu.dma_semaphore, #tpu.memory_space<semaphore_mem>>)
    %add3A_141 = arith.constant 320 : i32
    %add3A_142 = arith.addi %add3A_141, %add3A : i32
    %add3A_143 = arith.constant 0 : i32
    %add3A_144 = arith.addi %add3A_142, %add3A_143 : i32
    %mul3A_145 = arith.constant 304 : i32
    %mul3A_146 = arith.muli %add3A_144, %mul3A_145 : i32
    %dma_start3A_147 = arith.constant 3040 : i32
    %dma_start3A_148 = tpu.memref_slice %arg7[%dma_start3A_147] : memref<12160xf32, #tpu.memory_space<vmem>> -> memref<304xf32, #tpu.memory_space<vmem>>
    %dma_start3A_149 = tpu.memref_slice %arg4[%mul3A_146] : memref<389120xf32, #tpu.memory_space<hbm>> -> memref<304xf32, #tpu.memory_space<hbm>>
    %dma_start3A_150 = tpu.memref_slice %arg4[%mul3A_146] : memref<389120xf32, #tpu.memory_space<hbm>> -> memref<304xf32, #tpu.memory_space<hbm>>
    %dma_start3A_151 = arith.constant 3040 : i32
    %dma_start3A_152 = tpu.memref_slice %arg7[%dma_start3A_151] : memref<12160xf32, #tpu.memory_space<vmem>> -> memref<304xf32, #tpu.memory_space<vmem>>
    tpu.enqueue_dma source(%dma_start3A_152 : memref<304xf32, #tpu.memory_space<vmem>>) target(%dma_start3A_150 : memref<304xf32, #tpu.memory_space<hbm>>) target_semaphore(%arg8 : memref<!tpu.dma_semaphore, #tpu.memory_space<semaphore_mem>>)
    %add3A_153 = arith.constant 640 : i32
    %add3A_154 = arith.addi %add3A_153, %add3A : i32
    %add3A_155 = arith.constant 0 : i32
    %add3A_156 = arith.addi %add3A_154, %add3A_155 : i32
    %mul3A_157 = arith.constant 304 : i32
    %mul3A_158 = arith.muli %add3A_156, %mul3A_157 : i32
    %dma_start3A_159 = arith.constant 6080 : i32
    %dma_start3A_160 = tpu.memref_slice %arg7[%dma_start3A_159] : memref<12160xf32, #tpu.memory_space<vmem>> -> memref<304xf32, #tpu.memory_space<vmem>>
    %dma_start3A_161 = tpu.memref_slice %arg4[%mul3A_158] : memref<389120xf32, #tpu.memory_space<hbm>> -> memref<304xf32, #tpu.memory_space<hbm>>
    %dma_start3A_162 = tpu.memref_slice %arg4[%mul3A_158] : memref<389120xf32, #tpu.memory_space<hbm>> -> memref<304xf32, #tpu.memory_space<hbm>>
    %dma_start3A_163 = arith.constant 6080 : i32
    %dma_start3A_164 = tpu.memref_slice %arg7[%dma_start3A_163] : memref<12160xf32, #tpu.memory_space<vmem>> -> memref<304xf32, #tpu.memory_space<vmem>>
    tpu.enqueue_dma source(%dma_start3A_164 : memref<304xf32, #tpu.memory_space<vmem>>) target(%dma_start3A_162 : memref<304xf32, #tpu.memory_space<hbm>>) target_semaphore(%arg8 : memref<!tpu.dma_semaphore, #tpu.memory_space<semaphore_mem>>)
    %add3A_165 = arith.constant 0 : i32
    %add3A_166 = arith.addi %add3A_165, %add3A : i32
    %add3A_167 = arith.constant 32 : i32
    %add3A_168 = arith.addi %add3A_166, %add3A_167 : i32
    %mul3A_169 = arith.constant 304 : i32
    %mul3A_170 = arith.muli %add3A_168, %mul3A_169 : i32
    %dma_start3A_171 = arith.constant 304 : i32
    %dma_start3A_172 = tpu.memref_slice %arg7[%dma_start3A_171] : memref<12160xf32, #tpu.memory_space<vmem>> -> memref<304xf32, #tpu.memory_space<vmem>>
    %dma_start3A_173 = tpu.memref_slice %arg4[%mul3A_170] : memref<389120xf32, #tpu.memory_space<hbm>> -> memref<304xf32, #tpu.memory_space<hbm>>
    %dma_start3A_174 = tpu.memref_slice %arg4[%mul3A_170] : memref<389120xf32, #tpu.memory_space<hbm>> -> memref<304xf32, #tpu.memory_space<hbm>>
    %dma_start3A_175 = arith.constant 304 : i32
    %dma_start3A_176 = tpu.memref_slice %arg7[%dma_start3A_175] : memref<12160xf32, #tpu.memory_space<vmem>> -> memref<304xf32, #tpu.memory_space<vmem>>
    tpu.enqueue_dma source(%dma_start3A_176 : memref<304xf32, #tpu.memory_space<vmem>>) target(%dma_start3A_174 : memref<304xf32, #tpu.memory_space<hbm>>) target_semaphore(%arg8 : memref<!tpu.dma_semaphore, #tpu.memory_space<semaphore_mem>>)
    %add3A_177 = arith.constant 320 : i32
    %add3A_178 = arith.addi %add3A_177, %add3A : i32
    %add3A_179 = arith.constant 32 : i32
    %add3A_180 = arith.addi %add3A_178, %add3A_179 : i32
    %mul3A_181 = arith.constant 304 : i32
    %mul3A_182 = arith.muli %add3A_180, %mul3A_181 : i32
    %dma_start3A_183 = arith.constant 3344 : i32
    %dma_start3A_184 = tpu.memref_slice %arg7[%dma_start3A_183] : memref<12160xf32, #tpu.memory_space<vmem>> -> memref<304xf32, #tpu.memory_space<vmem>>
    %dma_start3A_185 = tpu.memref_slice %arg4[%mul3A_182] : memref<389120xf32, #tpu.memory_space<hbm>> -> memref<304xf32, #tpu.memory_space<hbm>>
    %dma_start3A_186 = tpu.memref_slice %arg4[%mul3A_182] : memref<389120xf32, #tpu.memory_space<hbm>> -> memref<304xf32, #tpu.memory_space<hbm>>
    %dma_start3A_187 = arith.constant 3344 : i32
    %dma_start3A_188 = tpu.memref_slice %arg7[%dma_start3A_187] : memref<12160xf32, #tpu.memory_space<vmem>> -> memref<304xf32, #tpu.memory_space<vmem>>
    tpu.enqueue_dma source(%dma_start3A_188 : memref<304xf32, #tpu.memory_space<vmem>>) target(%dma_start3A_186 : memref<304xf32, #tpu.memory_space<hbm>>) target_semaphore(%arg8 : memref<!tpu.dma_semaphore, #tpu.memory_space<semaphore_mem>>)
    %add3A_189 = arith.constant 640 : i32
    %add3A_190 = arith.addi %add3A_189, %add3A : i32
    %add3A_191 = arith.constant 32 : i32
    %add3A_192 = arith.addi %add3A_190, %add3A_191 : i32
    %mul3A_193 = arith.constant 304 : i32
    %mul3A_194 = arith.muli %add3A_192, %mul3A_193 : i32
    %dma_start3A_195 = arith.constant 6384 : i32
    %dma_start3A_196 = tpu.memref_slice %arg7[%dma_start3A_195] : memref<12160xf32, #tpu.memory_space<vmem>> -> memref<304xf32, #tpu.memory_space<vmem>>
    %dma_start3A_197 = tpu.memref_slice %arg4[%mul3A_194] : memref<389120xf32, #tpu.memory_space<hbm>> -> memref<304xf32, #tpu.memory_space<hbm>>
    %dma_start3A_198 = tpu.memref_slice %arg4[%mul3A_194] : memref<389120xf32, #tpu.memory_space<hbm>> -> memref<304xf32, #tpu.memory_space<hbm>>
    %dma_start3A_199 = arith.constant 6384 : i32
    %dma_start3A_200 = tpu.memref_slice %arg7[%dma_start3A_199] : memref<12160xf32, #tpu.memory_space<vmem>> -> memref<304xf32, #tpu.memory_space<vmem>>
    tpu.enqueue_dma source(%dma_start3A_200 : memref<304xf32, #tpu.memory_space<vmem>>) target(%dma_start3A_198 : memref<304xf32, #tpu.memory_space<hbm>>) target_semaphore(%arg8 : memref<!tpu.dma_semaphore, #tpu.memory_space<semaphore_mem>>)
    %add3A_201 = arith.constant 0 : i32
    %add3A_202 = arith.addi %add3A_201, %add3A : i32
    %add3A_203 = arith.constant 64 : i32
    %add3A_204 = arith.addi %add3A_202, %add3A_203 : i32
    %mul3A_205 = arith.constant 304 : i32
    %mul3A_206 = arith.muli %add3A_204, %mul3A_205 : i32
    %dma_start3A_207 = arith.constant 608 : i32
    %dma_start3A_208 = tpu.memref_slice %arg7[%dma_start3A_207] : memref<12160xf32, #tpu.memory_space<vmem>> -> memref<304xf32, #tpu.memory_space<vmem>>
    %dma_start3A_209 = tpu.memref_slice %arg4[%mul3A_206] : memref<389120xf32, #tpu.memory_space<hbm>> -> memref<304xf32, #tpu.memory_space<hbm>>
    %dma_start3A_210 = tpu.memref_slice %arg4[%mul3A_206] : memref<389120xf32, #tpu.memory_space<hbm>> -> memref<304xf32, #tpu.memory_space<hbm>>
    %dma_start3A_211 = arith.constant 608 : i32
    %dma_start3A_212 = tpu.memref_slice %arg7[%dma_start3A_211] : memref<12160xf32, #tpu.memory_space<vmem>> -> memref<304xf32, #tpu.memory_space<vmem>>
    tpu.enqueue_dma source(%dma_start3A_212 : memref<304xf32, #tpu.memory_space<vmem>>) target(%dma_start3A_210 : memref<304xf32, #tpu.memory_space<hbm>>) target_semaphore(%arg8 : memref<!tpu.dma_semaphore, #tpu.memory_space<semaphore_mem>>)
    %add3A_213 = arith.constant 320 : i32
    %add3A_214 = arith.addi %add3A_213, %add3A : i32
    %add3A_215 = arith.constant 64 : i32
    %add3A_216 = arith.addi %add3A_214, %add3A_215 : i32
    %mul3A_217 = arith.constant 304 : i32
    %mul3A_218 = arith.muli %add3A_216, %mul3A_217 : i32
    %dma_start3A_219 = arith.constant 3648 : i32
    %dma_start3A_220 = tpu.memref_slice %arg7[%dma_start3A_219] : memref<12160xf32, #tpu.memory_space<vmem>> -> memref<304xf32, #tpu.memory_space<vmem>>
    %dma_start3A_221 = tpu.memref_slice %arg4[%mul3A_218] : memref<389120xf32, #tpu.memory_space<hbm>> -> memref<304xf32, #tpu.memory_space<hbm>>
    %dma_start3A_222 = tpu.memref_slice %arg4[%mul3A_218] : memref<389120xf32, #tpu.memory_space<hbm>> -> memref<304xf32, #tpu.memory_space<hbm>>
    %dma_start3A_223 = arith.constant 3648 : i32
    %dma_start3A_224 = tpu.memref_slice %arg7[%dma_start3A_223] : memref<12160xf32, #tpu.memory_space<vmem>> -> memref<304xf32, #tpu.memory_space<vmem>>
    tpu.enqueue_dma source(%dma_start3A_224 : memref<304xf32, #tpu.memory_space<vmem>>) target(%dma_start3A_222 : memref<304xf32, #tpu.memory_space<hbm>>) target_semaphore(%arg8 : memref<!tpu.dma_semaphore, #tpu.memory_space<semaphore_mem>>)
    %add3A_225 = arith.constant 640 : i32
    %add3A_226 = arith.addi %add3A_225, %add3A : i32
    %add3A_227 = arith.constant 64 : i32
    %add3A_228 = arith.addi %add3A_226, %add3A_227 : i32
    %mul3A_229 = arith.constant 304 : i32
    %mul3A_230 = arith.muli %add3A_228, %mul3A_229 : i32
    %dma_start3A_231 = arith.constant 6688 : i32
    %dma_start3A_232 = tpu.memref_slice %arg7[%dma_start3A_231] : memref<12160xf32, #tpu.memory_space<vmem>> -> memref<304xf32, #tpu.memory_space<vmem>>
    %dma_start3A_233 = tpu.memref_slice %arg4[%mul3A_230] : memref<389120xf32, #tpu.memory_space<hbm>> -> memref<304xf32, #tpu.memory_space<hbm>>
    %dma_start3A_234 = tpu.memref_slice %arg4[%mul3A_230] : memref<389120xf32, #tpu.memory_space<hbm>> -> memref<304xf32, #tpu.memory_space<hbm>>
    %dma_start3A_235 = arith.constant 6688 : i32
    %dma_start3A_236 = tpu.memref_slice %arg7[%dma_start3A_235] : memref<12160xf32, #tpu.memory_space<vmem>> -> memref<304xf32, #tpu.memory_space<vmem>>
    tpu.enqueue_dma source(%dma_start3A_236 : memref<304xf32, #tpu.memory_space<vmem>>) target(%dma_start3A_234 : memref<304xf32, #tpu.memory_space<hbm>>) target_semaphore(%arg8 : memref<!tpu.dma_semaphore, #tpu.memory_space<semaphore_mem>>)
    %add3A_237 = arith.constant 0 : i32
    %add3A_238 = arith.addi %add3A_237, %add3A : i32
    %add3A_239 = arith.constant 96 : i32
    %add3A_240 = arith.addi %add3A_238, %add3A_239 : i32
    %mul3A_241 = arith.constant 304 : i32
    %mul3A_242 = arith.muli %add3A_240, %mul3A_241 : i32
    %dma_start3A_243 = arith.constant 912 : i32
    %dma_start3A_244 = tpu.memref_slice %arg7[%dma_start3A_243] : memref<12160xf32, #tpu.memory_space<vmem>> -> memref<304xf32, #tpu.memory_space<vmem>>
    %dma_start3A_245 = tpu.memref_slice %arg4[%mul3A_242] : memref<389120xf32, #tpu.memory_space<hbm>> -> memref<304xf32, #tpu.memory_space<hbm>>
    %dma_start3A_246 = tpu.memref_slice %arg4[%mul3A_242] : memref<389120xf32, #tpu.memory_space<hbm>> -> memref<304xf32, #tpu.memory_space<hbm>>
    %dma_start3A_247 = arith.constant 912 : i32
    %dma_start3A_248 = tpu.memref_slice %arg7[%dma_start3A_247] : memref<12160xf32, #tpu.memory_space<vmem>> -> memref<304xf32, #tpu.memory_space<vmem>>
    tpu.enqueue_dma source(%dma_start3A_248 : memref<304xf32, #tpu.memory_space<vmem>>) target(%dma_start3A_246 : memref<304xf32, #tpu.memory_space<hbm>>) target_semaphore(%arg8 : memref<!tpu.dma_semaphore, #tpu.memory_space<semaphore_mem>>)
    %add3A_249 = arith.constant 320 : i32
    %add3A_250 = arith.addi %add3A_249, %add3A : i32
    %add3A_251 = arith.constant 96 : i32
    %add3A_252 = arith.addi %add3A_250, %add3A_251 : i32
    %mul3A_253 = arith.constant 304 : i32
    %mul3A_254 = arith.muli %add3A_252, %mul3A_253 : i32
    %dma_start3A_255 = arith.constant 3952 : i32
    %dma_start3A_256 = tpu.memref_slice %arg7[%dma_start3A_255] : memref<12160xf32, #tpu.memory_space<vmem>> -> memref<304xf32, #tpu.memory_space<vmem>>
    %dma_start3A_257 = tpu.memref_slice %arg4[%mul3A_254] : memref<389120xf32, #tpu.memory_space<hbm>> -> memref<304xf32, #tpu.memory_space<hbm>>
    %dma_start3A_258 = tpu.memref_slice %arg4[%mul3A_254] : memref<389120xf32, #tpu.memory_space<hbm>> -> memref<304xf32, #tpu.memory_space<hbm>>
    %dma_start3A_259 = arith.constant 3952 : i32
    %dma_start3A_260 = tpu.memref_slice %arg7[%dma_start3A_259] : memref<12160xf32, #tpu.memory_space<vmem>> -> memref<304xf32, #tpu.memory_space<vmem>>
    tpu.enqueue_dma source(%dma_start3A_260 : memref<304xf32, #tpu.memory_space<vmem>>) target(%dma_start3A_258 : memref<304xf32, #tpu.memory_space<hbm>>) target_semaphore(%arg8 : memref<!tpu.dma_semaphore, #tpu.memory_space<semaphore_mem>>)
    %add3A_261 = arith.constant 640 : i32
    %add3A_262 = arith.addi %add3A_261, %add3A : i32
    %add3A_263 = arith.constant 96 : i32
    %add3A_264 = arith.addi %add3A_262, %add3A_263 : i32
    %mul3A_265 = arith.constant 304 : i32
    %mul3A_266 = arith.muli %add3A_264, %mul3A_265 : i32
    %dma_start3A_267 = arith.constant 6992 : i32
    %dma_start3A_268 = tpu.memref_slice %arg7[%dma_start3A_267] : memref<12160xf32, #tpu.memory_space<vmem>> -> memref<304xf32, #tpu.memory_space<vmem>>
    %dma_start3A_269 = tpu.memref_slice %arg4[%mul3A_266] : memref<389120xf32, #tpu.memory_space<hbm>> -> memref<304xf32, #tpu.memory_space<hbm>>
    %dma_start3A_270 = tpu.memref_slice %arg4[%mul3A_266] : memref<389120xf32, #tpu.memory_space<hbm>> -> memref<304xf32, #tpu.memory_space<hbm>>
    %dma_start3A_271 = arith.constant 6992 : i32
    %dma_start3A_272 = tpu.memref_slice %arg7[%dma_start3A_271] : memref<12160xf32, #tpu.memory_space<vmem>> -> memref<304xf32, #tpu.memory_space<vmem>>
    tpu.enqueue_dma source(%dma_start3A_272 : memref<304xf32, #tpu.memory_space<vmem>>) target(%dma_start3A_270 : memref<304xf32, #tpu.memory_space<hbm>>) target_semaphore(%arg8 : memref<!tpu.dma_semaphore, #tpu.memory_space<semaphore_mem>>)
    %add3A_273 = arith.constant 0 : i32
    %add3A_274 = arith.addi %add3A_273, %add3A : i32
    %add3A_275 = arith.constant 128 : i32
    %add3A_276 = arith.addi %add3A_274, %add3A_275 : i32
    %mul3A_277 = arith.constant 304 : i32
    %mul3A_278 = arith.muli %add3A_276, %mul3A_277 : i32
    %dma_start3A_279 = arith.constant 1216 : i32
    %dma_start3A_280 = tpu.memref_slice %arg7[%dma_start3A_279] : memref<12160xf32, #tpu.memory_space<vmem>> -> memref<304xf32, #tpu.memory_space<vmem>>
    %dma_start3A_281 = tpu.memref_slice %arg4[%mul3A_278] : memref<389120xf32, #tpu.memory_space<hbm>> -> memref<304xf32, #tpu.memory_space<hbm>>
    %dma_start3A_282 = tpu.memref_slice %arg4[%mul3A_278] : memref<389120xf32, #tpu.memory_space<hbm>> -> memref<304xf32, #tpu.memory_space<hbm>>
    %dma_start3A_283 = arith.constant 1216 : i32
    %dma_start3A_284 = tpu.memref_slice %arg7[%dma_start3A_283] : memref<12160xf32, #tpu.memory_space<vmem>> -> memref<304xf32, #tpu.memory_space<vmem>>
    tpu.enqueue_dma source(%dma_start3A_284 : memref<304xf32, #tpu.memory_space<vmem>>) target(%dma_start3A_282 : memref<304xf32, #tpu.memory_space<hbm>>) target_semaphore(%arg8 : memref<!tpu.dma_semaphore, #tpu.memory_space<semaphore_mem>>)
    %add3A_285 = arith.constant 320 : i32
    %add3A_286 = arith.addi %add3A_285, %add3A : i32
    %add3A_287 = arith.constant 128 : i32
    %add3A_288 = arith.addi %add3A_286, %add3A_287 : i32
    %mul3A_289 = arith.constant 304 : i32
    %mul3A_290 = arith.muli %add3A_288, %mul3A_289 : i32
    %dma_start3A_291 = arith.constant 4256 : i32
    %dma_start3A_292 = tpu.memref_slice %arg7[%dma_start3A_291] : memref<12160xf32, #tpu.memory_space<vmem>> -> memref<304xf32, #tpu.memory_space<vmem>>
    %dma_start3A_293 = tpu.memref_slice %arg4[%mul3A_290] : memref<389120xf32, #tpu.memory_space<hbm>> -> memref<304xf32, #tpu.memory_space<hbm>>
    %dma_start3A_294 = tpu.memref_slice %arg4[%mul3A_290] : memref<389120xf32, #tpu.memory_space<hbm>> -> memref<304xf32, #tpu.memory_space<hbm>>
    %dma_start3A_295 = arith.constant 4256 : i32
    %dma_start3A_296 = tpu.memref_slice %arg7[%dma_start3A_295] : memref<12160xf32, #tpu.memory_space<vmem>> -> memref<304xf32, #tpu.memory_space<vmem>>
    tpu.enqueue_dma source(%dma_start3A_296 : memref<304xf32, #tpu.memory_space<vmem>>) target(%dma_start3A_294 : memref<304xf32, #tpu.memory_space<hbm>>) target_semaphore(%arg8 : memref<!tpu.dma_semaphore, #tpu.memory_space<semaphore_mem>>)
    %add3A_297 = arith.constant 640 : i32
    %add3A_298 = arith.addi %add3A_297, %add3A : i32
    %add3A_299 = arith.constant 128 : i32
    %add3A_300 = arith.addi %add3A_298, %add3A_299 : i32
    %mul3A_301 = arith.constant 304 : i32
    %mul3A_302 = arith.muli %add3A_300, %mul3A_301 : i32
    %dma_start3A_303 = arith.constant 7296 : i32
    %dma_start3A_304 = tpu.memref_slice %arg7[%dma_start3A_303] : memref<12160xf32, #tpu.memory_space<vmem>> -> memref<304xf32, #tpu.memory_space<vmem>>
    %dma_start3A_305 = tpu.memref_slice %arg4[%mul3A_302] : memref<389120xf32, #tpu.memory_space<hbm>> -> memref<304xf32, #tpu.memory_space<hbm>>
    %dma_start3A_306 = tpu.memref_slice %arg4[%mul3A_302] : memref<389120xf32, #tpu.memory_space<hbm>> -> memref<304xf32, #tpu.memory_space<hbm>>
    %dma_start3A_307 = arith.constant 7296 : i32
    %dma_start3A_308 = tpu.memref_slice %arg7[%dma_start3A_307] : memref<12160xf32, #tpu.memory_space<vmem>> -> memref<304xf32, #tpu.memory_space<vmem>>
    tpu.enqueue_dma source(%dma_start3A_308 : memref<304xf32, #tpu.memory_space<vmem>>) target(%dma_start3A_306 : memref<304xf32, #tpu.memory_space<hbm>>) target_semaphore(%arg8 : memref<!tpu.dma_semaphore, #tpu.memory_space<semaphore_mem>>)
    %add3A_309 = arith.constant 0 : i32
    %add3A_310 = arith.addi %add3A_309, %add3A : i32
    %add3A_311 = arith.constant 160 : i32
    %add3A_312 = arith.addi %add3A_310, %add3A_311 : i32
    %mul3A_313 = arith.constant 304 : i32
    %mul3A_314 = arith.muli %add3A_312, %mul3A_313 : i32
    %dma_start3A_315 = arith.constant 1520 : i32
    %dma_start3A_316 = tpu.memref_slice %arg7[%dma_start3A_315] : memref<12160xf32, #tpu.memory_space<vmem>> -> memref<304xf32, #tpu.memory_space<vmem>>
    %dma_start3A_317 = tpu.memref_slice %arg4[%mul3A_314] : memref<389120xf32, #tpu.memory_space<hbm>> -> memref<304xf32, #tpu.memory_space<hbm>>
    %dma_start3A_318 = tpu.memref_slice %arg4[%mul3A_314] : memref<389120xf32, #tpu.memory_space<hbm>> -> memref<304xf32, #tpu.memory_space<hbm>>
    %dma_start3A_319 = arith.constant 1520 : i32
    %dma_start3A_320 = tpu.memref_slice %arg7[%dma_start3A_319] : memref<12160xf32, #tpu.memory_space<vmem>> -> memref<304xf32, #tpu.memory_space<vmem>>
    tpu.enqueue_dma source(%dma_start3A_320 : memref<304xf32, #tpu.memory_space<vmem>>) target(%dma_start3A_318 : memref<304xf32, #tpu.memory_space<hbm>>) target_semaphore(%arg8 : memref<!tpu.dma_semaphore, #tpu.memory_space<semaphore_mem>>)
    %add3A_321 = arith.constant 320 : i32
    %add3A_322 = arith.addi %add3A_321, %add3A : i32
    %add3A_323 = arith.constant 160 : i32
    %add3A_324 = arith.addi %add3A_322, %add3A_323 : i32
    %mul3A_325 = arith.constant 304 : i32
    %mul3A_326 = arith.muli %add3A_324, %mul3A_325 : i32
    %dma_start3A_327 = arith.constant 4560 : i32
    %dma_start3A_328 = tpu.memref_slice %arg7[%dma_start3A_327] : memref<12160xf32, #tpu.memory_space<vmem>> -> memref<304xf32, #tpu.memory_space<vmem>>
    %dma_start3A_329 = tpu.memref_slice %arg4[%mul3A_326] : memref<389120xf32, #tpu.memory_space<hbm>> -> memref<304xf32, #tpu.memory_space<hbm>>
    %dma_start3A_330 = tpu.memref_slice %arg4[%mul3A_326] : memref<389120xf32, #tpu.memory_space<hbm>> -> memref<304xf32, #tpu.memory_space<hbm>>
    %dma_start3A_331 = arith.constant 4560 : i32
    %dma_start3A_332 = tpu.memref_slice %arg7[%dma_start3A_331] : memref<12160xf32, #tpu.memory_space<vmem>> -> memref<304xf32, #tpu.memory_space<vmem>>
    tpu.enqueue_dma source(%dma_start3A_332 : memref<304xf32, #tpu.memory_space<vmem>>) target(%dma_start3A_330 : memref<304xf32, #tpu.memory_space<hbm>>) target_semaphore(%arg8 : memref<!tpu.dma_semaphore, #tpu.memory_space<semaphore_mem>>)
    %add3A_333 = arith.constant 640 : i32
    %add3A_334 = arith.addi %add3A_333, %add3A : i32
    %add3A_335 = arith.constant 160 : i32
    %add3A_336 = arith.addi %add3A_334, %add3A_335 : i32
    %mul3A_337 = arith.constant 304 : i32
    %mul3A_338 = arith.muli %add3A_336, %mul3A_337 : i32
    %dma_start3A_339 = arith.constant 7600 : i32
    %dma_start3A_340 = tpu.memref_slice %arg7[%dma_start3A_339] : memref<12160xf32, #tpu.memory_space<vmem>> -> memref<304xf32, #tpu.memory_space<vmem>>
    %dma_start3A_341 = tpu.memref_slice %arg4[%mul3A_338] : memref<389120xf32, #tpu.memory_space<hbm>> -> memref<304xf32, #tpu.memory_space<hbm>>
    %dma_start3A_342 = tpu.memref_slice %arg4[%mul3A_338] : memref<389120xf32, #tpu.memory_space<hbm>> -> memref<304xf32, #tpu.memory_space<hbm>>
    %dma_start3A_343 = arith.constant 7600 : i32
    %dma_start3A_344 = tpu.memref_slice %arg7[%dma_start3A_343] : memref<12160xf32, #tpu.memory_space<vmem>> -> memref<304xf32, #tpu.memory_space<vmem>>
    tpu.enqueue_dma source(%dma_start3A_344 : memref<304xf32, #tpu.memory_space<vmem>>) target(%dma_start3A_342 : memref<304xf32, #tpu.memory_space<hbm>>) target_semaphore(%arg8 : memref<!tpu.dma_semaphore, #tpu.memory_space<semaphore_mem>>)
    %add3A_345 = arith.constant 0 : i32
    %add3A_346 = arith.addi %add3A_345, %add3A : i32
    %add3A_347 = arith.constant 192 : i32
    %add3A_348 = arith.addi %add3A_346, %add3A_347 : i32
    %mul3A_349 = arith.constant 304 : i32
    %mul3A_350 = arith.muli %add3A_348, %mul3A_349 : i32
    %dma_start3A_351 = arith.constant 1824 : i32
    %dma_start3A_352 = tpu.memref_slice %arg7[%dma_start3A_351] : memref<12160xf32, #tpu.memory_space<vmem>> -> memref<304xf32, #tpu.memory_space<vmem>>
    %dma_start3A_353 = tpu.memref_slice %arg4[%mul3A_350] : memref<389120xf32, #tpu.memory_space<hbm>> -> memref<304xf32, #tpu.memory_space<hbm>>
    %dma_start3A_354 = tpu.memref_slice %arg4[%mul3A_350] : memref<389120xf32, #tpu.memory_space<hbm>> -> memref<304xf32, #tpu.memory_space<hbm>>
    %dma_start3A_355 = arith.constant 1824 : i32
    %dma_start3A_356 = tpu.memref_slice %arg7[%dma_start3A_355] : memref<12160xf32, #tpu.memory_space<vmem>> -> memref<304xf32, #tpu.memory_space<vmem>>
    tpu.enqueue_dma source(%dma_start3A_356 : memref<304xf32, #tpu.memory_space<vmem>>) target(%dma_start3A_354 : memref<304xf32, #tpu.memory_space<hbm>>) target_semaphore(%arg8 : memref<!tpu.dma_semaphore, #tpu.memory_space<semaphore_mem>>)
    %add3A_357 = arith.constant 320 : i32
    %add3A_358 = arith.addi %add3A_357, %add3A : i32
    %add3A_359 = arith.constant 192 : i32
    %add3A_360 = arith.addi %add3A_358, %add3A_359 : i32
    %mul3A_361 = arith.constant 304 : i32
    %mul3A_362 = arith.muli %add3A_360, %mul3A_361 : i32
    %dma_start3A_363 = arith.constant 4864 : i32
    %dma_start3A_364 = tpu.memref_slice %arg7[%dma_start3A_363] : memref<12160xf32, #tpu.memory_space<vmem>> -> memref<304xf32, #tpu.memory_space<vmem>>
    %dma_start3A_365 = tpu.memref_slice %arg4[%mul3A_362] : memref<389120xf32, #tpu.memory_space<hbm>> -> memref<304xf32, #tpu.memory_space<hbm>>
    %dma_start3A_366 = tpu.memref_slice %arg4[%mul3A_362] : memref<389120xf32, #tpu.memory_space<hbm>> -> memref<304xf32, #tpu.memory_space<hbm>>
    %dma_start3A_367 = arith.constant 4864 : i32
    %dma_start3A_368 = tpu.memref_slice %arg7[%dma_start3A_367] : memref<12160xf32, #tpu.memory_space<vmem>> -> memref<304xf32, #tpu.memory_space<vmem>>
    tpu.enqueue_dma source(%dma_start3A_368 : memref<304xf32, #tpu.memory_space<vmem>>) target(%dma_start3A_366 : memref<304xf32, #tpu.memory_space<hbm>>) target_semaphore(%arg8 : memref<!tpu.dma_semaphore, #tpu.memory_space<semaphore_mem>>)
    %add3A_369 = arith.constant 640 : i32
    %add3A_370 = arith.addi %add3A_369, %add3A : i32
    %add3A_371 = arith.constant 192 : i32
    %add3A_372 = arith.addi %add3A_370, %add3A_371 : i32
    %mul3A_373 = arith.constant 304 : i32
    %mul3A_374 = arith.muli %add3A_372, %mul3A_373 : i32
    %dma_start3A_375 = arith.constant 7904 : i32
    %dma_start3A_376 = tpu.memref_slice %arg7[%dma_start3A_375] : memref<12160xf32, #tpu.memory_space<vmem>> -> memref<304xf32, #tpu.memory_space<vmem>>
    %dma_start3A_377 = tpu.memref_slice %arg4[%mul3A_374] : memref<389120xf32, #tpu.memory_space<hbm>> -> memref<304xf32, #tpu.memory_space<hbm>>
    %dma_start3A_378 = tpu.memref_slice %arg4[%mul3A_374] : memref<389120xf32, #tpu.memory_space<hbm>> -> memref<304xf32, #tpu.memory_space<hbm>>
    %dma_start3A_379 = arith.constant 7904 : i32
    %dma_start3A_380 = tpu.memref_slice %arg7[%dma_start3A_379] : memref<12160xf32, #tpu.memory_space<vmem>> -> memref<304xf32, #tpu.memory_space<vmem>>
    tpu.enqueue_dma source(%dma_start3A_380 : memref<304xf32, #tpu.memory_space<vmem>>) target(%dma_start3A_378 : memref<304xf32, #tpu.memory_space<hbm>>) target_semaphore(%arg8 : memref<!tpu.dma_semaphore, #tpu.memory_space<semaphore_mem>>)
    %add3A_381 = arith.constant 0 : i32
    %add3A_382 = arith.addi %add3A_381, %add3A : i32
    %add3A_383 = arith.constant 224 : i32
    %add3A_384 = arith.addi %add3A_382, %add3A_383 : i32
    %mul3A_385 = arith.constant 304 : i32
    %mul3A_386 = arith.muli %add3A_384, %mul3A_385 : i32
    %dma_start3A_387 = arith.constant 2128 : i32
    %dma_start3A_388 = tpu.memref_slice %arg7[%dma_start3A_387] : memref<12160xf32, #tpu.memory_space<vmem>> -> memref<304xf32, #tpu.memory_space<vmem>>
    %dma_start3A_389 = tpu.memref_slice %arg4[%mul3A_386] : memref<389120xf32, #tpu.memory_space<hbm>> -> memref<304xf32, #tpu.memory_space<hbm>>
    %dma_start3A_390 = tpu.memref_slice %arg4[%mul3A_386] : memref<389120xf32, #tpu.memory_space<hbm>> -> memref<304xf32, #tpu.memory_space<hbm>>
    %dma_start3A_391 = arith.constant 2128 : i32
    %dma_start3A_392 = tpu.memref_slice %arg7[%dma_start3A_391] : memref<12160xf32, #tpu.memory_space<vmem>> -> memref<304xf32, #tpu.memory_space<vmem>>
    tpu.enqueue_dma source(%dma_start3A_392 : memref<304xf32, #tpu.memory_space<vmem>>) target(%dma_start3A_390 : memref<304xf32, #tpu.memory_space<hbm>>) target_semaphore(%arg8 : memref<!tpu.dma_semaphore, #tpu.memory_space<semaphore_mem>>)
    %add3A_393 = arith.constant 320 : i32
    %add3A_394 = arith.addi %add3A_393, %add3A : i32
    %add3A_395 = arith.constant 224 : i32
    %add3A_396 = arith.addi %add3A_394, %add3A_395 : i32
    %mul3A_397 = arith.constant 304 : i32
    %mul3A_398 = arith.muli %add3A_396, %mul3A_397 : i32
    %dma_start3A_399 = arith.constant 5168 : i32
    %dma_start3A_400 = tpu.memref_slice %arg7[%dma_start3A_399] : memref<12160xf32, #tpu.memory_space<vmem>> -> memref<304xf32, #tpu.memory_space<vmem>>
    %dma_start3A_401 = tpu.memref_slice %arg4[%mul3A_398] : memref<389120xf32, #tpu.memory_space<hbm>> -> memref<304xf32, #tpu.memory_space<hbm>>
    %dma_start3A_402 = tpu.memref_slice %arg4[%mul3A_398] : memref<389120xf32, #tpu.memory_space<hbm>> -> memref<304xf32, #tpu.memory_space<hbm>>
    %dma_start3A_403 = arith.constant 5168 : i32
    %dma_start3A_404 = tpu.memref_slice %arg7[%dma_start3A_403] : memref<12160xf32, #tpu.memory_space<vmem>> -> memref<304xf32, #tpu.memory_space<vmem>>
    tpu.enqueue_dma source(%dma_start3A_404 : memref<304xf32, #tpu.memory_space<vmem>>) target(%dma_start3A_402 : memref<304xf32, #tpu.memory_space<hbm>>) target_semaphore(%arg8 : memref<!tpu.dma_semaphore, #tpu.memory_space<semaphore_mem>>)
    %add3A_405 = arith.constant 640 : i32
    %add3A_406 = arith.addi %add3A_405, %add3A : i32
    %add3A_407 = arith.constant 224 : i32
    %add3A_408 = arith.addi %add3A_406, %add3A_407 : i32
    %mul3A_409 = arith.constant 304 : i32
    %mul3A_410 = arith.muli %add3A_408, %mul3A_409 : i32
    %dma_start3A_411 = arith.constant 8208 : i32
    %dma_start3A_412 = tpu.memref_slice %arg7[%dma_start3A_411] : memref<12160xf32, #tpu.memory_space<vmem>> -> memref<304xf32, #tpu.memory_space<vmem>>
    %dma_start3A_413 = tpu.memref_slice %arg4[%mul3A_410] : memref<389120xf32, #tpu.memory_space<hbm>> -> memref<304xf32, #tpu.memory_space<hbm>>
    %dma_start3A_414 = tpu.memref_slice %arg4[%mul3A_410] : memref<389120xf32, #tpu.memory_space<hbm>> -> memref<304xf32, #tpu.memory_space<hbm>>
    %dma_start3A_415 = arith.constant 8208 : i32
    %dma_start3A_416 = tpu.memref_slice %arg7[%dma_start3A_415] : memref<12160xf32, #tpu.memory_space<vmem>> -> memref<304xf32, #tpu.memory_space<vmem>>
    tpu.enqueue_dma source(%dma_start3A_416 : memref<304xf32, #tpu.memory_space<vmem>>) target(%dma_start3A_414 : memref<304xf32, #tpu.memory_space<hbm>>) target_semaphore(%arg8 : memref<!tpu.dma_semaphore, #tpu.memory_space<semaphore_mem>>)
    %add3A_417 = arith.constant 0 : i32
    %add3A_418 = arith.addi %add3A_417, %add3A : i32
    %add3A_419 = arith.constant 256 : i32
    %add3A_420 = arith.addi %add3A_418, %add3A_419 : i32
    %mul3A_421 = arith.constant 304 : i32
    %mul3A_422 = arith.muli %add3A_420, %mul3A_421 : i32
    %dma_start3A_423 = arith.constant 2432 : i32
    %dma_start3A_424 = tpu.memref_slice %arg7[%dma_start3A_423] : memref<12160xf32, #tpu.memory_space<vmem>> -> memref<304xf32, #tpu.memory_space<vmem>>
    %dma_start3A_425 = tpu.memref_slice %arg4[%mul3A_422] : memref<389120xf32, #tpu.memory_space<hbm>> -> memref<304xf32, #tpu.memory_space<hbm>>
    %dma_start3A_426 = tpu.memref_slice %arg4[%mul3A_422] : memref<389120xf32, #tpu.memory_space<hbm>> -> memref<304xf32, #tpu.memory_space<hbm>>
    %dma_start3A_427 = arith.constant 2432 : i32
    %dma_start3A_428 = tpu.memref_slice %arg7[%dma_start3A_427] : memref<12160xf32, #tpu.memory_space<vmem>> -> memref<304xf32, #tpu.memory_space<vmem>>
    tpu.enqueue_dma source(%dma_start3A_428 : memref<304xf32, #tpu.memory_space<vmem>>) target(%dma_start3A_426 : memref<304xf32, #tpu.memory_space<hbm>>) target_semaphore(%arg8 : memref<!tpu.dma_semaphore, #tpu.memory_space<semaphore_mem>>)
    %add3A_429 = arith.constant 320 : i32
    %add3A_430 = arith.addi %add3A_429, %add3A : i32
    %add3A_431 = arith.constant 256 : i32
    %add3A_432 = arith.addi %add3A_430, %add3A_431 : i32
    %mul3A_433 = arith.constant 304 : i32
    %mul3A_434 = arith.muli %add3A_432, %mul3A_433 : i32
    %dma_start3A_435 = arith.constant 5472 : i32
    %dma_start3A_436 = tpu.memref_slice %arg7[%dma_start3A_435] : memref<12160xf32, #tpu.memory_space<vmem>> -> memref<304xf32, #tpu.memory_space<vmem>>
    %dma_start3A_437 = tpu.memref_slice %arg4[%mul3A_434] : memref<389120xf32, #tpu.memory_space<hbm>> -> memref<304xf32, #tpu.memory_space<hbm>>
    %dma_start3A_438 = tpu.memref_slice %arg4[%mul3A_434] : memref<389120xf32, #tpu.memory_space<hbm>> -> memref<304xf32, #tpu.memory_space<hbm>>
    %dma_start3A_439 = arith.constant 5472 : i32
    %dma_start3A_440 = tpu.memref_slice %arg7[%dma_start3A_439] : memref<12160xf32, #tpu.memory_space<vmem>> -> memref<304xf32, #tpu.memory_space<vmem>>
    tpu.enqueue_dma source(%dma_start3A_440 : memref<304xf32, #tpu.memory_space<vmem>>) target(%dma_start3A_438 : memref<304xf32, #tpu.memory_space<hbm>>) target_semaphore(%arg8 : memref<!tpu.dma_semaphore, #tpu.memory_space<semaphore_mem>>)
    %add3A_441 = arith.constant 640 : i32
    %add3A_442 = arith.addi %add3A_441, %add3A : i32
    %add3A_443 = arith.constant 256 : i32
    %add3A_444 = arith.addi %add3A_442, %add3A_443 : i32
    %mul3A_445 = arith.constant 304 : i32
    %mul3A_446 = arith.muli %add3A_444, %mul3A_445 : i32
    %dma_start3A_447 = arith.constant 8512 : i32
    %dma_start3A_448 = tpu.memref_slice %arg7[%dma_start3A_447] : memref<12160xf32, #tpu.memory_space<vmem>> -> memref<304xf32, #tpu.memory_space<vmem>>
    %dma_start3A_449 = tpu.memref_slice %arg4[%mul3A_446] : memref<389120xf32, #tpu.memory_space<hbm>> -> memref<304xf32, #tpu.memory_space<hbm>>
    %dma_start3A_450 = tpu.memref_slice %arg4[%mul3A_446] : memref<389120xf32, #tpu.memory_space<hbm>> -> memref<304xf32, #tpu.memory_space<hbm>>
    %dma_start3A_451 = arith.constant 8512 : i32
    %dma_start3A_452 = tpu.memref_slice %arg7[%dma_start3A_451] : memref<12160xf32, #tpu.memory_space<vmem>> -> memref<304xf32, #tpu.memory_space<vmem>>
    tpu.enqueue_dma source(%dma_start3A_452 : memref<304xf32, #tpu.memory_space<vmem>>) target(%dma_start3A_450 : memref<304xf32, #tpu.memory_space<hbm>>) target_semaphore(%arg8 : memref<!tpu.dma_semaphore, #tpu.memory_space<semaphore_mem>>)
    %add3A_453 = arith.constant 0 : i32
    %add3A_454 = arith.addi %add3A_453, %add3A : i32
    %add3A_455 = arith.constant 288 : i32
    %add3A_456 = arith.addi %add3A_454, %add3A_455 : i32
    %mul3A_457 = arith.constant 304 : i32
    %mul3A_458 = arith.muli %add3A_456, %mul3A_457 : i32
    %dma_start3A_459 = arith.constant 2736 : i32
    %dma_start3A_460 = tpu.memref_slice %arg7[%dma_start3A_459] : memref<12160xf32, #tpu.memory_space<vmem>> -> memref<304xf32, #tpu.memory_space<vmem>>
    %dma_start3A_461 = tpu.memref_slice %arg4[%mul3A_458] : memref<389120xf32, #tpu.memory_space<hbm>> -> memref<304xf32, #tpu.memory_space<hbm>>
    %dma_start3A_462 = tpu.memref_slice %arg4[%mul3A_458] : memref<389120xf32, #tpu.memory_space<hbm>> -> memref<304xf32, #tpu.memory_space<hbm>>
    %dma_start3A_463 = arith.constant 2736 : i32
    %dma_start3A_464 = tpu.memref_slice %arg7[%dma_start3A_463] : memref<12160xf32, #tpu.memory_space<vmem>> -> memref<304xf32, #tpu.memory_space<vmem>>
    tpu.enqueue_dma source(%dma_start3A_464 : memref<304xf32, #tpu.memory_space<vmem>>) target(%dma_start3A_462 : memref<304xf32, #tpu.memory_space<hbm>>) target_semaphore(%arg8 : memref<!tpu.dma_semaphore, #tpu.memory_space<semaphore_mem>>)
    %add3A_465 = arith.constant 320 : i32
    %add3A_466 = arith.addi %add3A_465, %add3A : i32
    %add3A_467 = arith.constant 288 : i32
    %add3A_468 = arith.addi %add3A_466, %add3A_467 : i32
    %mul3A_469 = arith.constant 304 : i32
    %mul3A_470 = arith.muli %add3A_468, %mul3A_469 : i32
    %dma_start3A_471 = arith.constant 5776 : i32
    %dma_start3A_472 = tpu.memref_slice %arg7[%dma_start3A_471] : memref<12160xf32, #tpu.memory_space<vmem>> -> memref<304xf32, #tpu.memory_space<vmem>>
    %dma_start3A_473 = tpu.memref_slice %arg4[%mul3A_470] : memref<389120xf32, #tpu.memory_space<hbm>> -> memref<304xf32, #tpu.memory_space<hbm>>
    %dma_start3A_474 = tpu.memref_slice %arg4[%mul3A_470] : memref<389120xf32, #tpu.memory_space<hbm>> -> memref<304xf32, #tpu.memory_space<hbm>>
    %dma_start3A_475 = arith.constant 5776 : i32
    %dma_start3A_476 = tpu.memref_slice %arg7[%dma_start3A_475] : memref<12160xf32, #tpu.memory_space<vmem>> -> memref<304xf32, #tpu.memory_space<vmem>>
    tpu.enqueue_dma source(%dma_start3A_476 : memref<304xf32, #tpu.memory_space<vmem>>) target(%dma_start3A_474 : memref<304xf32, #tpu.memory_space<hbm>>) target_semaphore(%arg8 : memref<!tpu.dma_semaphore, #tpu.memory_space<semaphore_mem>>)
    %add3A_477 = arith.constant 640 : i32
    %add3A_478 = arith.addi %add3A_477, %add3A : i32
    %add3A_479 = arith.constant 288 : i32
    %add3A_480 = arith.addi %add3A_478, %add3A_479 : i32
    %mul3A_481 = arith.constant 304 : i32
    %mul3A_482 = arith.muli %add3A_480, %mul3A_481 : i32
    %dma_start3A_483 = arith.constant 8816 : i32
    %dma_start3A_484 = tpu.memref_slice %arg7[%dma_start3A_483] : memref<12160xf32, #tpu.memory_space<vmem>> -> memref<304xf32, #tpu.memory_space<vmem>>
    %dma_start3A_485 = tpu.memref_slice %arg4[%mul3A_482] : memref<389120xf32, #tpu.memory_space<hbm>> -> memref<304xf32, #tpu.memory_space<hbm>>
    %dma_start3A_486 = tpu.memref_slice %arg4[%mul3A_482] : memref<389120xf32, #tpu.memory_space<hbm>> -> memref<304xf32, #tpu.memory_space<hbm>>
    %dma_start3A_487 = arith.constant 8816 : i32
    %dma_start3A_488 = tpu.memref_slice %arg7[%dma_start3A_487] : memref<12160xf32, #tpu.memory_space<vmem>> -> memref<304xf32, #tpu.memory_space<vmem>>
    tpu.enqueue_dma source(%dma_start3A_488 : memref<304xf32, #tpu.memory_space<vmem>>) target(%dma_start3A_486 : memref<304xf32, #tpu.memory_space<hbm>>) target_semaphore(%arg8 : memref<!tpu.dma_semaphore, #tpu.memory_space<semaphore_mem>>)
    %add3A_489 = arith.constant 0 : i32
    %add3A_490 = arith.addi %add3A_489, %add3A : i32
    %add3A_491 = arith.constant 0 : i32
    %add3A_492 = arith.addi %add3A_490, %add3A_491 : i32
    %mul3A_493 = arith.constant 304 : i32
    %mul3A_494 = arith.muli %add3A_492, %mul3A_493 : i32
    %dma_wait3A = arith.constant 0 : i32
    %dma_wait3A_495 = tpu.memref_slice %arg7[%dma_wait3A] : memref<12160xf32, #tpu.memory_space<vmem>> -> memref<304xf32, #tpu.memory_space<vmem>>
    %dma_wait3A_496 = tpu.memref_slice %arg4[%mul3A_494] : memref<389120xf32, #tpu.memory_space<hbm>> -> memref<304xf32, #tpu.memory_space<hbm>>
    %dma_wait3A_497 = tpu.memref_slice %arg4[%mul3A_494] : memref<389120xf32, #tpu.memory_space<hbm>> -> memref<304xf32, #tpu.memory_space<hbm>>
    %dma_wait3A_498 = arith.constant 0 : i32
    %dma_wait3A_499 = tpu.memref_slice %arg7[%dma_wait3A_498] : memref<12160xf32, #tpu.memory_space<vmem>> -> memref<304xf32, #tpu.memory_space<vmem>>
    tpu.wait_dma2 semaphore(%arg8 : memref<!tpu.dma_semaphore, #tpu.memory_space<semaphore_mem>>) src(%dma_wait3A_499 : memref<304xf32, #tpu.memory_space<vmem>>) dst(%dma_wait3A_497 : memref<304xf32, #tpu.memory_space<hbm>>)
    %add3A_500 = arith.constant 320 : i32
    %add3A_501 = arith.addi %add3A_500, %add3A : i32
    %add3A_502 = arith.constant 0 : i32
    %add3A_503 = arith.addi %add3A_501, %add3A_502 : i32
    %mul3A_504 = arith.constant 304 : i32
    %mul3A_505 = arith.muli %add3A_503, %mul3A_504 : i32
    %dma_wait3A_506 = arith.constant 3040 : i32
    %dma_wait3A_507 = tpu.memref_slice %arg7[%dma_wait3A_506] : memref<12160xf32, #tpu.memory_space<vmem>> -> memref<304xf32, #tpu.memory_space<vmem>>
    %dma_wait3A_508 = tpu.memref_slice %arg4[%mul3A_505] : memref<389120xf32, #tpu.memory_space<hbm>> -> memref<304xf32, #tpu.memory_space<hbm>>
    %dma_wait3A_509 = tpu.memref_slice %arg4[%mul3A_505] : memref<389120xf32, #tpu.memory_space<hbm>> -> memref<304xf32, #tpu.memory_space<hbm>>
    %dma_wait3A_510 = arith.constant 3040 : i32
    %dma_wait3A_511 = tpu.memref_slice %arg7[%dma_wait3A_510] : memref<12160xf32, #tpu.memory_space<vmem>> -> memref<304xf32, #tpu.memory_space<vmem>>
    tpu.wait_dma2 semaphore(%arg8 : memref<!tpu.dma_semaphore, #tpu.memory_space<semaphore_mem>>) src(%dma_wait3A_511 : memref<304xf32, #tpu.memory_space<vmem>>) dst(%dma_wait3A_509 : memref<304xf32, #tpu.memory_space<hbm>>)
    %add3A_512 = arith.constant 640 : i32
    %add3A_513 = arith.addi %add3A_512, %add3A : i32
    %add3A_514 = arith.constant 0 : i32
    %add3A_515 = arith.addi %add3A_513, %add3A_514 : i32
    %mul3A_516 = arith.constant 304 : i32
    %mul3A_517 = arith.muli %add3A_515, %mul3A_516 : i32
    %dma_wait3A_518 = arith.constant 6080 : i32
    %dma_wait3A_519 = tpu.memref_slice %arg7[%dma_wait3A_518] : memref<12160xf32, #tpu.memory_space<vmem>> -> memref<304xf32, #tpu.memory_space<vmem>>
    %dma_wait3A_520 = tpu.memref_slice %arg4[%mul3A_517] : memref<389120xf32, #tpu.memory_space<hbm>> -> memref<304xf32, #tpu.memory_space<hbm>>
    %dma_wait3A_521 = tpu.memref_slice %arg4[%mul3A_517] : memref<389120xf32, #tpu.memory_space<hbm>> -> memref<304xf32, #tpu.memory_space<hbm>>
    %dma_wait3A_522 = arith.constant 6080 : i32
    %dma_wait3A_523 = tpu.memref_slice %arg7[%dma_wait3A_522] : memref<12160xf32, #tpu.memory_space<vmem>> -> memref<304xf32, #tpu.memory_space<vmem>>
    tpu.wait_dma2 semaphore(%arg8 : memref<!tpu.dma_semaphore, #tpu.memory_space<semaphore_mem>>) src(%dma_wait3A_523 : memref<304xf32, #tpu.memory_space<vmem>>) dst(%dma_wait3A_521 : memref<304xf32, #tpu.memory_space<hbm>>)
    %add3A_524 = arith.constant 960 : i32
    %add3A_525 = arith.addi %add3A_524, %add3A : i32
    %add3A_526 = arith.constant 0 : i32
    %add3A_527 = arith.addi %add3A_525, %add3A_526 : i32
    %mul3A_528 = arith.constant 304 : i32
    %mul3A_529 = arith.muli %add3A_527, %mul3A_528 : i32
    %dma_wait3A_530 = arith.constant 9120 : i32
    %dma_wait3A_531 = tpu.memref_slice %arg7[%dma_wait3A_530] : memref<12160xf32, #tpu.memory_space<vmem>> -> memref<304xf32, #tpu.memory_space<vmem>>
    %dma_wait3A_532 = tpu.memref_slice %arg4[%mul3A_529] : memref<389120xf32, #tpu.memory_space<hbm>> -> memref<304xf32, #tpu.memory_space<hbm>>
    %dma_wait3A_533 = tpu.memref_slice %arg4[%mul3A_529] : memref<389120xf32, #tpu.memory_space<hbm>> -> memref<304xf32, #tpu.memory_space<hbm>>
    %dma_wait3A_534 = arith.constant 9120 : i32
    %dma_wait3A_535 = tpu.memref_slice %arg7[%dma_wait3A_534] : memref<12160xf32, #tpu.memory_space<vmem>> -> memref<304xf32, #tpu.memory_space<vmem>>
    tpu.wait_dma2 semaphore(%arg8 : memref<!tpu.dma_semaphore, #tpu.memory_space<semaphore_mem>>) src(%dma_wait3A_535 : memref<304xf32, #tpu.memory_space<vmem>>) dst(%dma_wait3A_533 : memref<304xf32, #tpu.memory_space<hbm>>)
    %add3A_536 = arith.constant 0 : i32
    %add3A_537 = arith.addi %add3A_536, %add3A : i32
    %add3A_538 = arith.constant 32 : i32
    %add3A_539 = arith.addi %add3A_537, %add3A_538 : i32
    %mul3A_540 = arith.constant 304 : i32
    %mul3A_541 = arith.muli %add3A_539, %mul3A_540 : i32
    %dma_wait3A_542 = arith.constant 304 : i32
    %dma_wait3A_543 = tpu.memref_slice %arg7[%dma_wait3A_542] : memref<12160xf32, #tpu.memory_space<vmem>> -> memref<304xf32, #tpu.memory_space<vmem>>
    %dma_wait3A_544 = tpu.memref_slice %arg4[%mul3A_541] : memref<389120xf32, #tpu.memory_space<hbm>> -> memref<304xf32, #tpu.memory_space<hbm>>
    %dma_wait3A_545 = tpu.memref_slice %arg4[%mul3A_541] : memref<389120xf32, #tpu.memory_space<hbm>> -> memref<304xf32, #tpu.memory_space<hbm>>
    %dma_wait3A_546 = arith.constant 304 : i32
    %dma_wait3A_547 = tpu.memref_slice %arg7[%dma_wait3A_546] : memref<12160xf32, #tpu.memory_space<vmem>> -> memref<304xf32, #tpu.memory_space<vmem>>
    tpu.wait_dma2 semaphore(%arg8 : memref<!tpu.dma_semaphore, #tpu.memory_space<semaphore_mem>>) src(%dma_wait3A_547 : memref<304xf32, #tpu.memory_space<vmem>>) dst(%dma_wait3A_545 : memref<304xf32, #tpu.memory_space<hbm>>)
    %add3A_548 = arith.constant 320 : i32
    %add3A_549 = arith.addi %add3A_548, %add3A : i32
    %add3A_550 = arith.constant 32 : i32
    %add3A_551 = arith.addi %add3A_549, %add3A_550 : i32
    %mul3A_552 = arith.constant 304 : i32
    %mul3A_553 = arith.muli %add3A_551, %mul3A_552 : i32
    %dma_wait3A_554 = arith.constant 3344 : i32
    %dma_wait3A_555 = tpu.memref_slice %arg7[%dma_wait3A_554] : memref<12160xf32, #tpu.memory_space<vmem>> -> memref<304xf32, #tpu.memory_space<vmem>>
    %dma_wait3A_556 = tpu.memref_slice %arg4[%mul3A_553] : memref<389120xf32, #tpu.memory_space<hbm>> -> memref<304xf32, #tpu.memory_space<hbm>>
    %dma_wait3A_557 = tpu.memref_slice %arg4[%mul3A_553] : memref<389120xf32, #tpu.memory_space<hbm>> -> memref<304xf32, #tpu.memory_space<hbm>>
    %dma_wait3A_558 = arith.constant 3344 : i32
    %dma_wait3A_559 = tpu.memref_slice %arg7[%dma_wait3A_558] : memref<12160xf32, #tpu.memory_space<vmem>> -> memref<304xf32, #tpu.memory_space<vmem>>
    tpu.wait_dma2 semaphore(%arg8 : memref<!tpu.dma_semaphore, #tpu.memory_space<semaphore_mem>>) src(%dma_wait3A_559 : memref<304xf32, #tpu.memory_space<vmem>>) dst(%dma_wait3A_557 : memref<304xf32, #tpu.memory_space<hbm>>)
    %add3A_560 = arith.constant 640 : i32
    %add3A_561 = arith.addi %add3A_560, %add3A : i32
    %add3A_562 = arith.constant 32 : i32
    %add3A_563 = arith.addi %add3A_561, %add3A_562 : i32
    %mul3A_564 = arith.constant 304 : i32
    %mul3A_565 = arith.muli %add3A_563, %mul3A_564 : i32
    %dma_wait3A_566 = arith.constant 6384 : i32
    %dma_wait3A_567 = tpu.memref_slice %arg7[%dma_wait3A_566] : memref<12160xf32, #tpu.memory_space<vmem>> -> memref<304xf32, #tpu.memory_space<vmem>>
    %dma_wait3A_568 = tpu.memref_slice %arg4[%mul3A_565] : memref<389120xf32, #tpu.memory_space<hbm>> -> memref<304xf32, #tpu.memory_space<hbm>>
    %dma_wait3A_569 = tpu.memref_slice %arg4[%mul3A_565] : memref<389120xf32, #tpu.memory_space<hbm>> -> memref<304xf32, #tpu.memory_space<hbm>>
    %dma_wait3A_570 = arith.constant 6384 : i32
    %dma_wait3A_571 = tpu.memref_slice %arg7[%dma_wait3A_570] : memref<12160xf32, #tpu.memory_space<vmem>> -> memref<304xf32, #tpu.memory_space<vmem>>
    tpu.wait_dma2 semaphore(%arg8 : memref<!tpu.dma_semaphore, #tpu.memory_space<semaphore_mem>>) src(%dma_wait3A_571 : memref<304xf32, #tpu.memory_space<vmem>>) dst(%dma_wait3A_569 : memref<304xf32, #tpu.memory_space<hbm>>)
    %add3A_572 = arith.constant 960 : i32
    %add3A_573 = arith.addi %add3A_572, %add3A : i32
    %add3A_574 = arith.constant 32 : i32
    %add3A_575 = arith.addi %add3A_573, %add3A_574 : i32
    %mul3A_576 = arith.constant 304 : i32
    %mul3A_577 = arith.muli %add3A_575, %mul3A_576 : i32
    %dma_wait3A_578 = arith.constant 9424 : i32
    %dma_wait3A_579 = tpu.memref_slice %arg7[%dma_wait3A_578] : memref<12160xf32, #tpu.memory_space<vmem>> -> memref<304xf32, #tpu.memory_space<vmem>>
    %dma_wait3A_580 = tpu.memref_slice %arg4[%mul3A_577] : memref<389120xf32, #tpu.memory_space<hbm>> -> memref<304xf32, #tpu.memory_space<hbm>>
    %dma_wait3A_581 = tpu.memref_slice %arg4[%mul3A_577] : memref<389120xf32, #tpu.memory_space<hbm>> -> memref<304xf32, #tpu.memory_space<hbm>>
    %dma_wait3A_582 = arith.constant 9424 : i32
    %dma_wait3A_583 = tpu.memref_slice %arg7[%dma_wait3A_582] : memref<12160xf32, #tpu.memory_space<vmem>> -> memref<304xf32, #tpu.memory_space<vmem>>
    tpu.wait_dma2 semaphore(%arg8 : memref<!tpu.dma_semaphore, #tpu.memory_space<semaphore_mem>>) src(%dma_wait3A_583 : memref<304xf32, #tpu.memory_space<vmem>>) dst(%dma_wait3A_581 : memref<304xf32, #tpu.memory_space<hbm>>)
    %add3A_584 = arith.constant 0 : i32
    %add3A_585 = arith.addi %add3A_584, %add3A : i32
    %add3A_586 = arith.constant 64 : i32
    %add3A_587 = arith.addi %add3A_585, %add3A_586 : i32
    %mul3A_588 = arith.constant 304 : i32
    %mul3A_589 = arith.muli %add3A_587, %mul3A_588 : i32
    %dma_wait3A_590 = arith.constant 608 : i32
    %dma_wait3A_591 = tpu.memref_slice %arg7[%dma_wait3A_590] : memref<12160xf32, #tpu.memory_space<vmem>> -> memref<304xf32, #tpu.memory_space<vmem>>
    %dma_wait3A_592 = tpu.memref_slice %arg4[%mul3A_589] : memref<389120xf32, #tpu.memory_space<hbm>> -> memref<304xf32, #tpu.memory_space<hbm>>
    %dma_wait3A_593 = tpu.memref_slice %arg4[%mul3A_589] : memref<389120xf32, #tpu.memory_space<hbm>> -> memref<304xf32, #tpu.memory_space<hbm>>
    %dma_wait3A_594 = arith.constant 608 : i32
    %dma_wait3A_595 = tpu.memref_slice %arg7[%dma_wait3A_594] : memref<12160xf32, #tpu.memory_space<vmem>> -> memref<304xf32, #tpu.memory_space<vmem>>
    tpu.wait_dma2 semaphore(%arg8 : memref<!tpu.dma_semaphore, #tpu.memory_space<semaphore_mem>>) src(%dma_wait3A_595 : memref<304xf32, #tpu.memory_space<vmem>>) dst(%dma_wait3A_593 : memref<304xf32, #tpu.memory_space<hbm>>)
    %add3A_596 = arith.constant 320 : i32
    %add3A_597 = arith.addi %add3A_596, %add3A : i32
    %add3A_598 = arith.constant 64 : i32
    %add3A_599 = arith.addi %add3A_597, %add3A_598 : i32
    %mul3A_600 = arith.constant 304 : i32
    %mul3A_601 = arith.muli %add3A_599, %mul3A_600 : i32
    %dma_wait3A_602 = arith.constant 3648 : i32
    %dma_wait3A_603 = tpu.memref_slice %arg7[%dma_wait3A_602] : memref<12160xf32, #tpu.memory_space<vmem>> -> memref<304xf32, #tpu.memory_space<vmem>>
    %dma_wait3A_604 = tpu.memref_slice %arg4[%mul3A_601] : memref<389120xf32, #tpu.memory_space<hbm>> -> memref<304xf32, #tpu.memory_space<hbm>>
    %dma_wait3A_605 = tpu.memref_slice %arg4[%mul3A_601] : memref<389120xf32, #tpu.memory_space<hbm>> -> memref<304xf32, #tpu.memory_space<hbm>>
    %dma_wait3A_606 = arith.constant 3648 : i32
    %dma_wait3A_607 = tpu.memref_slice %arg7[%dma_wait3A_606] : memref<12160xf32, #tpu.memory_space<vmem>> -> memref<304xf32, #tpu.memory_space<vmem>>
    tpu.wait_dma2 semaphore(%arg8 : memref<!tpu.dma_semaphore, #tpu.memory_space<semaphore_mem>>) src(%dma_wait3A_607 : memref<304xf32, #tpu.memory_space<vmem>>) dst(%dma_wait3A_605 : memref<304xf32, #tpu.memory_space<hbm>>)
    %add3A_608 = arith.constant 640 : i32
    %add3A_609 = arith.addi %add3A_608, %add3A : i32
    %add3A_610 = arith.constant 64 : i32
    %add3A_611 = arith.addi %add3A_609, %add3A_610 : i32
    %mul3A_612 = arith.constant 304 : i32
    %mul3A_613 = arith.muli %add3A_611, %mul3A_612 : i32
    %dma_wait3A_614 = arith.constant 6688 : i32
    %dma_wait3A_615 = tpu.memref_slice %arg7[%dma_wait3A_614] : memref<12160xf32, #tpu.memory_space<vmem>> -> memref<304xf32, #tpu.memory_space<vmem>>
    %dma_wait3A_616 = tpu.memref_slice %arg4[%mul3A_613] : memref<389120xf32, #tpu.memory_space<hbm>> -> memref<304xf32, #tpu.memory_space<hbm>>
    %dma_wait3A_617 = tpu.memref_slice %arg4[%mul3A_613] : memref<389120xf32, #tpu.memory_space<hbm>> -> memref<304xf32, #tpu.memory_space<hbm>>
    %dma_wait3A_618 = arith.constant 6688 : i32
    %dma_wait3A_619 = tpu.memref_slice %arg7[%dma_wait3A_618] : memref<12160xf32, #tpu.memory_space<vmem>> -> memref<304xf32, #tpu.memory_space<vmem>>
    tpu.wait_dma2 semaphore(%arg8 : memref<!tpu.dma_semaphore, #tpu.memory_space<semaphore_mem>>) src(%dma_wait3A_619 : memref<304xf32, #tpu.memory_space<vmem>>) dst(%dma_wait3A_617 : memref<304xf32, #tpu.memory_space<hbm>>)
    %add3A_620 = arith.constant 960 : i32
    %add3A_621 = arith.addi %add3A_620, %add3A : i32
    %add3A_622 = arith.constant 64 : i32
    %add3A_623 = arith.addi %add3A_621, %add3A_622 : i32
    %mul3A_624 = arith.constant 304 : i32
    %mul3A_625 = arith.muli %add3A_623, %mul3A_624 : i32
    %dma_wait3A_626 = arith.constant 9728 : i32
    %dma_wait3A_627 = tpu.memref_slice %arg7[%dma_wait3A_626] : memref<12160xf32, #tpu.memory_space<vmem>> -> memref<304xf32, #tpu.memory_space<vmem>>
    %dma_wait3A_628 = tpu.memref_slice %arg4[%mul3A_625] : memref<389120xf32, #tpu.memory_space<hbm>> -> memref<304xf32, #tpu.memory_space<hbm>>
    %dma_wait3A_629 = tpu.memref_slice %arg4[%mul3A_625] : memref<389120xf32, #tpu.memory_space<hbm>> -> memref<304xf32, #tpu.memory_space<hbm>>
    %dma_wait3A_630 = arith.constant 9728 : i32
    %dma_wait3A_631 = tpu.memref_slice %arg7[%dma_wait3A_630] : memref<12160xf32, #tpu.memory_space<vmem>> -> memref<304xf32, #tpu.memory_space<vmem>>
    tpu.wait_dma2 semaphore(%arg8 : memref<!tpu.dma_semaphore, #tpu.memory_space<semaphore_mem>>) src(%dma_wait3A_631 : memref<304xf32, #tpu.memory_space<vmem>>) dst(%dma_wait3A_629 : memref<304xf32, #tpu.memory_space<hbm>>)
    %add3A_632 = arith.constant 0 : i32
    %add3A_633 = arith.addi %add3A_632, %add3A : i32
    %add3A_634 = arith.constant 96 : i32
    %add3A_635 = arith.addi %add3A_633, %add3A_634 : i32
    %mul3A_636 = arith.constant 304 : i32
    %mul3A_637 = arith.muli %add3A_635, %mul3A_636 : i32
    %dma_wait3A_638 = arith.constant 912 : i32
    %dma_wait3A_639 = tpu.memref_slice %arg7[%dma_wait3A_638] : memref<12160xf32, #tpu.memory_space<vmem>> -> memref<304xf32, #tpu.memory_space<vmem>>
    %dma_wait3A_640 = tpu.memref_slice %arg4[%mul3A_637] : memref<389120xf32, #tpu.memory_space<hbm>> -> memref<304xf32, #tpu.memory_space<hbm>>
    %dma_wait3A_641 = tpu.memref_slice %arg4[%mul3A_637] : memref<389120xf32, #tpu.memory_space<hbm>> -> memref<304xf32, #tpu.memory_space<hbm>>
    %dma_wait3A_642 = arith.constant 912 : i32
    %dma_wait3A_643 = tpu.memref_slice %arg7[%dma_wait3A_642] : memref<12160xf32, #tpu.memory_space<vmem>> -> memref<304xf32, #tpu.memory_space<vmem>>
    tpu.wait_dma2 semaphore(%arg8 : memref<!tpu.dma_semaphore, #tpu.memory_space<semaphore_mem>>) src(%dma_wait3A_643 : memref<304xf32, #tpu.memory_space<vmem>>) dst(%dma_wait3A_641 : memref<304xf32, #tpu.memory_space<hbm>>)
    %add3A_644 = arith.constant 320 : i32
    %add3A_645 = arith.addi %add3A_644, %add3A : i32
    %add3A_646 = arith.constant 96 : i32
    %add3A_647 = arith.addi %add3A_645, %add3A_646 : i32
    %mul3A_648 = arith.constant 304 : i32
    %mul3A_649 = arith.muli %add3A_647, %mul3A_648 : i32
    %dma_wait3A_650 = arith.constant 3952 : i32
    %dma_wait3A_651 = tpu.memref_slice %arg7[%dma_wait3A_650] : memref<12160xf32, #tpu.memory_space<vmem>> -> memref<304xf32, #tpu.memory_space<vmem>>
    %dma_wait3A_652 = tpu.memref_slice %arg4[%mul3A_649] : memref<389120xf32, #tpu.memory_space<hbm>> -> memref<304xf32, #tpu.memory_space<hbm>>
    %dma_wait3A_653 = tpu.memref_slice %arg4[%mul3A_649] : memref<389120xf32, #tpu.memory_space<hbm>> -> memref<304xf32, #tpu.memory_space<hbm>>
    %dma_wait3A_654 = arith.constant 3952 : i32
    %dma_wait3A_655 = tpu.memref_slice %arg7[%dma_wait3A_654] : memref<12160xf32, #tpu.memory_space<vmem>> -> memref<304xf32, #tpu.memory_space<vmem>>
    tpu.wait_dma2 semaphore(%arg8 : memref<!tpu.dma_semaphore, #tpu.memory_space<semaphore_mem>>) src(%dma_wait3A_655 : memref<304xf32, #tpu.memory_space<vmem>>) dst(%dma_wait3A_653 : memref<304xf32, #tpu.memory_space<hbm>>)
    %add3A_656 = arith.constant 640 : i32
    %add3A_657 = arith.addi %add3A_656, %add3A : i32
    %add3A_658 = arith.constant 96 : i32
    %add3A_659 = arith.addi %add3A_657, %add3A_658 : i32
    %mul3A_660 = arith.constant 304 : i32
    %mul3A_661 = arith.muli %add3A_659, %mul3A_660 : i32
    %dma_wait3A_662 = arith.constant 6992 : i32
    %dma_wait3A_663 = tpu.memref_slice %arg7[%dma_wait3A_662] : memref<12160xf32, #tpu.memory_space<vmem>> -> memref<304xf32, #tpu.memory_space<vmem>>
    %dma_wait3A_664 = tpu.memref_slice %arg4[%mul3A_661] : memref<389120xf32, #tpu.memory_space<hbm>> -> memref<304xf32, #tpu.memory_space<hbm>>
    %dma_wait3A_665 = tpu.memref_slice %arg4[%mul3A_661] : memref<389120xf32, #tpu.memory_space<hbm>> -> memref<304xf32, #tpu.memory_space<hbm>>
    %dma_wait3A_666 = arith.constant 6992 : i32
    %dma_wait3A_667 = tpu.memref_slice %arg7[%dma_wait3A_666] : memref<12160xf32, #tpu.memory_space<vmem>> -> memref<304xf32, #tpu.memory_space<vmem>>
    tpu.wait_dma2 semaphore(%arg8 : memref<!tpu.dma_semaphore, #tpu.memory_space<semaphore_mem>>) src(%dma_wait3A_667 : memref<304xf32, #tpu.memory_space<vmem>>) dst(%dma_wait3A_665 : memref<304xf32, #tpu.memory_space<hbm>>)
    %add3A_668 = arith.constant 960 : i32
    %add3A_669 = arith.addi %add3A_668, %add3A : i32
    %add3A_670 = arith.constant 96 : i32
    %add3A_671 = arith.addi %add3A_669, %add3A_670 : i32
    %mul3A_672 = arith.constant 304 : i32
    %mul3A_673 = arith.muli %add3A_671, %mul3A_672 : i32
    %dma_wait3A_674 = arith.constant 10032 : i32
    %dma_wait3A_675 = tpu.memref_slice %arg7[%dma_wait3A_674] : memref<12160xf32, #tpu.memory_space<vmem>> -> memref<304xf32, #tpu.memory_space<vmem>>
    %dma_wait3A_676 = tpu.memref_slice %arg4[%mul3A_673] : memref<389120xf32, #tpu.memory_space<hbm>> -> memref<304xf32, #tpu.memory_space<hbm>>
    %dma_wait3A_677 = tpu.memref_slice %arg4[%mul3A_673] : memref<389120xf32, #tpu.memory_space<hbm>> -> memref<304xf32, #tpu.memory_space<hbm>>
    %dma_wait3A_678 = arith.constant 10032 : i32
    %dma_wait3A_679 = tpu.memref_slice %arg7[%dma_wait3A_678] : memref<12160xf32, #tpu.memory_space<vmem>> -> memref<304xf32, #tpu.memory_space<vmem>>
    tpu.wait_dma2 semaphore(%arg8 : memref<!tpu.dma_semaphore, #tpu.memory_space<semaphore_mem>>) src(%dma_wait3A_679 : memref<304xf32, #tpu.memory_space<vmem>>) dst(%dma_wait3A_677 : memref<304xf32, #tpu.memory_space<hbm>>)
    %add3A_680 = arith.constant 0 : i32
    %add3A_681 = arith.addi %add3A_680, %add3A : i32
    %add3A_682 = arith.constant 128 : i32
    %add3A_683 = arith.addi %add3A_681, %add3A_682 : i32
    %mul3A_684 = arith.constant 304 : i32
    %mul3A_685 = arith.muli %add3A_683, %mul3A_684 : i32
    %dma_wait3A_686 = arith.constant 1216 : i32
    %dma_wait3A_687 = tpu.memref_slice %arg7[%dma_wait3A_686] : memref<12160xf32, #tpu.memory_space<vmem>> -> memref<304xf32, #tpu.memory_space<vmem>>
    %dma_wait3A_688 = tpu.memref_slice %arg4[%mul3A_685] : memref<389120xf32, #tpu.memory_space<hbm>> -> memref<304xf32, #tpu.memory_space<hbm>>
    %dma_wait3A_689 = tpu.memref_slice %arg4[%mul3A_685] : memref<389120xf32, #tpu.memory_space<hbm>> -> memref<304xf32, #tpu.memory_space<hbm>>
    %dma_wait3A_690 = arith.constant 1216 : i32
    %dma_wait3A_691 = tpu.memref_slice %arg7[%dma_wait3A_690] : memref<12160xf32, #tpu.memory_space<vmem>> -> memref<304xf32, #tpu.memory_space<vmem>>
    tpu.wait_dma2 semaphore(%arg8 : memref<!tpu.dma_semaphore, #tpu.memory_space<semaphore_mem>>) src(%dma_wait3A_691 : memref<304xf32, #tpu.memory_space<vmem>>) dst(%dma_wait3A_689 : memref<304xf32, #tpu.memory_space<hbm>>)
    %add3A_692 = arith.constant 320 : i32
    %add3A_693 = arith.addi %add3A_692, %add3A : i32
    %add3A_694 = arith.constant 128 : i32
    %add3A_695 = arith.addi %add3A_693, %add3A_694 : i32
    %mul3A_696 = arith.constant 304 : i32
    %mul3A_697 = arith.muli %add3A_695, %mul3A_696 : i32
    %dma_wait3A_698 = arith.constant 4256 : i32
    %dma_wait3A_699 = tpu.memref_slice %arg7[%dma_wait3A_698] : memref<12160xf32, #tpu.memory_space<vmem>> -> memref<304xf32, #tpu.memory_space<vmem>>
    %dma_wait3A_700 = tpu.memref_slice %arg4[%mul3A_697] : memref<389120xf32, #tpu.memory_space<hbm>> -> memref<304xf32, #tpu.memory_space<hbm>>
    %dma_wait3A_701 = tpu.memref_slice %arg4[%mul3A_697] : memref<389120xf32, #tpu.memory_space<hbm>> -> memref<304xf32, #tpu.memory_space<hbm>>
    %dma_wait3A_702 = arith.constant 4256 : i32
    %dma_wait3A_703 = tpu.memref_slice %arg7[%dma_wait3A_702] : memref<12160xf32, #tpu.memory_space<vmem>> -> memref<304xf32, #tpu.memory_space<vmem>>
    tpu.wait_dma2 semaphore(%arg8 : memref<!tpu.dma_semaphore, #tpu.memory_space<semaphore_mem>>) src(%dma_wait3A_703 : memref<304xf32, #tpu.memory_space<vmem>>) dst(%dma_wait3A_701 : memref<304xf32, #tpu.memory_space<hbm>>)
    %add3A_704 = arith.constant 640 : i32
    %add3A_705 = arith.addi %add3A_704, %add3A : i32
    %add3A_706 = arith.constant 128 : i32
    %add3A_707 = arith.addi %add3A_705, %add3A_706 : i32
    %mul3A_708 = arith.constant 304 : i32
    %mul3A_709 = arith.muli %add3A_707, %mul3A_708 : i32
    %dma_wait3A_710 = arith.constant 7296 : i32
    %dma_wait3A_711 = tpu.memref_slice %arg7[%dma_wait3A_710] : memref<12160xf32, #tpu.memory_space<vmem>> -> memref<304xf32, #tpu.memory_space<vmem>>
    %dma_wait3A_712 = tpu.memref_slice %arg4[%mul3A_709] : memref<389120xf32, #tpu.memory_space<hbm>> -> memref<304xf32, #tpu.memory_space<hbm>>
    %dma_wait3A_713 = tpu.memref_slice %arg4[%mul3A_709] : memref<389120xf32, #tpu.memory_space<hbm>> -> memref<304xf32, #tpu.memory_space<hbm>>
    %dma_wait3A_714 = arith.constant 7296 : i32
    %dma_wait3A_715 = tpu.memref_slice %arg7[%dma_wait3A_714] : memref<12160xf32, #tpu.memory_space<vmem>> -> memref<304xf32, #tpu.memory_space<vmem>>
    tpu.wait_dma2 semaphore(%arg8 : memref<!tpu.dma_semaphore, #tpu.memory_space<semaphore_mem>>) src(%dma_wait3A_715 : memref<304xf32, #tpu.memory_space<vmem>>) dst(%dma_wait3A_713 : memref<304xf32, #tpu.memory_space<hbm>>)
    %add3A_716 = arith.constant 960 : i32
    %add3A_717 = arith.addi %add3A_716, %add3A : i32
    %add3A_718 = arith.constant 128 : i32
    %add3A_719 = arith.addi %add3A_717, %add3A_718 : i32
    %mul3A_720 = arith.constant 304 : i32
    %mul3A_721 = arith.muli %add3A_719, %mul3A_720 : i32
    %dma_wait3A_722 = arith.constant 10336 : i32
    %dma_wait3A_723 = tpu.memref_slice %arg7[%dma_wait3A_722] : memref<12160xf32, #tpu.memory_space<vmem>> -> memref<304xf32, #tpu.memory_space<vmem>>
    %dma_wait3A_724 = tpu.memref_slice %arg4[%mul3A_721] : memref<389120xf32, #tpu.memory_space<hbm>> -> memref<304xf32, #tpu.memory_space<hbm>>
    %dma_wait3A_725 = tpu.memref_slice %arg4[%mul3A_721] : memref<389120xf32, #tpu.memory_space<hbm>> -> memref<304xf32, #tpu.memory_space<hbm>>
    %dma_wait3A_726 = arith.constant 10336 : i32
    %dma_wait3A_727 = tpu.memref_slice %arg7[%dma_wait3A_726] : memref<12160xf32, #tpu.memory_space<vmem>> -> memref<304xf32, #tpu.memory_space<vmem>>
    tpu.wait_dma2 semaphore(%arg8 : memref<!tpu.dma_semaphore, #tpu.memory_space<semaphore_mem>>) src(%dma_wait3A_727 : memref<304xf32, #tpu.memory_space<vmem>>) dst(%dma_wait3A_725 : memref<304xf32, #tpu.memory_space<hbm>>)
    %add3A_728 = arith.constant 0 : i32
    %add3A_729 = arith.addi %add3A_728, %add3A : i32
    %add3A_730 = arith.constant 160 : i32
    %add3A_731 = arith.addi %add3A_729, %add3A_730 : i32
    %mul3A_732 = arith.constant 304 : i32
    %mul3A_733 = arith.muli %add3A_731, %mul3A_732 : i32
    %dma_wait3A_734 = arith.constant 1520 : i32
    %dma_wait3A_735 = tpu.memref_slice %arg7[%dma_wait3A_734] : memref<12160xf32, #tpu.memory_space<vmem>> -> memref<304xf32, #tpu.memory_space<vmem>>
    %dma_wait3A_736 = tpu.memref_slice %arg4[%mul3A_733] : memref<389120xf32, #tpu.memory_space<hbm>> -> memref<304xf32, #tpu.memory_space<hbm>>
    %dma_wait3A_737 = tpu.memref_slice %arg4[%mul3A_733] : memref<389120xf32, #tpu.memory_space<hbm>> -> memref<304xf32, #tpu.memory_space<hbm>>
    %dma_wait3A_738 = arith.constant 1520 : i32
    %dma_wait3A_739 = tpu.memref_slice %arg7[%dma_wait3A_738] : memref<12160xf32, #tpu.memory_space<vmem>> -> memref<304xf32, #tpu.memory_space<vmem>>
    tpu.wait_dma2 semaphore(%arg8 : memref<!tpu.dma_semaphore, #tpu.memory_space<semaphore_mem>>) src(%dma_wait3A_739 : memref<304xf32, #tpu.memory_space<vmem>>) dst(%dma_wait3A_737 : memref<304xf32, #tpu.memory_space<hbm>>)
    %add3A_740 = arith.constant 320 : i32
    %add3A_741 = arith.addi %add3A_740, %add3A : i32
    %add3A_742 = arith.constant 160 : i32
    %add3A_743 = arith.addi %add3A_741, %add3A_742 : i32
    %mul3A_744 = arith.constant 304 : i32
    %mul3A_745 = arith.muli %add3A_743, %mul3A_744 : i32
    %dma_wait3A_746 = arith.constant 4560 : i32
    %dma_wait3A_747 = tpu.memref_slice %arg7[%dma_wait3A_746] : memref<12160xf32, #tpu.memory_space<vmem>> -> memref<304xf32, #tpu.memory_space<vmem>>
    %dma_wait3A_748 = tpu.memref_slice %arg4[%mul3A_745] : memref<389120xf32, #tpu.memory_space<hbm>> -> memref<304xf32, #tpu.memory_space<hbm>>
    %dma_wait3A_749 = tpu.memref_slice %arg4[%mul3A_745] : memref<389120xf32, #tpu.memory_space<hbm>> -> memref<304xf32, #tpu.memory_space<hbm>>
    %dma_wait3A_750 = arith.constant 4560 : i32
    %dma_wait3A_751 = tpu.memref_slice %arg7[%dma_wait3A_750] : memref<12160xf32, #tpu.memory_space<vmem>> -> memref<304xf32, #tpu.memory_space<vmem>>
    tpu.wait_dma2 semaphore(%arg8 : memref<!tpu.dma_semaphore, #tpu.memory_space<semaphore_mem>>) src(%dma_wait3A_751 : memref<304xf32, #tpu.memory_space<vmem>>) dst(%dma_wait3A_749 : memref<304xf32, #tpu.memory_space<hbm>>)
    %add3A_752 = arith.constant 640 : i32
    %add3A_753 = arith.addi %add3A_752, %add3A : i32
    %add3A_754 = arith.constant 160 : i32
    %add3A_755 = arith.addi %add3A_753, %add3A_754 : i32
    %mul3A_756 = arith.constant 304 : i32
    %mul3A_757 = arith.muli %add3A_755, %mul3A_756 : i32
    %dma_wait3A_758 = arith.constant 7600 : i32
    %dma_wait3A_759 = tpu.memref_slice %arg7[%dma_wait3A_758] : memref<12160xf32, #tpu.memory_space<vmem>> -> memref<304xf32, #tpu.memory_space<vmem>>
    %dma_wait3A_760 = tpu.memref_slice %arg4[%mul3A_757] : memref<389120xf32, #tpu.memory_space<hbm>> -> memref<304xf32, #tpu.memory_space<hbm>>
    %dma_wait3A_761 = tpu.memref_slice %arg4[%mul3A_757] : memref<389120xf32, #tpu.memory_space<hbm>> -> memref<304xf32, #tpu.memory_space<hbm>>
    %dma_wait3A_762 = arith.constant 7600 : i32
    %dma_wait3A_763 = tpu.memref_slice %arg7[%dma_wait3A_762] : memref<12160xf32, #tpu.memory_space<vmem>> -> memref<304xf32, #tpu.memory_space<vmem>>
    tpu.wait_dma2 semaphore(%arg8 : memref<!tpu.dma_semaphore, #tpu.memory_space<semaphore_mem>>) src(%dma_wait3A_763 : memref<304xf32, #tpu.memory_space<vmem>>) dst(%dma_wait3A_761 : memref<304xf32, #tpu.memory_space<hbm>>)
    %add3A_764 = arith.constant 960 : i32
    %add3A_765 = arith.addi %add3A_764, %add3A : i32
    %add3A_766 = arith.constant 160 : i32
    %add3A_767 = arith.addi %add3A_765, %add3A_766 : i32
    %mul3A_768 = arith.constant 304 : i32
    %mul3A_769 = arith.muli %add3A_767, %mul3A_768 : i32
    %dma_wait3A_770 = arith.constant 10640 : i32
    %dma_wait3A_771 = tpu.memref_slice %arg7[%dma_wait3A_770] : memref<12160xf32, #tpu.memory_space<vmem>> -> memref<304xf32, #tpu.memory_space<vmem>>
    %dma_wait3A_772 = tpu.memref_slice %arg4[%mul3A_769] : memref<389120xf32, #tpu.memory_space<hbm>> -> memref<304xf32, #tpu.memory_space<hbm>>
    %dma_wait3A_773 = tpu.memref_slice %arg4[%mul3A_769] : memref<389120xf32, #tpu.memory_space<hbm>> -> memref<304xf32, #tpu.memory_space<hbm>>
    %dma_wait3A_774 = arith.constant 10640 : i32
    %dma_wait3A_775 = tpu.memref_slice %arg7[%dma_wait3A_774] : memref<12160xf32, #tpu.memory_space<vmem>> -> memref<304xf32, #tpu.memory_space<vmem>>
    tpu.wait_dma2 semaphore(%arg8 : memref<!tpu.dma_semaphore, #tpu.memory_space<semaphore_mem>>) src(%dma_wait3A_775 : memref<304xf32, #tpu.memory_space<vmem>>) dst(%dma_wait3A_773 : memref<304xf32, #tpu.memory_space<hbm>>)
    %add3A_776 = arith.constant 0 : i32
    %add3A_777 = arith.addi %add3A_776, %add3A : i32
    %add3A_778 = arith.constant 192 : i32
    %add3A_779 = arith.addi %add3A_777, %add3A_778 : i32
    %mul3A_780 = arith.constant 304 : i32
    %mul3A_781 = arith.muli %add3A_779, %mul3A_780 : i32
    %dma_wait3A_782 = arith.constant 1824 : i32
    %dma_wait3A_783 = tpu.memref_slice %arg7[%dma_wait3A_782] : memref<12160xf32, #tpu.memory_space<vmem>> -> memref<304xf32, #tpu.memory_space<vmem>>
    %dma_wait3A_784 = tpu.memref_slice %arg4[%mul3A_781] : memref<389120xf32, #tpu.memory_space<hbm>> -> memref<304xf32, #tpu.memory_space<hbm>>
    %dma_wait3A_785 = tpu.memref_slice %arg4[%mul3A_781] : memref<389120xf32, #tpu.memory_space<hbm>> -> memref<304xf32, #tpu.memory_space<hbm>>
    %dma_wait3A_786 = arith.constant 1824 : i32
    %dma_wait3A_787 = tpu.memref_slice %arg7[%dma_wait3A_786] : memref<12160xf32, #tpu.memory_space<vmem>> -> memref<304xf32, #tpu.memory_space<vmem>>
    tpu.wait_dma2 semaphore(%arg8 : memref<!tpu.dma_semaphore, #tpu.memory_space<semaphore_mem>>) src(%dma_wait3A_787 : memref<304xf32, #tpu.memory_space<vmem>>) dst(%dma_wait3A_785 : memref<304xf32, #tpu.memory_space<hbm>>)
    %add3A_788 = arith.constant 320 : i32
    %add3A_789 = arith.addi %add3A_788, %add3A : i32
    %add3A_790 = arith.constant 192 : i32
    %add3A_791 = arith.addi %add3A_789, %add3A_790 : i32
    %mul3A_792 = arith.constant 304 : i32
    %mul3A_793 = arith.muli %add3A_791, %mul3A_792 : i32
    %dma_wait3A_794 = arith.constant 4864 : i32
    %dma_wait3A_795 = tpu.memref_slice %arg7[%dma_wait3A_794] : memref<12160xf32, #tpu.memory_space<vmem>> -> memref<304xf32, #tpu.memory_space<vmem>>
    %dma_wait3A_796 = tpu.memref_slice %arg4[%mul3A_793] : memref<389120xf32, #tpu.memory_space<hbm>> -> memref<304xf32, #tpu.memory_space<hbm>>
    %dma_wait3A_797 = tpu.memref_slice %arg4[%mul3A_793] : memref<389120xf32, #tpu.memory_space<hbm>> -> memref<304xf32, #tpu.memory_space<hbm>>
    %dma_wait3A_798 = arith.constant 4864 : i32
    %dma_wait3A_799 = tpu.memref_slice %arg7[%dma_wait3A_798] : memref<12160xf32, #tpu.memory_space<vmem>> -> memref<304xf32, #tpu.memory_space<vmem>>
    tpu.wait_dma2 semaphore(%arg8 : memref<!tpu.dma_semaphore, #tpu.memory_space<semaphore_mem>>) src(%dma_wait3A_799 : memref<304xf32, #tpu.memory_space<vmem>>) dst(%dma_wait3A_797 : memref<304xf32, #tpu.memory_space<hbm>>)
    %add3A_800 = arith.constant 640 : i32
    %add3A_801 = arith.addi %add3A_800, %add3A : i32
    %add3A_802 = arith.constant 192 : i32
    %add3A_803 = arith.addi %add3A_801, %add3A_802 : i32
    %mul3A_804 = arith.constant 304 : i32
    %mul3A_805 = arith.muli %add3A_803, %mul3A_804 : i32
    %dma_wait3A_806 = arith.constant 7904 : i32
    %dma_wait3A_807 = tpu.memref_slice %arg7[%dma_wait3A_806] : memref<12160xf32, #tpu.memory_space<vmem>> -> memref<304xf32, #tpu.memory_space<vmem>>
    %dma_wait3A_808 = tpu.memref_slice %arg4[%mul3A_805] : memref<389120xf32, #tpu.memory_space<hbm>> -> memref<304xf32, #tpu.memory_space<hbm>>
    %dma_wait3A_809 = tpu.memref_slice %arg4[%mul3A_805] : memref<389120xf32, #tpu.memory_space<hbm>> -> memref<304xf32, #tpu.memory_space<hbm>>
    %dma_wait3A_810 = arith.constant 7904 : i32
    %dma_wait3A_811 = tpu.memref_slice %arg7[%dma_wait3A_810] : memref<12160xf32, #tpu.memory_space<vmem>> -> memref<304xf32, #tpu.memory_space<vmem>>
    tpu.wait_dma2 semaphore(%arg8 : memref<!tpu.dma_semaphore, #tpu.memory_space<semaphore_mem>>) src(%dma_wait3A_811 : memref<304xf32, #tpu.memory_space<vmem>>) dst(%dma_wait3A_809 : memref<304xf32, #tpu.memory_space<hbm>>)
    %add3A_812 = arith.constant 960 : i32
    %add3A_813 = arith.addi %add3A_812, %add3A : i32
    %add3A_814 = arith.constant 192 : i32
    %add3A_815 = arith.addi %add3A_813, %add3A_814 : i32
    %mul3A_816 = arith.constant 304 : i32
    %mul3A_817 = arith.muli %add3A_815, %mul3A_816 : i32
    %dma_wait3A_818 = arith.constant 10944 : i32
    %dma_wait3A_819 = tpu.memref_slice %arg7[%dma_wait3A_818] : memref<12160xf32, #tpu.memory_space<vmem>> -> memref<304xf32, #tpu.memory_space<vmem>>
    %dma_wait3A_820 = tpu.memref_slice %arg4[%mul3A_817] : memref<389120xf32, #tpu.memory_space<hbm>> -> memref<304xf32, #tpu.memory_space<hbm>>
    %dma_wait3A_821 = tpu.memref_slice %arg4[%mul3A_817] : memref<389120xf32, #tpu.memory_space<hbm>> -> memref<304xf32, #tpu.memory_space<hbm>>
    %dma_wait3A_822 = arith.constant 10944 : i32
    %dma_wait3A_823 = tpu.memref_slice %arg7[%dma_wait3A_822] : memref<12160xf32, #tpu.memory_space<vmem>> -> memref<304xf32, #tpu.memory_space<vmem>>
    tpu.wait_dma2 semaphore(%arg8 : memref<!tpu.dma_semaphore, #tpu.memory_space<semaphore_mem>>) src(%dma_wait3A_823 : memref<304xf32, #tpu.memory_space<vmem>>) dst(%dma_wait3A_821 : memref<304xf32, #tpu.memory_space<hbm>>)
    %add3A_824 = arith.constant 0 : i32
    %add3A_825 = arith.addi %add3A_824, %add3A : i32
    %add3A_826 = arith.constant 224 : i32
    %add3A_827 = arith.addi %add3A_825, %add3A_826 : i32
    %mul3A_828 = arith.constant 304 : i32
    %mul3A_829 = arith.muli %add3A_827, %mul3A_828 : i32
    %dma_wait3A_830 = arith.constant 2128 : i32
    %dma_wait3A_831 = tpu.memref_slice %arg7[%dma_wait3A_830] : memref<12160xf32, #tpu.memory_space<vmem>> -> memref<304xf32, #tpu.memory_space<vmem>>
    %dma_wait3A_832 = tpu.memref_slice %arg4[%mul3A_829] : memref<389120xf32, #tpu.memory_space<hbm>> -> memref<304xf32, #tpu.memory_space<hbm>>
    %dma_wait3A_833 = tpu.memref_slice %arg4[%mul3A_829] : memref<389120xf32, #tpu.memory_space<hbm>> -> memref<304xf32, #tpu.memory_space<hbm>>
    %dma_wait3A_834 = arith.constant 2128 : i32
    %dma_wait3A_835 = tpu.memref_slice %arg7[%dma_wait3A_834] : memref<12160xf32, #tpu.memory_space<vmem>> -> memref<304xf32, #tpu.memory_space<vmem>>
    tpu.wait_dma2 semaphore(%arg8 : memref<!tpu.dma_semaphore, #tpu.memory_space<semaphore_mem>>) src(%dma_wait3A_835 : memref<304xf32, #tpu.memory_space<vmem>>) dst(%dma_wait3A_833 : memref<304xf32, #tpu.memory_space<hbm>>)
    %add3A_836 = arith.constant 320 : i32
    %add3A_837 = arith.addi %add3A_836, %add3A : i32
    %add3A_838 = arith.constant 224 : i32
    %add3A_839 = arith.addi %add3A_837, %add3A_838 : i32
    %mul3A_840 = arith.constant 304 : i32
    %mul3A_841 = arith.muli %add3A_839, %mul3A_840 : i32
    %dma_wait3A_842 = arith.constant 5168 : i32
    %dma_wait3A_843 = tpu.memref_slice %arg7[%dma_wait3A_842] : memref<12160xf32, #tpu.memory_space<vmem>> -> memref<304xf32, #tpu.memory_space<vmem>>
    %dma_wait3A_844 = tpu.memref_slice %arg4[%mul3A_841] : memref<389120xf32, #tpu.memory_space<hbm>> -> memref<304xf32, #tpu.memory_space<hbm>>
    %dma_wait3A_845 = tpu.memref_slice %arg4[%mul3A_841] : memref<389120xf32, #tpu.memory_space<hbm>> -> memref<304xf32, #tpu.memory_space<hbm>>
    %dma_wait3A_846 = arith.constant 5168 : i32
    %dma_wait3A_847 = tpu.memref_slice %arg7[%dma_wait3A_846] : memref<12160xf32, #tpu.memory_space<vmem>> -> memref<304xf32, #tpu.memory_space<vmem>>
    tpu.wait_dma2 semaphore(%arg8 : memref<!tpu.dma_semaphore, #tpu.memory_space<semaphore_mem>>) src(%dma_wait3A_847 : memref<304xf32, #tpu.memory_space<vmem>>) dst(%dma_wait3A_845 : memref<304xf32, #tpu.memory_space<hbm>>)
    %add3A_848 = arith.constant 640 : i32
    %add3A_849 = arith.addi %add3A_848, %add3A : i32
    %add3A_850 = arith.constant 224 : i32
    %add3A_851 = arith.addi %add3A_849, %add3A_850 : i32
    %mul3A_852 = arith.constant 304 : i32
    %mul3A_853 = arith.muli %add3A_851, %mul3A_852 : i32
    %dma_wait3A_854 = arith.constant 8208 : i32
    %dma_wait3A_855 = tpu.memref_slice %arg7[%dma_wait3A_854] : memref<12160xf32, #tpu.memory_space<vmem>> -> memref<304xf32, #tpu.memory_space<vmem>>
    %dma_wait3A_856 = tpu.memref_slice %arg4[%mul3A_853] : memref<389120xf32, #tpu.memory_space<hbm>> -> memref<304xf32, #tpu.memory_space<hbm>>
    %dma_wait3A_857 = tpu.memref_slice %arg4[%mul3A_853] : memref<389120xf32, #tpu.memory_space<hbm>> -> memref<304xf32, #tpu.memory_space<hbm>>
    %dma_wait3A_858 = arith.constant 8208 : i32
    %dma_wait3A_859 = tpu.memref_slice %arg7[%dma_wait3A_858] : memref<12160xf32, #tpu.memory_space<vmem>> -> memref<304xf32, #tpu.memory_space<vmem>>
    tpu.wait_dma2 semaphore(%arg8 : memref<!tpu.dma_semaphore, #tpu.memory_space<semaphore_mem>>) src(%dma_wait3A_859 : memref<304xf32, #tpu.memory_space<vmem>>) dst(%dma_wait3A_857 : memref<304xf32, #tpu.memory_space<hbm>>)
    %add3A_860 = arith.constant 960 : i32
    %add3A_861 = arith.addi %add3A_860, %add3A : i32
    %add3A_862 = arith.constant 224 : i32
    %add3A_863 = arith.addi %add3A_861, %add3A_862 : i32
    %mul3A_864 = arith.constant 304 : i32
    %mul3A_865 = arith.muli %add3A_863, %mul3A_864 : i32
    %dma_wait3A_866 = arith.constant 11248 : i32
    %dma_wait3A_867 = tpu.memref_slice %arg7[%dma_wait3A_866] : memref<12160xf32, #tpu.memory_space<vmem>> -> memref<304xf32, #tpu.memory_space<vmem>>
    %dma_wait3A_868 = tpu.memref_slice %arg4[%mul3A_865] : memref<389120xf32, #tpu.memory_space<hbm>> -> memref<304xf32, #tpu.memory_space<hbm>>
    %dma_wait3A_869 = tpu.memref_slice %arg4[%mul3A_865] : memref<389120xf32, #tpu.memory_space<hbm>> -> memref<304xf32, #tpu.memory_space<hbm>>
    %dma_wait3A_870 = arith.constant 11248 : i32
    %dma_wait3A_871 = tpu.memref_slice %arg7[%dma_wait3A_870] : memref<12160xf32, #tpu.memory_space<vmem>> -> memref<304xf32, #tpu.memory_space<vmem>>
    tpu.wait_dma2 semaphore(%arg8 : memref<!tpu.dma_semaphore, #tpu.memory_space<semaphore_mem>>) src(%dma_wait3A_871 : memref<304xf32, #tpu.memory_space<vmem>>) dst(%dma_wait3A_869 : memref<304xf32, #tpu.memory_space<hbm>>)
    %add3A_872 = arith.constant 0 : i32
    %add3A_873 = arith.addi %add3A_872, %add3A : i32
    %add3A_874 = arith.constant 256 : i32
    %add3A_875 = arith.addi %add3A_873, %add3A_874 : i32
    %mul3A_876 = arith.constant 304 : i32
    %mul3A_877 = arith.muli %add3A_875, %mul3A_876 : i32
    %dma_wait3A_878 = arith.constant 2432 : i32
    %dma_wait3A_879 = tpu.memref_slice %arg7[%dma_wait3A_878] : memref<12160xf32, #tpu.memory_space<vmem>> -> memref<304xf32, #tpu.memory_space<vmem>>
    %dma_wait3A_880 = tpu.memref_slice %arg4[%mul3A_877] : memref<389120xf32, #tpu.memory_space<hbm>> -> memref<304xf32, #tpu.memory_space<hbm>>
    %dma_wait3A_881 = tpu.memref_slice %arg4[%mul3A_877] : memref<389120xf32, #tpu.memory_space<hbm>> -> memref<304xf32, #tpu.memory_space<hbm>>
    %dma_wait3A_882 = arith.constant 2432 : i32
    %dma_wait3A_883 = tpu.memref_slice %arg7[%dma_wait3A_882] : memref<12160xf32, #tpu.memory_space<vmem>> -> memref<304xf32, #tpu.memory_space<vmem>>
    tpu.wait_dma2 semaphore(%arg8 : memref<!tpu.dma_semaphore, #tpu.memory_space<semaphore_mem>>) src(%dma_wait3A_883 : memref<304xf32, #tpu.memory_space<vmem>>) dst(%dma_wait3A_881 : memref<304xf32, #tpu.memory_space<hbm>>)
    %add3A_884 = arith.constant 320 : i32
    %add3A_885 = arith.addi %add3A_884, %add3A : i32
    %add3A_886 = arith.constant 256 : i32
    %add3A_887 = arith.addi %add3A_885, %add3A_886 : i32
    %mul3A_888 = arith.constant 304 : i32
    %mul3A_889 = arith.muli %add3A_887, %mul3A_888 : i32
    %dma_wait3A_890 = arith.constant 5472 : i32
    %dma_wait3A_891 = tpu.memref_slice %arg7[%dma_wait3A_890] : memref<12160xf32, #tpu.memory_space<vmem>> -> memref<304xf32, #tpu.memory_space<vmem>>
    %dma_wait3A_892 = tpu.memref_slice %arg4[%mul3A_889] : memref<389120xf32, #tpu.memory_space<hbm>> -> memref<304xf32, #tpu.memory_space<hbm>>
    %dma_wait3A_893 = tpu.memref_slice %arg4[%mul3A_889] : memref<389120xf32, #tpu.memory_space<hbm>> -> memref<304xf32, #tpu.memory_space<hbm>>
    %dma_wait3A_894 = arith.constant 5472 : i32
    %dma_wait3A_895 = tpu.memref_slice %arg7[%dma_wait3A_894] : memref<12160xf32, #tpu.memory_space<vmem>> -> memref<304xf32, #tpu.memory_space<vmem>>
    tpu.wait_dma2 semaphore(%arg8 : memref<!tpu.dma_semaphore, #tpu.memory_space<semaphore_mem>>) src(%dma_wait3A_895 : memref<304xf32, #tpu.memory_space<vmem>>) dst(%dma_wait3A_893 : memref<304xf32, #tpu.memory_space<hbm>>)
    %add3A_896 = arith.constant 640 : i32
    %add3A_897 = arith.addi %add3A_896, %add3A : i32
    %add3A_898 = arith.constant 256 : i32
    %add3A_899 = arith.addi %add3A_897, %add3A_898 : i32
    %mul3A_900 = arith.constant 304 : i32
    %mul3A_901 = arith.muli %add3A_899, %mul3A_900 : i32
    %dma_wait3A_902 = arith.constant 8512 : i32
    %dma_wait3A_903 = tpu.memref_slice %arg7[%dma_wait3A_902] : memref<12160xf32, #tpu.memory_space<vmem>> -> memref<304xf32, #tpu.memory_space<vmem>>
    %dma_wait3A_904 = tpu.memref_slice %arg4[%mul3A_901] : memref<389120xf32, #tpu.memory_space<hbm>> -> memref<304xf32, #tpu.memory_space<hbm>>
    %dma_wait3A_905 = tpu.memref_slice %arg4[%mul3A_901] : memref<389120xf32, #tpu.memory_space<hbm>> -> memref<304xf32, #tpu.memory_space<hbm>>
    %dma_wait3A_906 = arith.constant 8512 : i32
    %dma_wait3A_907 = tpu.memref_slice %arg7[%dma_wait3A_906] : memref<12160xf32, #tpu.memory_space<vmem>> -> memref<304xf32, #tpu.memory_space<vmem>>
    tpu.wait_dma2 semaphore(%arg8 : memref<!tpu.dma_semaphore, #tpu.memory_space<semaphore_mem>>) src(%dma_wait3A_907 : memref<304xf32, #tpu.memory_space<vmem>>) dst(%dma_wait3A_905 : memref<304xf32, #tpu.memory_space<hbm>>)
    %add3A_908 = arith.constant 960 : i32
    %add3A_909 = arith.addi %add3A_908, %add3A : i32
    %add3A_910 = arith.constant 256 : i32
    %add3A_911 = arith.addi %add3A_909, %add3A_910 : i32
    %mul3A_912 = arith.constant 304 : i32
    %mul3A_913 = arith.muli %add3A_911, %mul3A_912 : i32
    %dma_wait3A_914 = arith.constant 11552 : i32
    %dma_wait3A_915 = tpu.memref_slice %arg7[%dma_wait3A_914] : memref<12160xf32, #tpu.memory_space<vmem>> -> memref<304xf32, #tpu.memory_space<vmem>>
    %dma_wait3A_916 = tpu.memref_slice %arg4[%mul3A_913] : memref<389120xf32, #tpu.memory_space<hbm>> -> memref<304xf32, #tpu.memory_space<hbm>>
    %dma_wait3A_917 = tpu.memref_slice %arg4[%mul3A_913] : memref<389120xf32, #tpu.memory_space<hbm>> -> memref<304xf32, #tpu.memory_space<hbm>>
    %dma_wait3A_918 = arith.constant 11552 : i32
    %dma_wait3A_919 = tpu.memref_slice %arg7[%dma_wait3A_918] : memref<12160xf32, #tpu.memory_space<vmem>> -> memref<304xf32, #tpu.memory_space<vmem>>
    tpu.wait_dma2 semaphore(%arg8 : memref<!tpu.dma_semaphore, #tpu.memory_space<semaphore_mem>>) src(%dma_wait3A_919 : memref<304xf32, #tpu.memory_space<vmem>>) dst(%dma_wait3A_917 : memref<304xf32, #tpu.memory_space<hbm>>)
    %add3A_920 = arith.constant 0 : i32
    %add3A_921 = arith.addi %add3A_920, %add3A : i32
    %add3A_922 = arith.constant 288 : i32
    %add3A_923 = arith.addi %add3A_921, %add3A_922 : i32
    %mul3A_924 = arith.constant 304 : i32
    %mul3A_925 = arith.muli %add3A_923, %mul3A_924 : i32
    %dma_wait3A_926 = arith.constant 2736 : i32
    %dma_wait3A_927 = tpu.memref_slice %arg7[%dma_wait3A_926] : memref<12160xf32, #tpu.memory_space<vmem>> -> memref<304xf32, #tpu.memory_space<vmem>>
    %dma_wait3A_928 = tpu.memref_slice %arg4[%mul3A_925] : memref<389120xf32, #tpu.memory_space<hbm>> -> memref<304xf32, #tpu.memory_space<hbm>>
    %dma_wait3A_929 = tpu.memref_slice %arg4[%mul3A_925] : memref<389120xf32, #tpu.memory_space<hbm>> -> memref<304xf32, #tpu.memory_space<hbm>>
    %dma_wait3A_930 = arith.constant 2736 : i32
    %dma_wait3A_931 = tpu.memref_slice %arg7[%dma_wait3A_930] : memref<12160xf32, #tpu.memory_space<vmem>> -> memref<304xf32, #tpu.memory_space<vmem>>
    tpu.wait_dma2 semaphore(%arg8 : memref<!tpu.dma_semaphore, #tpu.memory_space<semaphore_mem>>) src(%dma_wait3A_931 : memref<304xf32, #tpu.memory_space<vmem>>) dst(%dma_wait3A_929 : memref<304xf32, #tpu.memory_space<hbm>>)
    %add3A_932 = arith.constant 320 : i32
    %add3A_933 = arith.addi %add3A_932, %add3A : i32
    %add3A_934 = arith.constant 288 : i32
    %add3A_935 = arith.addi %add3A_933, %add3A_934 : i32
    %mul3A_936 = arith.constant 304 : i32
    %mul3A_937 = arith.muli %add3A_935, %mul3A_936 : i32
    %dma_wait3A_938 = arith.constant 5776 : i32
    %dma_wait3A_939 = tpu.memref_slice %arg7[%dma_wait3A_938] : memref<12160xf32, #tpu.memory_space<vmem>> -> memref<304xf32, #tpu.memory_space<vmem>>
    %dma_wait3A_940 = tpu.memref_slice %arg4[%mul3A_937] : memref<389120xf32, #tpu.memory_space<hbm>> -> memref<304xf32, #tpu.memory_space<hbm>>
    %dma_wait3A_941 = tpu.memref_slice %arg4[%mul3A_937] : memref<389120xf32, #tpu.memory_space<hbm>> -> memref<304xf32, #tpu.memory_space<hbm>>
    %dma_wait3A_942 = arith.constant 5776 : i32
    %dma_wait3A_943 = tpu.memref_slice %arg7[%dma_wait3A_942] : memref<12160xf32, #tpu.memory_space<vmem>> -> memref<304xf32, #tpu.memory_space<vmem>>
    tpu.wait_dma2 semaphore(%arg8 : memref<!tpu.dma_semaphore, #tpu.memory_space<semaphore_mem>>) src(%dma_wait3A_943 : memref<304xf32, #tpu.memory_space<vmem>>) dst(%dma_wait3A_941 : memref<304xf32, #tpu.memory_space<hbm>>)
    %add3A_944 = arith.constant 640 : i32
    %add3A_945 = arith.addi %add3A_944, %add3A : i32
    %add3A_946 = arith.constant 288 : i32
    %add3A_947 = arith.addi %add3A_945, %add3A_946 : i32
    %mul3A_948 = arith.constant 304 : i32
    %mul3A_949 = arith.muli %add3A_947, %mul3A_948 : i32
    %dma_wait3A_950 = arith.constant 8816 : i32
    %dma_wait3A_951 = tpu.memref_slice %arg7[%dma_wait3A_950] : memref<12160xf32, #tpu.memory_space<vmem>> -> memref<304xf32, #tpu.memory_space<vmem>>
    %dma_wait3A_952 = tpu.memref_slice %arg4[%mul3A_949] : memref<389120xf32, #tpu.memory_space<hbm>> -> memref<304xf32, #tpu.memory_space<hbm>>
    %dma_wait3A_953 = tpu.memref_slice %arg4[%mul3A_949] : memref<389120xf32, #tpu.memory_space<hbm>> -> memref<304xf32, #tpu.memory_space<hbm>>
    %dma_wait3A_954 = arith.constant 8816 : i32
    %dma_wait3A_955 = tpu.memref_slice %arg7[%dma_wait3A_954] : memref<12160xf32, #tpu.memory_space<vmem>> -> memref<304xf32, #tpu.memory_space<vmem>>
    tpu.wait_dma2 semaphore(%arg8 : memref<!tpu.dma_semaphore, #tpu.memory_space<semaphore_mem>>) src(%dma_wait3A_955 : memref<304xf32, #tpu.memory_space<vmem>>) dst(%dma_wait3A_953 : memref<304xf32, #tpu.memory_space<hbm>>)
    %add3A_956 = arith.constant 960 : i32
    %add3A_957 = arith.addi %add3A_956, %add3A : i32
    %add3A_958 = arith.constant 288 : i32
    %add3A_959 = arith.addi %add3A_957, %add3A_958 : i32
    %mul3A_960 = arith.constant 304 : i32
    %mul3A_961 = arith.muli %add3A_959, %mul3A_960 : i32
    %dma_wait3A_962 = arith.constant 11856 : i32
    %dma_wait3A_963 = tpu.memref_slice %arg7[%dma_wait3A_962] : memref<12160xf32, #tpu.memory_space<vmem>> -> memref<304xf32, #tpu.memory_space<vmem>>
    %dma_wait3A_964 = tpu.memref_slice %arg4[%mul3A_961] : memref<389120xf32, #tpu.memory_space<hbm>> -> memref<304xf32, #tpu.memory_space<hbm>>
    %dma_wait3A_965 = tpu.memref_slice %arg4[%mul3A_961] : memref<389120xf32, #tpu.memory_space<hbm>> -> memref<304xf32, #tpu.memory_space<hbm>>
    %dma_wait3A_966 = arith.constant 11856 : i32
    %dma_wait3A_967 = tpu.memref_slice %arg7[%dma_wait3A_966] : memref<12160xf32, #tpu.memory_space<vmem>> -> memref<304xf32, #tpu.memory_space<vmem>>
    tpu.wait_dma2 semaphore(%arg8 : memref<!tpu.dma_semaphore, #tpu.memory_space<semaphore_mem>>) src(%dma_wait3A_967 : memref<304xf32, #tpu.memory_space<vmem>>) dst(%dma_wait3A_965 : memref<304xf32, #tpu.memory_space<hbm>>)
    return
  }
}

module attributes {stable_mosaic.version = 14 : i64} {
  func.func @_prep_body(%arg0: memref<256x69xf32, #tpu.memory_space<vmem>>, %arg1: memref<64x4xf32, #tpu.memory_space<vmem>>, %arg2: memref<256x16xi32, #tpu.memory_space<vmem>>, %arg3: memref<256x16xf32, #tpu.memory_space<vmem>>) attributes {dimension_semantics = [], scalar_prefetch = 0 : i64, scratch_operands = 0 : i64, tpu.core_type = #tpu.core_type<tc>} {
    %get3A = arith.constant 0 : index
    %get3A_0 = arith.constant 0 : index
    %get3A_1 = vector.load %arg0[%get3A, %get3A_0] : memref<256x69xf32, #tpu.memory_space<vmem>>, vector<256x69xf32>
    %get3A_2 = arith.constant 0 : index
    %get3A_3 = arith.constant 0 : index
    %get3A_4 = vector.load %arg1[%get3A_2, %get3A_3] : memref<64x4xf32, #tpu.memory_space<vmem>>, vector<64x4xf32>
    %slice3A = vector.extract_strided_slice %get3A_1 {offsets = [0, 0], sizes = [256, 1], strides = [1, 1]} : vector<256x69xf32> to vector<256x1xf32>
    %mul3A = arith.constant 3.000000e+02 : f32
    %mul3A_5 = vector.broadcast %mul3A : f32 to vector<256x1xf32>
    %mul3A_6 = arith.mulf %slice3A, %mul3A_5 : vector<256x1xf32>
    %floor3A = math.floor %mul3A_6 : vector<256x1xf32>
    %convert_element_type3A = arith.fptosi %floor3A : vector<256x1xf32> to vector<256x1xi32>
    %sub3A = arith.subf %mul3A_6, %floor3A : vector<256x1xf32>
    %gt3A = arith.constant 5.000000e-01 : f32
    %gt3A_7 = vector.broadcast %gt3A : f32 to vector<256x1xf32>
    %gt3A_8 = arith.cmpf ogt, %sub3A, %gt3A_7 : vector<256x1xf32>
    %eq3A = arith.constant 5.000000e-01 : f32
    %eq3A_9 = vector.broadcast %eq3A : f32 to vector<256x1xf32>
    %eq3A_10 = arith.cmpf oeq, %sub3A, %eq3A_9 : vector<256x1xf32>
    %and3A = arith.constant 1 : i32
    %and3A_11 = vector.broadcast %and3A : i32 to vector<256x1xi32>
    %and3A_12 = arith.andi %convert_element_type3A, %and3A_11 : vector<256x1xi32>
    %eq3A_13 = arith.constant 1 : i32
    %eq3A_14 = vector.broadcast %eq3A_13 : i32 to vector<256x1xi32>
    %eq3A_15 = arith.cmpi eq, %and3A_12, %eq3A_14 : vector<256x1xi32>
    %and3A_16 = arith.andi %eq3A_10, %eq3A_15 : vector<256x1xi1>
    %or3A = arith.ori %gt3A_8, %and3A_16 : vector<256x1xi1>
    %convert_element_type3A_17 = arith.extui %or3A : vector<256x1xi1> to vector<256x1xi32>
    %add3A = arith.addi %convert_element_type3A, %convert_element_type3A_17 : vector<256x1xi32>
    %slice3A_18 = vector.extract_strided_slice %get3A_1 {offsets = [0, 1], sizes = [256, 1], strides = [1, 1]} : vector<256x69xf32> to vector<256x1xf32>
    %mul3A_19 = arith.constant 3.000000e+02 : f32
    %mul3A_20 = vector.broadcast %mul3A_19 : f32 to vector<256x1xf32>
    %mul3A_21 = arith.mulf %slice3A_18, %mul3A_20 : vector<256x1xf32>
    %floor3A_22 = math.floor %mul3A_21 : vector<256x1xf32>
    %convert_element_type3A_23 = arith.fptosi %floor3A_22 : vector<256x1xf32> to vector<256x1xi32>
    %sub3A_24 = arith.subf %mul3A_21, %floor3A_22 : vector<256x1xf32>
    %gt3A_25 = arith.constant 5.000000e-01 : f32
    %gt3A_26 = vector.broadcast %gt3A_25 : f32 to vector<256x1xf32>
    %gt3A_27 = arith.cmpf ogt, %sub3A_24, %gt3A_26 : vector<256x1xf32>
    %eq3A_28 = arith.constant 5.000000e-01 : f32
    %eq3A_29 = vector.broadcast %eq3A_28 : f32 to vector<256x1xf32>
    %eq3A_30 = arith.cmpf oeq, %sub3A_24, %eq3A_29 : vector<256x1xf32>
    %and3A_31 = arith.constant 1 : i32
    %and3A_32 = vector.broadcast %and3A_31 : i32 to vector<256x1xi32>
    %and3A_33 = arith.andi %convert_element_type3A_23, %and3A_32 : vector<256x1xi32>
    %eq3A_34 = arith.constant 1 : i32
    %eq3A_35 = vector.broadcast %eq3A_34 : i32 to vector<256x1xi32>
    %eq3A_36 = arith.cmpi eq, %and3A_33, %eq3A_35 : vector<256x1xi32>
    %and3A_37 = arith.andi %eq3A_30, %eq3A_36 : vector<256x1xi1>
    %or3A_38 = arith.ori %gt3A_27, %and3A_37 : vector<256x1xi1>
    %convert_element_type3A_39 = arith.extui %or3A_38 : vector<256x1xi1> to vector<256x1xi32>
    %add3A_40 = arith.addi %convert_element_type3A_23, %convert_element_type3A_39 : vector<256x1xi32>
    %slice3A_41 = vector.extract_strided_slice %get3A_1 {offsets = [0, 2], sizes = [256, 1], strides = [1, 1]} : vector<256x69xf32> to vector<256x1xf32>
    %mul3A_42 = arith.constant 3.000000e+02 : f32
    %mul3A_43 = vector.broadcast %mul3A_42 : f32 to vector<256x1xf32>
    %mul3A_44 = arith.mulf %slice3A_41, %mul3A_43 : vector<256x1xf32>
    %floor3A_45 = math.floor %mul3A_44 : vector<256x1xf32>
    %convert_element_type3A_46 = arith.fptosi %floor3A_45 : vector<256x1xf32> to vector<256x1xi32>
    %sub3A_47 = arith.subf %mul3A_44, %floor3A_45 : vector<256x1xf32>
    %gt3A_48 = arith.constant 5.000000e-01 : f32
    %gt3A_49 = vector.broadcast %gt3A_48 : f32 to vector<256x1xf32>
    %gt3A_50 = arith.cmpf ogt, %sub3A_47, %gt3A_49 : vector<256x1xf32>
    %eq3A_51 = arith.constant 5.000000e-01 : f32
    %eq3A_52 = vector.broadcast %eq3A_51 : f32 to vector<256x1xf32>
    %eq3A_53 = arith.cmpf oeq, %sub3A_47, %eq3A_52 : vector<256x1xf32>
    %and3A_54 = arith.constant 1 : i32
    %and3A_55 = vector.broadcast %and3A_54 : i32 to vector<256x1xi32>
    %and3A_56 = arith.andi %convert_element_type3A_46, %and3A_55 : vector<256x1xi32>
    %eq3A_57 = arith.constant 1 : i32
    %eq3A_58 = vector.broadcast %eq3A_57 : i32 to vector<256x1xi32>
    %eq3A_59 = arith.cmpi eq, %and3A_56, %eq3A_58 : vector<256x1xi32>
    %and3A_60 = arith.andi %eq3A_53, %eq3A_59 : vector<256x1xi1>
    %or3A_61 = arith.ori %gt3A_50, %and3A_60 : vector<256x1xi1>
    %convert_element_type3A_62 = arith.extui %or3A_61 : vector<256x1xi1> to vector<256x1xi32>
    %add3A_63 = arith.addi %convert_element_type3A_46, %convert_element_type3A_62 : vector<256x1xi32>
    %slice3A_64 = vector.extract_strided_slice %get3A_1 {offsets = [0, 3], sizes = [256, 1], strides = [1, 1]} : vector<256x69xf32> to vector<256x1xf32>
    %mul3A_65 = arith.constant 3.000000e+02 : f32
    %mul3A_66 = vector.broadcast %mul3A_65 : f32 to vector<256x1xf32>
    %mul3A_67 = arith.mulf %slice3A_64, %mul3A_66 : vector<256x1xf32>
    %floor3A_68 = math.floor %mul3A_67 : vector<256x1xf32>
    %convert_element_type3A_69 = arith.fptosi %floor3A_68 : vector<256x1xf32> to vector<256x1xi32>
    %sub3A_70 = arith.subf %mul3A_67, %floor3A_68 : vector<256x1xf32>
    %gt3A_71 = arith.constant 5.000000e-01 : f32
    %gt3A_72 = vector.broadcast %gt3A_71 : f32 to vector<256x1xf32>
    %gt3A_73 = arith.cmpf ogt, %sub3A_70, %gt3A_72 : vector<256x1xf32>
    %eq3A_74 = arith.constant 5.000000e-01 : f32
    %eq3A_75 = vector.broadcast %eq3A_74 : f32 to vector<256x1xf32>
    %eq3A_76 = arith.cmpf oeq, %sub3A_70, %eq3A_75 : vector<256x1xf32>
    %and3A_77 = arith.constant 1 : i32
    %and3A_78 = vector.broadcast %and3A_77 : i32 to vector<256x1xi32>
    %and3A_79 = arith.andi %convert_element_type3A_69, %and3A_78 : vector<256x1xi32>
    %eq3A_80 = arith.constant 1 : i32
    %eq3A_81 = vector.broadcast %eq3A_80 : i32 to vector<256x1xi32>
    %eq3A_82 = arith.cmpi eq, %and3A_79, %eq3A_81 : vector<256x1xi32>
    %and3A_83 = arith.andi %eq3A_76, %eq3A_82 : vector<256x1xi1>
    %or3A_84 = arith.ori %gt3A_73, %and3A_83 : vector<256x1xi1>
    %convert_element_type3A_85 = arith.extui %or3A_84 : vector<256x1xi1> to vector<256x1xi32>
    %add3A_86 = arith.addi %convert_element_type3A_69, %convert_element_type3A_85 : vector<256x1xi32>
    %shift_right_arithmetic3A = arith.constant 1 : i32
    %shift_right_arithmetic3A_87 = vector.broadcast %shift_right_arithmetic3A : i32 to vector<256x1xi32>
    %shift_right_arithmetic3A_88 = arith.shrsi %add3A_63, %shift_right_arithmetic3A_87 : vector<256x1xi32>
    %sub3A_89 = arith.subi %add3A, %shift_right_arithmetic3A_88 : vector<256x1xi32>
    %add3A_90 = arith.constant 1 : i32
    %add3A_91 = vector.broadcast %add3A_90 : i32 to vector<256x1xi32>
    %add3A_92 = arith.addi %add3A_63, %add3A_91 : vector<256x1xi32>
    %shift_right_arithmetic3A_93 = arith.constant 1 : i32
    %shift_right_arithmetic3A_94 = vector.broadcast %shift_right_arithmetic3A_93 : i32 to vector<256x1xi32>
    %shift_right_arithmetic3A_95 = arith.shrsi %add3A_92, %shift_right_arithmetic3A_94 : vector<256x1xi32>
    %add3A_96 = arith.addi %add3A, %shift_right_arithmetic3A_95 : vector<256x1xi32>
    %shift_right_arithmetic3A_97 = arith.constant 1 : i32
    %shift_right_arithmetic3A_98 = vector.broadcast %shift_right_arithmetic3A_97 : i32 to vector<256x1xi32>
    %shift_right_arithmetic3A_99 = arith.shrsi %add3A_86, %shift_right_arithmetic3A_98 : vector<256x1xi32>
    %sub3A_100 = arith.subi %add3A_40, %shift_right_arithmetic3A_99 : vector<256x1xi32>
    %add3A_101 = arith.constant 1 : i32
    %add3A_102 = vector.broadcast %add3A_101 : i32 to vector<256x1xi32>
    %add3A_103 = arith.addi %add3A_86, %add3A_102 : vector<256x1xi32>
    %shift_right_arithmetic3A_104 = arith.constant 1 : i32
    %shift_right_arithmetic3A_105 = vector.broadcast %shift_right_arithmetic3A_104 : i32 to vector<256x1xi32>
    %shift_right_arithmetic3A_106 = arith.shrsi %add3A_103, %shift_right_arithmetic3A_105 : vector<256x1xi32>
    %add3A_107 = arith.addi %add3A_40, %shift_right_arithmetic3A_106 : vector<256x1xi32>
    %lt3A = arith.constant 0 : i32
    %lt3A_108 = vector.broadcast %lt3A : i32 to vector<256x1xi32>
    %lt3A_109 = arith.cmpi slt, %sub3A_89, %lt3A_108 : vector<256x1xi32>
    %add3A_110 = arith.constant 300 : i32
    %add3A_111 = vector.broadcast %add3A_110 : i32 to vector<256x1xi32>
    %add3A_112 = arith.addi %sub3A_89, %add3A_111 : vector<256x1xi32>
    %max3A = arith.constant 0 : i32
    %max3A_113 = vector.broadcast %max3A : i32 to vector<256x1xi32>
    %max3A_114 = arith.maxsi %add3A_112, %max3A_113 : vector<256x1xi32>
    %select_n3A = arith.select %lt3A_109, %max3A_114, %sub3A_89 : vector<256x1xi1>, vector<256x1xi32>
    %jit3A = arith.constant 0 : i32
    %jit3A_115 = arith.constant 300 : i32
    %max3A_116 = vector.broadcast %jit3A : i32 to vector<256x1xi32>
    %max3A_117 = arith.maxsi %max3A_116, %add3A_96 : vector<256x1xi32>
    %min3A = vector.broadcast %jit3A_115 : i32 to vector<256x1xi32>
    %min3A_118 = arith.minsi %min3A, %max3A_117 : vector<256x1xi32>
    %lt3A_119 = arith.constant 0 : i32
    %lt3A_120 = vector.broadcast %lt3A_119 : i32 to vector<256x1xi32>
    %lt3A_121 = arith.cmpi slt, %sub3A_100, %lt3A_120 : vector<256x1xi32>
    %add3A_122 = arith.constant 300 : i32
    %add3A_123 = vector.broadcast %add3A_122 : i32 to vector<256x1xi32>
    %add3A_124 = arith.addi %sub3A_100, %add3A_123 : vector<256x1xi32>
    %max3A_125 = arith.constant 0 : i32
    %max3A_126 = vector.broadcast %max3A_125 : i32 to vector<256x1xi32>
    %max3A_127 = arith.maxsi %add3A_124, %max3A_126 : vector<256x1xi32>
    %select_n3A_128 = arith.select %lt3A_121, %max3A_127, %sub3A_100 : vector<256x1xi1>, vector<256x1xi32>
    %jit3A_129 = arith.constant 0 : i32
    %jit3A_130 = arith.constant 300 : i32
    %max3A_131 = vector.broadcast %jit3A_129 : i32 to vector<256x1xi32>
    %max3A_132 = arith.maxsi %max3A_131, %add3A_107 : vector<256x1xi32>
    %min3A_133 = vector.broadcast %jit3A_130 : i32 to vector<256x1xi32>
    %min3A_134 = arith.minsi %min3A_133, %max3A_132 : vector<256x1xi32>
    %slice3A_135 = vector.extract_strided_slice %get3A_1 {offsets = [0, 5], sizes = [256, 64], strides = [1, 1]} : vector<256x69xf32> to vector<256x64xf32>
    %reduce_max3A = arith.constant dense<0xFF800000> : vector<256xf32>
    %reduce_max3A_136 = vector.multi_reduction <maximumf>, %slice3A_135, %reduce_max3A [1] : vector<256x64xf32> to vector<256xf32>
    %broadcast_in_dim3A = vector.shape_cast %reduce_max3A_136 : vector<256xf32> to vector<256x1xf32>
    %iota3A = tpu.iota {dimensions = array<i32: 1>} : vector<256x64xi32>
    %eq3A_137 = vector.broadcast %broadcast_in_dim3A : vector<256x1xf32> to vector<256x64xf32>
    %eq3A_138 = arith.cmpf oeq, %slice3A_135, %eq3A_137 : vector<256x64xf32>
    %jit3A_139 = arith.constant 64 : i32
    %broadcast_in_dim3A_140 = vector.broadcast %jit3A_139 : i32 to vector<256x64xi32>
    %select_n3A_141 = arith.select %eq3A_138, %iota3A, %broadcast_in_dim3A_140 : vector<256x64xi1>, vector<256x64xi32>
    %reduce_min3A = arith.constant dense<2147483647> : vector<256xi32>
    %reduce_min3A_142 = vector.multi_reduction <minsi>, %select_n3A_141, %reduce_min3A [1] : vector<256x64xi32> to vector<256xi32>
    %broadcast_in_dim3A_143 = vector.shape_cast %reduce_min3A_142 : vector<256xi32> to vector<256x1xi32>
    %eq3A_144 = vector.broadcast %broadcast_in_dim3A_143 : vector<256x1xi32> to vector<256x64xi32>
    %eq3A_145 = arith.cmpi eq, %iota3A, %eq3A_144 : vector<256x64xi32>
    %convert_element_type3A_146 = arith.extui %eq3A_145 : vector<256x64xi1> to vector<256x64xi32>
    %convert_element_type3A_147 = arith.sitofp %convert_element_type3A_146 : vector<256x64xi32> to vector<256x64xf32>
    %dot_general3A = arith.constant dense<0.000000e+00> : vector<256x4xf32>
    %dot_general3A_148 = tpu.matmul %convert_element_type3A_147, %get3A_4, %dot_general3A {dimension_numbers = #tpu.dot_dimension_numbers<[1], [0], [0], [1], [0, 0, 1, 1], [], []>, transpose_lhs_hint = false} : vector<256x64xf32>, vector<64x4xf32>, vector<256x4xf32> -> vector<256x4xf32>
    %slice3A_149 = vector.extract_strided_slice %dot_general3A_148 {offsets = [0, 3], sizes = [256, 1], strides = [1, 1]} : vector<256x4xf32> to vector<256x1xf32>
    %slice3A_150 = vector.extract_strided_slice %dot_general3A_148 {offsets = [0, 0], sizes = [256, 3], strides = [1, 1]} : vector<256x4xf32> to vector<256x3xf32>
    %mul3A_151 = vector.broadcast %slice3A_149 : vector<256x1xf32> to vector<256x3xf32>
    %mul3A_152 = arith.mulf %slice3A_150, %mul3A_151 : vector<256x3xf32>
    %sub3A_153 = arith.constant 1.000000e+00 : f32
    %sub3A_154 = vector.broadcast %sub3A_153 : f32 to vector<256x1xf32>
    %sub3A_155 = arith.subf %sub3A_154, %slice3A_149 : vector<256x1xf32>
    %slice3A_156 = vector.extract_strided_slice %get3A_1 {offsets = [0, 4], sizes = [256, 1], strides = [1, 1]} : vector<256x69xf32> to vector<256x1xf32>
    %transpose3A = tpu.transpose %slice3A_156, [1, 0] : vector<256x1xf32> -> vector<1x256xf32>
    %iota3A_157 = tpu.iota {dimensions = array<i32: 1>} : vector<256x256xi32>
    %iota3A_158 = tpu.iota {dimensions = array<i32: 0>} : vector<256x256xi32>
    %lt3A_159 = vector.broadcast %transpose3A : vector<1x256xf32> to vector<256x256xf32>
    %lt3A_160 = vector.broadcast %slice3A_156 : vector<256x1xf32> to vector<256x256xf32>
    %lt3A_161 = arith.cmpf olt, %lt3A_159, %lt3A_160 : vector<256x256xf32>
    %eq3A_162 = vector.broadcast %transpose3A : vector<1x256xf32> to vector<256x256xf32>
    %eq3A_163 = vector.broadcast %slice3A_156 : vector<256x1xf32> to vector<256x256xf32>
    %eq3A_164 = arith.cmpf oeq, %eq3A_162, %eq3A_163 : vector<256x256xf32>
    %lt3A_165 = arith.cmpi slt, %iota3A_157, %iota3A_158 : vector<256x256xi32>
    %and3A_166 = arith.andi %eq3A_164, %lt3A_165 : vector<256x256xi1>
    %or3A_167 = arith.ori %lt3A_161, %and3A_166 : vector<256x256xi1>
    %convert_element_type3A_168 = arith.extui %or3A_167 : vector<256x256xi1> to vector<256x256xi32>
    %reduce_sum3A = arith.constant dense<0> : vector<256xi32>
    %reduce_sum3A_169 = vector.multi_reduction <add>, %convert_element_type3A_168, %reduce_sum3A [1] : vector<256x256xi32> to vector<256xi32>
    %broadcast_in_dim3A_170 = vector.shape_cast %reduce_sum3A_169 : vector<256xi32> to vector<256x1xi32>
    %transpose3A_171 = tpu.transpose %broadcast_in_dim3A_170, [1, 0] : vector<256x1xi32> -> vector<1x256xi32>
    %eq3A_172 = vector.broadcast %transpose3A_171 : vector<1x256xi32> to vector<256x256xi32>
    %eq3A_173 = arith.cmpi eq, %eq3A_172, %iota3A_158 : vector<256x256xi32>
    %convert_element_type3A_174 = arith.extui %eq3A_173 : vector<256x256xi1> to vector<256x256xi32>
    %convert_element_type3A_175 = arith.sitofp %convert_element_type3A_174 : vector<256x256xi32> to vector<256x256xf32>
    %convert_element_type3A_176 = arith.sitofp %select_n3A : vector<256x1xi32> to vector<256x1xf32>
    %convert_element_type3A_177 = arith.sitofp %min3A_118 : vector<256x1xi32> to vector<256x1xf32>
    %convert_element_type3A_178 = arith.sitofp %select_n3A_128 : vector<256x1xi32> to vector<256x1xf32>
    %convert_element_type3A_179 = arith.sitofp %min3A_134 : vector<256x1xi32> to vector<256x1xf32>
    %concatenate3A = tpu.concatenate %convert_element_type3A_176, %convert_element_type3A_177, %convert_element_type3A_178, %convert_element_type3A_179 in 1 : vector<256x1xf32>, vector<256x1xf32>, vector<256x1xf32>, vector<256x1xf32> -> vector<256x4xf32>
    %concatenate3A_180 = tpu.concatenate %mul3A_152, %sub3A_155 in 1 : vector<256x3xf32>, vector<256x1xf32> -> vector<256x4xf32>
    %dot_general3A_181 = arith.constant dense<0.000000e+00> : vector<256x4xf32>
    %dot_general3A_182 = tpu.matmul %convert_element_type3A_175, %concatenate3A, %dot_general3A_181 {dimension_numbers = #tpu.dot_dimension_numbers<[1], [0], [0], [1], [0, 0, 1, 1], [], []>, transpose_lhs_hint = false} : vector<256x256xf32>, vector<256x4xf32>, vector<256x4xf32> -> vector<256x4xf32>
    %dot_general3A_183 = arith.constant dense<0.000000e+00> : vector<256x4xf32>
    %dot_general3A_184 = tpu.matmul %convert_element_type3A_175, %concatenate3A_180, %dot_general3A_183 {dimension_numbers = #tpu.dot_dimension_numbers<[1], [0], [0], [1], [0, 0, 1, 1], [], []>, transpose_lhs_hint = false} : vector<256x256xf32>, vector<256x4xf32>, vector<256x4xf32> -> vector<256x4xf32>
    %broadcast_in_dim3A_185 = arith.constant 0.000000e+00 : f32
    %broadcast_in_dim3A_186 = vector.broadcast %broadcast_in_dim3A_185 : f32 to vector<256x12xf32>
    %concatenate3A_187 = tpu.concatenate %dot_general3A_182, %broadcast_in_dim3A_186 in 1 : vector<256x4xf32>, vector<256x12xf32> -> vector<256x16xf32>
    %add3A_188 = arith.constant 5.000000e-01 : f32
    %add3A_189 = vector.broadcast %add3A_188 : f32 to vector<256x16xf32>
    %add3A_190 = arith.addf %concatenate3A_187, %add3A_189 : vector<256x16xf32>
    %convert_element_type3A_191 = arith.fptosi %add3A_190 : vector<256x16xf32> to vector<256x16xi32>
    %swap3A = arith.constant 0 : index
    %swap3A_192 = arith.constant 0 : index
    %swap3A_193 = vector.load %arg2[%swap3A, %swap3A_192] : memref<256x16xi32, #tpu.memory_space<vmem>>, vector<256x16xi32>
    tpu.vector_store %arg2[%swap3A, %swap3A_192], %convert_element_type3A_191 {strides = array<i32>} : memref<256x16xi32, #tpu.memory_space<vmem>>, vector<256x16xi32>,
    %concatenate3A_194 = tpu.concatenate %dot_general3A_184, %broadcast_in_dim3A_186 in 1 : vector<256x4xf32>, vector<256x12xf32> -> vector<256x16xf32>
    %swap3A_195 = arith.constant 0 : index
    %swap3A_196 = arith.constant 0 : index
    %swap3A_197 = vector.load %arg3[%swap3A_195, %swap3A_196] : memref<256x16xf32, #tpu.memory_space<vmem>>, vector<256x16xf32>
    tpu.vector_store %arg3[%swap3A_195, %swap3A_196], %concatenate3A_194 {strides = array<i32>} : memref<256x16xf32, #tpu.memory_space<vmem>>, vector<256x16xf32>,
    return
  }
}

</mosaic_0001>

<sc_bundles>
// kernel: kernel.4.cloned.1.call-start
scs
__scs_entry_jumppad:
0x0: {  	(pc) =	sbr.rel $0x88, $3  }
0x1: {  	(tag) =	ssettag $0x0;
	lr =	simm.s32 $0x1  }
0x2: {  	[smem:$0x3F9F] =	sst lr;
	_ =	strace $0xD0000000  }
0x3: {  	_ = 	snop  }
0x4: {  	_ = 	snop  }
0x5: {  	_ = 	snop  }
0x6: {  	_ = 	snop  }
0x7: {  	_ = 	snop  }
__scs_overlays_trampoline_lowered:
0x8: {  	[smem:$0x3FAE] =	sst s0  }
0x9: {  	[smem:$0x3FAF] =	sst s1  }
0xa: {  	[smem:$0x3FB0] =	sst s2  }
0xb: {  	[smem:$0x3FB1] =	sst s3  }
0xc: {  	[smem:$0x3FB2] =	sst s4  }
0xd: {  	[smem:$0x3FB3] =	sst s5  }
0xe: {  	[smem:$0x3FB4] =	sst s6  }
0xf: {  	[smem:$0x3FB5] =	sst s7  }
0x10: {  	[smem:$0x3FB6] =	sst s8  }
0x11: {  	[smem:$0x3FB7] =	sst s9;
	s0 =	simm.s32 @!p0 $0x0  }
0x12: {  	s1 =	sld [smem:$0x3F9D];
	s0 =	simm.s32 @p0 $0x1  }
0x13: {  	[smem:$0x3FB8] =	sst s0;
	s0 =	simm.s32 @!p1 $0x0  }
0x14: {  	s2 =	sld [smem:$0x3F9C];
	s0 =	simm.s32 @p1 $0x1  }
0x15: {  	[smem:$0x3FB9] =	sst s0;
	s0 =	simm.s32 @!p2 $0x0  }
0x16: {  	s3 =	sld [smem:$0x3FDB];
	s0 =	simm.s32 @p2 $0x1  }
0x17: {  	s4 =	simm.s32 $0x1BF5;
	[smem:$0x3FBB] =	sst s0  }
0x18: {  	s0 =	sld [smem:$0x3F9E];
	_ =	swait.ge [sflag:s4], $0x0  }
0x19: {  	s7 =	sld [smem:$0x3F9F]  }
0x1a: {  	s8 =	sadd.s32 $0xFFFFE003, lr  }
0x1b: {  	s9 =	sadd.s32 $0xFFFFFEF7, lr;
	s5 =	simm.s32 $0xFFFFFFFF;
	p2 =	slt.u32 s8, $0xFFFFF086  }
0x1c: {  	p1 =	slt.u32 s9, $0xF7A;
	s5 =	simm.s32 @!p2 $0x0  }
0x1d: {  	s5 =	simm.s32 @p1 $0x1;
	p0 =	seq.s32 s7, s2  }
0x1e: {  	s7 =	smul.u32 @!p0 $0xF7A, s2;
	p2 =	seq.s32 @!p0 s5, $0x0  }
0x1f: {  	s9 =	smul.u32 $0xF7A, s1;
	s8 =	simm.s32 @!p0 $0x1BF5;
	p2 =	por !p2, p0  }
0x20: {  	[sflag:s8] =	ssyncset.s32 @!p0 $0xFFFFF086;
	s6 =	sadd.s32 @!p0 s3, s7;
	s7 =	simm.s32 @!p0 $0x108  }
0x21: {  	s3 =	sadd.s32 s3, s9;
	s6 =	sadd.s32 @!p0 $0x88, s6;
	s7 =	simm.s32 @p2 $0x1082  }
0x22: {  	[simem:s7], [sflag:s8] =	dma.local @!p0 [hbm:s6], $0xF7A  }
0x23: {  	s9 =	sor.u32 $0xD0000000, s2;
	s6 =	simm.s32 $0x108;
	_ =	swait.ge @!p0 [sflag:s8], $0x0  }
0x24: {  	s3 =	sadd.s32 $0x88, s3;
	s6 =	simm.s32 @!p1 $0x1082;
	[sflag:s4] =	ssyncset.s32 $0xFFFFF086  }
0x25: {  	[simem:s6], [sflag:s4] =	dma.local [hbm:s3], $0xF7A  }
0x26: {  	[smem:$0x3F9F] =	sst s1;
	(tag) =	ssettag s2;
	_ =	strace s9  }
0x27: {  	s1 =	sld [smem:$0x3FAF]  }
0x28: {  	s2 =	sld [smem:$0x3FB0]  }
0x29: {  	s4 =	sld [smem:$0x3FB2]  }
0x2a: {  	p0 =	seq.s32 s5, $0x0;
	s5 =	sld [smem:$0x3FB3]  }
0x2b: {  	s6 =	sld [smem:$0x3FB4]  }
0x2c: {  	s7 =	sld [smem:$0x3FB5]  }
0x2d: {  	s3 =	simm.s32 $0x108;
	s8 =	sld [smem:$0x3FB6]  }
0x2e: {  	s3 =	simm.s32 @!p0 $0x1082;
	s9 =	sld [smem:$0x3FB7]  }
0x2f: {  	lr =	sadd.s32 s0, s3;
	s0 =	sld [smem:$0x3FAE]  }
0x30: {  	s3 =	sld [smem:$0x3FB1]  }
0x31: {  	[smem:$0x3FBA] =	sst s10  }
0x32: {  	s10 =	sld [smem:$0x3FB8];
	_ =	sdelay $0x3  }
0x33: {  	p0 =	seq.s32 s10, $0x1;
	s10 =	sld [smem:$0x3FBA];
	_ =	sdelay $0x3  }
0x34: {  	[smem:$0x3FBA] =	sst s10  }
0x35: {  	s10 =	sld [smem:$0x3FB9];
	_ =	sdelay $0x3  }
0x36: {  	p1 =	seq.s32 s10, $0x1;
	s10 =	sld [smem:$0x3FBA];
	_ =	sdelay $0x3  }
0x37: {  	[smem:$0x3FBA] =	sst s10  }
0x38: {  	s10 =	sld [smem:$0x3FBB]  }
0x39: {  	_ = 	snop;
	(pc) =	sbr.ind lr, $3  }
0x3a: {  	_ = 	snop  }
0x3b: {  	_ = 	snop  }
0x3c: {  	p2 =	seq.s32 s10, $0x1;
	s10 =	sld [smem:$0x3FBA]  }
0x3d: {  	_ =	shalt  }
0x3e: {  	_ =	shalt  }
0x3f: {  	_ =	shalt  }
0x40: {  	_ =	shalt  }
0x41: {  	_ =	shalt  }
0x42: {  	_ =	shalt  }
0x43: {  	_ =	shalt  }
0x44: {  	_ =	shalt  }
0x45: {  	_ =	shalt  }
0x46: {  	_ =	shalt  }
0x47: {  	_ =	shalt  }
0x48: {  	_ =	shalt  }
0x49: {  	_ =	shalt  }
0x4a: {  	_ =	shalt  }
0x4b: {  	_ =	shalt  }
0x4c: {  	_ =	shalt  }
0x4d: {  	_ =	shalt  }
0x4e: {  	_ =	shalt  }
0x4f: {  	_ =	shalt  }
0x50: {  	_ =	shalt  }
0x51: {  	_ =	shalt  }
0x52: {  	_ =	shalt  }
0x53: {  	_ =	shalt  }
0x54: {  	_ =	shalt  }
0x55: {  	_ =	shalt  }
0x56: {  	_ =	shalt  }
0x57: {  	_ =	shalt  }
0x58: {  	_ =	shalt  }
0x59: {  	_ =	shalt  }
0x5a: {  	_ =	shalt  }
0x5b: {  	_ =	shalt  }
0x5c: {  	_ =	shalt  }
0x5d: {  	_ =	shalt  }
0x5e: {  	_ =	shalt  }
0x5f: {  	_ =	shalt  }
0x60: {  	_ =	shalt  }
0x61: {  	_ =	shalt  }
0x62: {  	_ =	shalt  }
0x63: {  	_ =	shalt  }
0x64: {  	_ =	shalt  }
0x65: {  	_ =	shalt  }
0x66: {  	_ =	shalt  }
0x67: {  	_ =	shalt  }
0x68: {  	_ =	shalt  }
0x69: {  	_ =	shalt  }
0x6a: {  	_ =	shalt  }
0x6b: {  	_ =	shalt  }
0x6c: {  	_ =	shalt  }
0x6d: {  	_ =	shalt  }
0x6e: {  	_ =	shalt  }
0x6f: {  	_ =	shalt  }
0x70: {  	_ =	shalt  }
0x71: {  	_ =	shalt  }
0x72: {  	_ =	shalt  }
0x73: {  	_ =	shalt  }
0x74: {  	_ =	shalt  }
0x75: {  	_ =	shalt  }
0x76: {  	_ =	shalt  }
0x77: {  	_ =	shalt  }
0x78: {  	_ =	shalt  }
0x79: {  	_ =	shalt  }
0x7a: {  	_ =	shalt  }
0x7b: {  	_ =	shalt  }
0x7c: {  	_ =	shalt  }
0x7d: {  	_ =	shalt  }
0x7e: {  	_ =	shalt  }
0x7f: {  	_ =	shalt  }
0x80: {  	_ =	shalt  }
0x81: {  	_ =	shalt  }
0x82: {  	_ =	shalt  }
0x83: {  	_ =	shalt  }
0x84: {  	_ =	shalt  }
0x85: {  	_ =	shalt  }
0x86: {  	_ =	shalt  }
0x87: {  	_ =	shalt  }
.Lfunc_end0:
.L_simem_size_0:
called_computation_lowered:
.L_overlay_start_0:
0x88: {  	s2 =	sld [smem:$0x3FD9]  }
0x89: {  	s3 =	sld [smem:$0x3FFE];
	_ =	sdelay $0x1  }
0x8a: {  	s1 =	srdreg.scid  }
0x8b: {  	s0 =	sand.u32 $0x1, s1  }
0x8c: {  	s17 =	sshll.u32 s0, $0xA;
	s2 =	sadd.s32 s3, s2  }
0x8d: {  	s2 =	sadd.s32 s2, s17  }
0x8e: {  	[smem:$0x3FC6] =	sst s2  }
0x8f: {  	_ = 	snop  }
0x90: {  	s2 =	sld [smem:$0x3FD0];
	(tm) =	ssettm $0x1  }
0x91: {  	s18 =	sld [smem:$0x3FFB];
	_ =	sdelay $0x3  }
0x92: {  	_ =	strace s18  }
0x93: {  	s3 =	sld [smem:$0x3FFC];
	_ =	sdelay $0x3  }
0x94: {  	_ =	strace s3  }
0x95: {  	s3 =	sld [smem:$0x3FFD];
	_ =	sdelay $0x3  }
0x96: {  	_ =	strace s3  }
0x97: {  	_ =	strace $0x8FFFFFFF  }
0x98: {  	s19 =	sld [smem:$0x3FDB];
	_ =	sdelay $0x1  }
0x99: {  	s4 =	simm.s32 $_scs_section_size  }
0x9a: {  	s5 =	simm.s32 $_size__tile_overlayer_lowered;
	s6 =	simm.s32 $_tile_overlayer_lowered  }
0x9b: {  	s22 =	simm.s32 $0x1BFF;
	s21 =	sshll.u32 s6, $0x1;
	s3 =	sadd.s32 s4, s19  }
0x9c: {  	s7 =	simm.s32 $0x0;
	s20 =	sshll.u32 s5, $0x1;
	s5 =	sadd.s32 s21, s3  }
0x9d: {  	[timem:s7], [sflag:s22] =	dma.local [hbm:s5], s20  }
0x9e: {  	_ =	swait.ge [sflag:s22], s20  }
0x9f: {  	s4 =	ssub.s32 $0x0, s20;
	[sflag:s22] =	ssyncset.done $0x0  }
0xa0: {  	[sflag:s22] =	ssyncadd.s32 s4;
	_ =	sdelay $0x1  }
0xa1: {  	s23 =	simm.s32 $0x1B8B  }
0xa2: {  	_ =	swait.ge [sflag:s23], $0x1  }
0xa3: {  	[sflag:s23] =	ssyncset.done $0x0  }
0xa4: {  	s25 =	simm.s32 $0x1B8E;
	s24 =	sld [smem:$0x3FFE];
	[sflag:s23] =	ssyncadd.s32 $0xFFFFFFFF  }
0xa5: {  	s26 =	simm.s32 $execute0_lowered;
	[smem:$0x3FD2] =	sst s25  }
0xa6: {  	s5 =	sshll.u32 s26, $0x1;
	_ =	strace $0x80000046;
	[dreg:$0x1] =	wrdreg $0xFFFFFFFF  }
0xa7: {  	s28 =	simm.s32 $_size_execute0_lowered;
	s3 =	sadd.s32 s3, s5;
	[dreg:$0x0] =	wrdreg $0x0  }
0xa8: {  	s5 =	sshll.u32 s28, $0x1;
	[dreg:$0x2] =	wrdreg s3  }
0xa9: {  	[dreg:$0x3] =	wrdreg s5  }
0xaa: {  	[dreg:$0x4] =	wrdreg $0xC0  }
0xab: {  	_ =	task [dreg:s7], $0x5FFFF  }
0xac: {  	[dreg:$0x1] =	wrdreg $0xFFFFFFFF  }
0xad: {  	[dreg:$0x0] =	wrdreg $0x60  }
0xae: {  	[dreg:$0x2] =	wrdreg s24  }
0xaf: {  	[dreg:$0x3] =	wrdreg s2  }
0xb0: {  	[dreg:$0x4] =	wrdreg $0x9  }
0xb1: {  	_ =	task.clear_ibuf [dreg:s7], $0x5FFFF;
	_ =	strace $0x90000046  }
0xb2: {  	s29 =	simm.s32 $0x9;
	_ =	strace $0x80000048  }
0xb3: {  	_ =	swait.ge [sflag:s29], $0x1  }
0xb4: {  	[sflag:s29] =	ssyncadd.s32 $0xFFFFFFFF  }
0xb5: {  	_ =	strace $0x90000048  }
0xb6: {  	_ =	sfence  }
0xb7: {  	s30 =	sld [smem:$0x0];
	_ =	sdelay $0x2  }
0xb8: {  	s31 =	sshll.u32 s1, $0xD;
	s1 =	sshrl.u32 s1, $0x2  }
0xb9: {  	s3 =	sand.u32 $0x4000, s31;
	s1 =	sadd.s32 s1, s30  }
0xba: {  	s0 =	sor.u32 s3, s0;
	s1 =	sshll.u32 s1, $0x11  }
0xbb: {  	s0 =	sor.u32 s1, s0  }
0xbc: {  	s0 =	sadd.s32 $0x8F2B, s0  }
0xbd: {  	[sflag:s0] =	ssyncadd.remote.s32 $0x1  }
0xbe: {  	_ =	sfence.sel $0xFFFF  }
0xbf: {  	[dreg:$0x0] =	wrdreg $0xFFFFFFFF;
	(pc) =	sbr.abs _section_cstart, $3  }
0xc0: {  	[dreg:$0x1] =	wrdreg $0xFFFFFFFF  }
0xc1: {  	_ =	task.clear_ibuf [dreg:s7], $0x2FFFF;
	_ =	strace $0x9FFFFFFF  }
0xc2: {  	(tm) =	ssettm $0x7FFFFFFF  }
0xc3: {  	_ =	shalt  }
tec
execute0_lowered:
.L_overlay_start_1:
0x0: {  	(tag) =	ssettag $0x1  }
0x1: {  	s0 =	rddreg [dreg:$0x0];
	s1 =	srdreg.scid  }
0x2: {  	s2 =	stileid.u32;
	s3 =	rddreg [dreg:$0x1]  }
0x3: {  	s1 =	sand.u32 $0x1, s1;
	s4 =	sshll.u32 s2, $0x1;
	s2 =	simm.s32 $0x0  }
0x4: {  	s6 =	sadd.s32 $0xA00, s0;
	s0 =	sadd.s32 $0x1A00, s0;
	s4 =	sor.u32 s1, s4  }
0x5: {  	[smem:$0x7FF] =	sst s2;
	s1 =	ssub.s32 $0x2, s1;
	s5 =	smul.u32 $0x130, s4  }
0x6: {  	_ =	strace $0x80000047;
	[dreg:$0x3] =	wrdreg s6;
	s9 =	smul.u32 $0x26, s4  }
0x7: {  	s26 =	sshrl.u32 s1, $0x1;
	[dreg:$0x4] =	wrdreg s0;
	s5 =	sshrl.u32 s5, $0x3  }
0x8: {  	s0 =	ssub.s32 s1, s26;
	s1 =	sadd.s32 s3, s5;
	s3 =	sadd.s32 s3, s9  }
0x9: {  	s5 =	sadd.s32 $0x8E80, s1;
	[dreg:$0xf] =	wrdreg s3  }
0xa: {  	s28 =	sadd.s32 $0x9340, s1;
	[dreg:$0x5] =	wrdreg s5  }
0xb: {  	s29 =	sadd.s32 $0x9800, s1;
	[dreg:$0x6] =	wrdreg s28  }
0xc: {  	s30 =	sadd.s32 $0x9CC0, s1;
	[dreg:$0x7] =	wrdreg s29  }
0xd: {  	s31 =	sadd.s32 $0xA180, s1;
	[dreg:$0x8] =	wrdreg s30  }
0xe: {  	s6 =	sadd.s32 $0xA640, s1;
	[dreg:$0x9] =	wrdreg s31  }
0xf: {  	s7 =	sadd.s32 $0xAB00, s1;
	[dreg:$0xa] =	wrdreg s6  }
0x10: {  	s8 =	sadd.s32 $0xAFC0, s1;
	[dreg:$0xb] =	wrdreg s7  }
0x11: {  	s10 =	sadd.s32 $0xB480, s1;
	[dreg:$0xc] =	wrdreg s8  }
0x12: {  	s11 =	sadd.s32 $0xB940, s1;
	[dreg:$0xd] =	wrdreg s10  }
0x13: {  	s12 =	sadd.s32 $0x2F80, s1;
	[dreg:$0xe] =	wrdreg s11  }
0x14: {  	s13 =	sadd.s32 $0x5F00, s1;
	[dreg:$0x10] =	wrdreg s12  }
0x15: {  	s14 =	sadd.s32 $0x4C0, s1;
	[dreg:$0x11] =	wrdreg s13  }
0x16: {  	s16 =	sadd.s32 $0x3440, s1;
	[dreg:$0x12] =	wrdreg s14  }
0x17: {  	s17 =	sadd.s32 $0x63C0, s1;
	[dreg:$0x13] =	wrdreg s16  }
0x18: {  	s18 =	sadd.s32 $0x980, s1;
	[dreg:$0x14] =	wrdreg s17  }
0x19: {  	s19 =	sadd.s32 $0x3900, s1;
	[dreg:$0x15] =	wrdreg s18  }
0x1a: {  	s20 =	sadd.s32 $0x6880, s1;
	[dreg:$0x16] =	wrdreg s19  }
0x1b: {  	s21 =	sadd.s32 $0xE40, s1;
	[dreg:$0x17] =	wrdreg s20  }
0x1c: {  	s22 =	sadd.s32 $0x3DC0, s1;
	[dreg:$0x18] =	wrdreg s21  }
0x1d: {  	s23 =	sadd.s32 $0x6D40, s1;
	[dreg:$0x19] =	wrdreg s22  }
0x1e: {  	s24 =	sadd.s32 $0x1300, s1;
	[dreg:$0x1a] =	wrdreg s23  }
0x1f: {  	s15 =	sxor.u32 $0x1F, s4;
	s25 =	sadd.s32 $0x4280, s1;
	[dreg:$0x1b] =	wrdreg s24  }
0x20: {  	s26 =	sadd.s32 $0x7200, s1;
	s9 =	sadd.s32 $0x8040, s1;
	[dreg:$0x1c] =	wrdreg s25  }
0x21: {  	[dreg:$0x1d] =	wrdreg s26;
	s28 =	sadd.s32 $0x17C0, s1;
	s29 =	sadd.s32 $0x4740, s1  }
0x22: {  	s30 =	sadd.s32 $0x76C0, s1;
	s31 =	sadd.s32 $0x1C80, s1;
	s5 =	sadd.s32 $0x4C00, s1  }
0x23: {  	s6 =	sadd.s32 $0x7B80, s1;
	s7 =	sadd.s32 $0x2140, s1;
	s8 =	sadd.s32 $0x50C0, s1  }
.Ltmp0:
0x24: {  	s10 =	sadd.s32 $0x2600, s1;
	s11 =	sadd.s32 $0x5580, s1;
	(pc) =	sbr.rel .LBB2_1-.Ltmp0, $4  }
0x25: {  	s12 =	sadd.s32 $0x8500, s1;
	s13 =	sadd.s32 $0x2AC0, s1;
	[dreg:$0x1e] =	wrdreg s28  }
0x26: {  	s14 =	sadd.s32 $0x5A40, s1;
	s16 =	sadd.s32 $0x89C0, s1;
	[dreg:$0x1f] =	wrdreg s29  }
0x27: {  	s17 =	smax.u32 s0, $0x1;
	s18 =	simm.s32 $0x2;
	[smem:$0x7FC] =	sst s30  }
0x28: {  	v0 =	vimm.f32 $1.000000000e+00;
	v1 =	vlaneseq.u32;
	s19 =	simm.s32 $0x1;
	s20 =	simm.s32 $0x0;
	[smem:$0x7FD] =	sst s31  }
.LBB2_20:
0x29: {  	s0 =	rddreg [dreg:$0xf]  }
0x2a: {  	s1 =	simm.s32 $0x10000;
	s21 =	rddreg [dreg:$0x10]  }
0x2b: {  	[hbm4b:s0+s2] =	stream.linear.scatter [tilespmem:s1], [sflag:$0x1], $0x130, $0x38;
	[tilespmem:$0x12F80] =	vst v63  }
0x2c: {  	s22 =	simm.s32 $0x10BE0;
	s23 =	rddreg [dreg:$0x11]  }
0x2d: {  	[hbm4b:s21+s2] =	stream.linear.scatter [tilespmem:s22], [sflag:$0x1], $0x130, $0x38;
	[tilespmem:$0x12F80] =	vst v63  }
0x2e: {  	s24 =	simm.s32 $0x117C0;
	s25 =	rddreg [dreg:$0x12]  }
0x2f: {  	[hbm4b:s23+s2] =	stream.linear.scatter [tilespmem:s24], [sflag:$0x1], $0x130, $0x38;
	[tilespmem:$0x12F80] =	vst v63  }
0x30: {  	s26 =	simm.s32 $0x10130;
	s28 =	rddreg [dreg:$0x13]  }
0x31: {  	[hbm4b:s25+s2] =	stream.linear.scatter [tilespmem:s26], [sflag:$0x1], $0x130, $0x38;
	[tilespmem:$0x12F80] =	vst v63  }
0x32: {  	s29 =	simm.s32 $0x10D10;
	s30 =	rddreg [dreg:$0x14]  }
0x33: {  	[hbm4b:s28+s2] =	stream.linear.scatter [tilespmem:s29], [sflag:$0x1], $0x130, $0x38;
	[tilespmem:$0x12F80] =	vst v63  }
0x34: {  	s31 =	simm.s32 $0x118F0;
	s3 =	rddreg [dreg:$0x15]  }
0x35: {  	[hbm4b:s30+s2] =	stream.linear.scatter [tilespmem:s31], [sflag:$0x1], $0x130, $0x38;
	[tilespmem:$0x12F80] =	vst v63  }
0x36: {  	s4 =	simm.s32 $0x10260;
	s21 =	rddreg [dreg:$0x16]  }
0x37: {  	[hbm4b:s3+s2] =	stream.linear.scatter [tilespmem:s4], [sflag:$0x1], $0x130, $0x38;
	[tilespmem:$0x12F80] =	vst v63  }
0x38: {  	s22 =	simm.s32 $0x10E40;
	s23 =	rddreg [dreg:$0x17]  }
0x39: {  	[hbm4b:s21+s2] =	stream.linear.scatter [tilespmem:s22], [sflag:$0x1], $0x130, $0x38;
	[tilespmem:$0x12F80] =	vst v63  }
0x3a: {  	s24 =	simm.s32 $0x11A20;
	s25 =	rddreg [dreg:$0x18]  }
0x3b: {  	[hbm4b:s23+s2] =	stream.linear.scatter [tilespmem:s24], [sflag:$0x1], $0x130, $0x38;
	[tilespmem:$0x12F80] =	vst v63  }
0x3c: {  	s26 =	simm.s32 $0x10390;
	s28 =	rddreg [dreg:$0x19]  }
0x3d: {  	[hbm4b:s25+s2] =	stream.linear.scatter [tilespmem:s26], [sflag:$0x1], $0x130, $0x38;
	[tilespmem:$0x12F80] =	vst v63  }
0x3e: {  	s29 =	simm.s32 $0x10F70;
	s30 =	rddreg [dreg:$0x1a]  }
0x3f: {  	[hbm4b:s28+s2] =	stream.linear.scatter [tilespmem:s29], [sflag:$0x1], $0x130, $0x38;
	[tilespmem:$0x12F80] =	vst v63  }
0x40: {  	s31 =	simm.s32 $0x11B50;
	s3 =	rddreg [dreg:$0x1b]  }
0x41: {  	[hbm4b:s30+s2] =	stream.linear.scatter [tilespmem:s31], [sflag:$0x1], $0x130, $0x38;
	[tilespmem:$0x12F80] =	vst v63  }
0x42: {  	s4 =	simm.s32 $0x104C0;
	s21 =	rddreg [dreg:$0x1c]  }
0x43: {  	[hbm4b:s3+s2] =	stream.linear.scatter [tilespmem:s4], [sflag:$0x1], $0x130, $0x38;
	[tilespmem:$0x12F80] =	vst v63  }
0x44: {  	s22 =	simm.s32 $0x110A0;
	s23 =	rddreg [dreg:$0x1d]  }
0x45: {  	[hbm4b:s21+s2] =	stream.linear.scatter [tilespmem:s22], [sflag:$0x1], $0x130, $0x38;
	[tilespmem:$0x12F80] =	vst v63  }
0x46: {  	s24 =	simm.s32 $0x11C80;
	s25 =	rddreg [dreg:$0x1e]  }
0x47: {  	[hbm4b:s23+s2] =	stream.linear.scatter [tilespmem:s24], [sflag:$0x1], $0x130, $0x38;
	[tilespmem:$0x12F80] =	vst v63  }
0x48: {  	s26 =	simm.s32 $0x105F0;
	s28 =	rddreg [dreg:$0x1f]  }
0x49: {  	[hbm4b:s25+s2] =	stream.linear.scatter [tilespmem:s26], [sflag:$0x1], $0x130, $0x38;
	[tilespmem:$0x12F80] =	vst v63  }
0x4a: {  	s29 =	simm.s32 $0x111D0;
	s30 =	sld [smem:$0x7FC]  }
0x4b: {  	[hbm4b:s28+s2] =	stream.linear.scatter [tilespmem:s29], [sflag:$0x1], $0x130, $0x38;
	[tilespmem:$0x12F80] =	vst v63  }
0x4c: {  	s1 =	sld [smem:$0x7FD];
	s31 =	simm.s32 $0x11DB0  }
0x4d: {  	[hbm4b:s30+s2] =	stream.linear.scatter [tilespmem:s31], [sflag:$0x1], $0x130, $0x38;
	[tilespmem:$0x12F80] =	vst v63  }
0x4e: {  	s3 =	simm.s32 $0x10720  }
0x4f: {  	[hbm4b:s1+s2] =	stream.linear.scatter [tilespmem:s3], [sflag:$0x1], $0x130, $0x38;
	[tilespmem:$0x12F80] =	vst v63  }
0x50: {  	s4 =	simm.s32 $0x11300  }
0x51: {  	[hbm4b:s5+s2] =	stream.linear.scatter [tilespmem:s4], [sflag:$0x1], $0x130, $0x38;
	[tilespmem:$0x12F80] =	vst v63  }
0x52: {  	s21 =	simm.s32 $0x11EE0  }
0x53: {  	[hbm4b:s6+s2] =	stream.linear.scatter [tilespmem:s21], [sflag:$0x1], $0x130, $0x38;
	[tilespmem:$0x12F80] =	vst v63  }
0x54: {  	s22 =	simm.s32 $0x10850  }
0x55: {  	[hbm4b:s7+s2] =	stream.linear.scatter [tilespmem:s22], [sflag:$0x1], $0x130, $0x38;
	[tilespmem:$0x12F80] =	vst v63  }
0x56: {  	s23 =	simm.s32 $0x11430  }
0x57: {  	[hbm4b:s8+s2] =	stream.linear.scatter [tilespmem:s23], [sflag:$0x1], $0x130, $0x38;
	[tilespmem:$0x12F80] =	vst v63  }
0x58: {  	s24 =	simm.s32 $0x12010  }
0x59: {  	[hbm4b:s9+s2] =	stream.linear.scatter [tilespmem:s24], [sflag:$0x1], $0x130, $0x38;
	[tilespmem:$0x12F80] =	vst v63  }
0x5a: {  	s25 =	simm.s32 $0x10980  }
0x5b: {  	[hbm4b:s10+s2] =	stream.linear.scatter [tilespmem:s25], [sflag:$0x1], $0x130, $0x38;
	[tilespmem:$0x12F80] =	vst v63  }
0x5c: {  	s26 =	simm.s32 $0x11560  }
0x5d: {  	[hbm4b:s11+s2] =	stream.linear.scatter [tilespmem:s26], [sflag:$0x1], $0x130, $0x38;
	[tilespmem:$0x12F80] =	vst v63  }
0x5e: {  	s28 =	simm.s32 $0x12140  }
0x5f: {  	[hbm4b:s12+s2] =	stream.linear.scatter [tilespmem:s28], [sflag:$0x1], $0x130, $0x38;
	[tilespmem:$0x12F80] =	vst v63  }
0x60: {  	s29 =	simm.s32 $0x10AB0  }
0x61: {  	[hbm4b:s13+s2] =	stream.linear.scatter [tilespmem:s29], [sflag:$0x1], $0x130, $0x38;
	[tilespmem:$0x12F80] =	vst v63  }
0x62: {  	s30 =	simm.s32 $0x11690  }
0x63: {  	[hbm4b:s14+s2] =	stream.linear.scatter [tilespmem:s30], [sflag:$0x1], $0x130, $0x38;
	[tilespmem:$0x12F80] =	vst v63  }
0x64: {  	s31 =	simm.s32 $0x12270  }
0x65: {  	[hbm4b:s16+s2] =	stream.linear.scatter [tilespmem:s31], [sflag:$0x1], $0x130, $0x38;
	[tilespmem:$0x12F80] =	vst v63  }
0x66: {  	_ =	swait.ge [sflag:s19], $0x130  }
0x67: {  	[sflag:s19] =	ssyncset.done $0x0  }
0x68: {  	[sflag:s19] =	ssyncadd.s32 $0xFFFFFED0  }
0x69: {  	_ =	swait.ge [sflag:s19], $0x130  }
0x6a: {  	[sflag:s19] =	ssyncset.done $0x0  }
0x6b: {  	[sflag:s19] =	ssyncadd.s32 $0xFFFFFED0  }
0x6c: {  	_ =	swait.ge [sflag:s19], $0x130  }
0x6d: {  	[sflag:s19] =	ssyncset.done $0x0  }
0x6e: {  	[sflag:s19] =	ssyncadd.s32 $0xFFFFFED0  }
0x6f: {  	_ =	swait.ge [sflag:s19], $0x130  }
0x70: {  	[sflag:s19] =	ssyncset.done $0x0  }
0x71: {  	[sflag:s19] =	ssyncadd.s32 $0xFFFFFED0  }
0x72: {  	_ =	swait.ge [sflag:s19], $0x130  }
0x73: {  	[sflag:s19] =	ssyncset.done $0x0  }
0x74: {  	[sflag:s19] =	ssyncadd.s32 $0xFFFFFED0  }
0x75: {  	_ =	swait.ge [sflag:s19], $0x130  }
0x76: {  	[sflag:s19] =	ssyncset.done $0x0  }
0x77: {  	[sflag:s19] =	ssyncadd.s32 $0xFFFFFED0  }
0x78: {  	_ =	swait.ge [sflag:s19], $0x130  }
0x79: {  	[sflag:s19] =	ssyncset.done $0x0  }
0x7a: {  	[sflag:s19] =	ssyncadd.s32 $0xFFFFFED0  }
0x7b: {  	_ =	swait.ge [sflag:s19], $0x130  }
0x7c: {  	[sflag:s19] =	ssyncset.done $0x0  }
0x7d: {  	[sflag:s19] =	ssyncadd.s32 $0xFFFFFED0  }
0x7e: {  	_ =	swait.ge [sflag:s19], $0x130  }
0x7f: {  	[sflag:s19] =	ssyncset.done $0x0  }
0x80: {  	[sflag:s19] =	ssyncadd.s32 $0xFFFFFED0  }
0x81: {  	_ =	swait.ge [sflag:s19], $0x130  }
0x82: {  	[sflag:s19] =	ssyncset.done $0x0  }
0x83: {  	[sflag:s19] =	ssyncadd.s32 $0xFFFFFED0  }
0x84: {  	_ =	swait.ge [sflag:s19], $0x130  }
0x85: {  	[sflag:s19] =	ssyncset.done $0x0  }
0x86: {  	[sflag:s19] =	ssyncadd.s32 $0xFFFFFED0  }
0x87: {  	_ =	swait.ge [sflag:s19], $0x130  }
0x88: {  	[sflag:s19] =	ssyncset.done $0x0  }
0x89: {  	[sflag:s19] =	ssyncadd.s32 $0xFFFFFED0  }
0x8a: {  	_ =	swait.ge [sflag:s19], $0x130  }
0x8b: {  	[sflag:s19] =	ssyncset.done $0x0  }
0x8c: {  	[sflag:s19] =	ssyncadd.s32 $0xFFFFFED0  }
0x8d: {  	_ =	swait.ge [sflag:s19], $0x130  }
0x8e: {  	[sflag:s19] =	ssyncset.done $0x0  }
0x8f: {  	[sflag:s19] =	ssyncadd.s32 $0xFFFFFED0  }
0x90: {  	_ =	swait.ge [sflag:s19], $0x130  }
0x91: {  	[sflag:s19] =	ssyncset.done $0x0  }
0x92: {  	[sflag:s19] =	ssyncadd.s32 $0xFFFFFED0  }
0x93: {  	_ =	swait.ge [sflag:s19], $0x130  }
0x94: {  	[sflag:s19] =	ssyncset.done $0x0  }
0x95: {  	[sflag:s19] =	ssyncadd.s32 $0xFFFFFED0  }
0x96: {  	_ =	swait.ge [sflag:s19], $0x130  }
0x97: {  	[sflag:s19] =	ssyncset.done $0x0  }
0x98: {  	[sflag:s19] =	ssyncadd.s32 $0xFFFFFED0  }
0x99: {  	_ =	swait.ge [sflag:s19], $0x130  }
0x9a: {  	[sflag:s19] =	ssyncset.done $0x0  }
0x9b: {  	[sflag:s19] =	ssyncadd.s32 $0xFFFFFED0  }
0x9c: {  	_ =	swait.ge [sflag:s19], $0x130  }
0x9d: {  	[sflag:s19] =	ssyncset.done $0x0  }
0x9e: {  	[sflag:s19] =	ssyncadd.s32 $0xFFFFFED0  }
0x9f: {  	_ =	swait.ge [sflag:s19], $0x130  }
0xa0: {  	[sflag:s19] =	ssyncset.done $0x0  }
0xa1: {  	[sflag:s19] =	ssyncadd.s32 $0xFFFFFED0  }
0xa2: {  	_ =	swait.ge [sflag:s19], $0x130  }
0xa3: {  	[sflag:s19] =	ssyncset.done $0x0  }
0xa4: {  	[sflag:s19] =	ssyncadd.s32 $0xFFFFFED0  }
0xa5: {  	_ =	swait.ge [sflag:s19], $0x130  }
0xa6: {  	[sflag:s19] =	ssyncset.done $0x0  }
0xa7: {  	[sflag:s19] =	ssyncadd.s32 $0xFFFFFED0  }
0xa8: {  	_ =	swait.ge [sflag:s19], $0x130  }
0xa9: {  	[sflag:s19] =	ssyncset.done $0x0  }
0xaa: {  	[sflag:s19] =	ssyncadd.s32 $0xFFFFFED0  }
0xab: {  	_ =	swait.ge [sflag:s19], $0x130  }
0xac: {  	[sflag:s19] =	ssyncset.done $0x0  }
0xad: {  	[sflag:s19] =	ssyncadd.s32 $0xFFFFFED0  }
0xae: {  	_ =	swait.ge [sflag:s19], $0x130  }
0xaf: {  	[sflag:s19] =	ssyncset.done $0x0  }
0xb0: {  	[sflag:s19] =	ssyncadd.s32 $0xFFFFFED0  }
0xb1: {  	_ =	swait.ge [sflag:s19], $0x130  }
0xb2: {  	[sflag:s19] =	ssyncset.done $0x0  }
0xb3: {  	[sflag:s19] =	ssyncadd.s32 $0xFFFFFED0  }
0xb4: {  	_ =	swait.ge [sflag:s19], $0x130  }
0xb5: {  	[sflag:s19] =	ssyncset.done $0x0  }
0xb6: {  	[sflag:s19] =	ssyncadd.s32 $0xFFFFFED0  }
0xb7: {  	_ =	swait.ge [sflag:s19], $0x130  }
0xb8: {  	[sflag:s19] =	ssyncset.done $0x0  }
0xb9: {  	[sflag:s19] =	ssyncadd.s32 $0xFFFFFED0  }
0xba: {  	_ =	swait.ge [sflag:s19], $0x130  }
0xbb: {  	[sflag:s19] =	ssyncset.done $0x0  }
0xbc: {  	[sflag:s19] =	ssyncadd.s32 $0xFFFFFED0  }
0xbd: {  	_ =	swait.ge [sflag:s19], $0x130  }
0xbe: {  	[sflag:s19] =	ssyncset.done $0x0  }
0xbf: {  	[sflag:s19] =	ssyncadd.s32 $0xFFFFFED0  }
0xc0: {  	_ =	swait.ge [sflag:s19], $0x130  }
0xc1: {  	[sflag:s19] =	ssyncset.done $0x0  }
0xc2: {  	[sflag:s19] =	ssyncadd.s32 $0xFFFFFED0  }
0xc3: {  	_ =	swait.ge [sflag:s19], $0x130  }
0xc4: {  	[sflag:s19] =	ssyncset.done $0x0  }
0xc5: {  	[sflag:s19] =	ssyncadd.s32 $0xFFFFFED0  }
0xc6: {  	_ =	swait.ge [sflag:s19], $0x130  }
0xc7: {  	[sflag:s19] =	ssyncset.done $0x0  }
0xc8: {  	[sflag:s19] =	ssyncadd.s32 $0xFFFFFED0  }
0xc9: {  	_ =	swait.ge [sflag:s19], $0x130  }
0xca: {  	[sflag:s19] =	ssyncset.done $0x0  }
0xcb: {  	[sflag:s19] =	ssyncadd.s32 $0xFFFFFED0  }
0xcc: {  	_ =	swait.ge [sflag:s19], $0x130  }
0xcd: {  	[sflag:s19] =	ssyncset.done $0x0  }
0xce: {  	[sflag:s19] =	ssyncadd.s32 $0xFFFFFED0  }
0xcf: {  	_ =	swait.ge [sflag:s19], $0x130  }
0xd0: {  	[sflag:s19] =	ssyncset.done $0x0  }
0xd1: {  	[sflag:s19] =	ssyncadd.s32 $0xFFFFFED0  }
0xd2: {  	_ =	swait.ge [sflag:s19], $0x130  }
0xd3: {  	[sflag:s19] =	ssyncset.done $0x0  }
0xd4: {  	[sflag:s19] =	ssyncadd.s32 $0xFFFFFED0  }
0xd5: {  	_ =	swait.ge [sflag:s19], $0x130  }
0xd6: {  	[sflag:s19] =	ssyncset.done $0x0  }
0xd7: {  	s20 =	sadd.s32 $0x1, s20;
	[sflag:s19] =	ssyncadd.s32 $0xFFFFFED0  }
0xd8: {  	p0 =	sne.s32 s20, s17;
	_ =	swait.ge [sflag:s19], $0x130  }
.Ltmp1:
0xd9: {  	[sflag:s19] =	ssyncset.done $0x0;
	(pc) =	sbr.rel @!p0 .LBB2_21-.Ltmp1, $4  }
0xda: {  	[sflag:s19] =	ssyncadd.s32 $0xFFFFFED0  }
0xdb: {  	_ =	swait.ge [sflag:s19], $0x130  }
0xdc: {  	[sflag:s19] =	ssyncset.done $0x0  }
0xdd: {  	[sflag:s19] =	ssyncadd.s32 $0xFFFFFED0  }
.LBB2_1:
0xde: {  	s0 =	rddreg [dreg:$0x3]  }
0xdf: {  	[tilespmem:s2], [sflag:$0x2] =	stream.linear.gather [hbm4b:s0+s2], $0x8000, $0x38;
	[tilespmem:$0x12F80] =	vst v63  }
0xe0: {  	s31 =	rddreg [dreg:$0x4];
	s1 =	simm.s32 $0x8000;
	s0 =	simm.s32 $0x10040  }
0xe1: {  	[tilespmem:s1], [sflag:$0x2] =	stream.linear.gather [hbm4b:s31+s2], $0x8000, $0x38;
	[tilespmem:$0x12F80] =	vst v63  }
0xe2: {  	[tilespmem:s0+$0xFFFFFFC0] =	vst v0  }
0xe3: {  	[tilespmem:s0+$0x30] =	vst v0  }
0xe4: {  	[tilespmem:s0+$0x20] =	vst v0  }
0xe5: {  	[tilespmem:s0+$0x10] =	vst v0  }
0xe6: {  	[tilespmem:s0+$0x0] =	vst v0  }
0xe7: {  	[tilespmem:s0+$0xFFFFFFF0] =	vst v0  }
0xe8: {  	s1 =	simm.s32 $0x0;
	[tilespmem:s0+$0xFFFFFFE0] =	vst v0  }
.LBB2_2:
0xe9: {  	s1 =	sadd.s32 $0x8, s1;
	[tilespmem:s0+$0xFFFFFFD0] =	vst v0;
	s0 =	sadd.s32 $0x80, s0  }
0xea: {  	[tilespmem:s0+$0xFFFFFFC0] =	vst v0;
	p0 =	slt.u32 s1, $0x2F0  }
0xeb: {  	[tilespmem:s0+$0x30] =	vst v0  }
.Ltmp2:
0xec: {  	[tilespmem:s0+$0x20] =	vst v0;
	(pc) =	sbr.rel @p0 .LBB2_2-.Ltmp2, $4  }
0xed: {  	[tilespmem:s0+$0x10] =	vst v0  }
0xee: {  	[tilespmem:s0+$0x0] =	vst v0  }
0xef: {  	[tilespmem:s0+$0xFFFFFFF0] =	vst v0  }
0xf0: {  	[tilespmem:s0+$0xFFFFFFE0] =	vst v0  }
0xf1: {  	[tilespmem:s0+$0xFFFFFFD0] =	vst v0  }
0xf2: {  	s21 =	simm.s32 $0x0;
	s1 =	simm.s32 $0x123A0;
	s0 =	rddreg [dreg:$0x5]  }
0xf3: {  	[hbm4b:s0+s21] =	stream.linear.scatter [tilespmem:s1], [sflag:$0x1], $0x130, $0x38;
	[tilespmem:$0x12F80] =	vst v63  }
0xf4: {  	s26 =	simm.s32 $0x124D0;
	s25 =	rddreg [dreg:$0x6]  }
0xf5: {  	[hbm4b:s25+s21] =	stream.linear.scatter [tilespmem:s26], [sflag:$0x1], $0x130, $0x38;
	[tilespmem:$0x12F80] =	vst v63  }
0xf6: {  	s29 =	simm.s32 $0x12600;
	s28 =	rddreg [dreg:$0x7]  }
0xf7: {  	[hbm4b:s28+s21] =	stream.linear.scatter [tilespmem:s29], [sflag:$0x1], $0x130, $0x38;
	[tilespmem:$0x12F80] =	vst v63  }
0xf8: {  	s31 =	simm.s32 $0x12730;
	s30 =	rddreg [dreg:$0x8]  }
0xf9: {  	[hbm4b:s30+s21] =	stream.linear.scatter [tilespmem:s31], [sflag:$0x1], $0x130, $0x38;
	[tilespmem:$0x12F80] =	vst v63  }
0xfa: {  	s3 =	simm.s32 $0x12860;
	s1 =	rddreg [dreg:$0x9]  }
0xfb: {  	[hbm4b:s1+s21] =	stream.linear.scatter [tilespmem:s3], [sflag:$0x1], $0x130, $0x38;
	[tilespmem:$0x12F80] =	vst v63  }
0xfc: {  	s22 =	simm.s32 $0x12990;
	s4 =	rddreg [dreg:$0xa]  }
0xfd: {  	[hbm4b:s4+s21] =	stream.linear.scatter [tilespmem:s22], [sflag:$0x1], $0x130, $0x38;
	[tilespmem:$0x12F80] =	vst v63  }
0xfe: {  	s24 =	simm.s32 $0x12AC0;
	s23 =	rddreg [dreg:$0xb]  }
0xff: {  	[hbm4b:s23+s21] =	stream.linear.scatter [tilespmem:s24], [sflag:$0x1], $0x130, $0x38;
	[tilespmem:$0x12F80] =	vst v63  }
0x100: {  	s25 =	rddreg [dreg:$0xc];
	s26 =	simm.s32 $0x12BF0  }
0x101: {  	[hbm4b:s25+s21] =	stream.linear.scatter [tilespmem:s26], [sflag:$0x1], $0x130, $0x38;
	[tilespmem:$0x12F80] =	vst v63  }
0x102: {  	s28 =	rddreg [dreg:$0xd];
	s29 =	simm.s32 $0x12D20  }
0x103: {  	[hbm4b:s28+s21] =	stream.linear.scatter [tilespmem:s29], [sflag:$0x1], $0x130, $0x38;
	[tilespmem:$0x12F80] =	vst v63  }
0x104: {  	s30 =	rddreg [dreg:$0xe];
	s31 =	simm.s32 $0x12E50  }
0x105: {  	[hbm4b:s30+s21] =	stream.linear.scatter [tilespmem:s31], [sflag:$0x1], $0x130, $0x38;
	[tilespmem:$0x12F80] =	vst v63  }
0x106: {  	_ =	swait.ge [sflag:s18], $0x8000  }
.Ltmp3:
0x107: {  	[sflag:s18] =	ssyncset.done $0x0;
	(pc) =	sbr.rel .LBB2_4-.Ltmp3, $4  }
0x108: {  	[sflag:s18] =	ssyncadd.s32 $0xFFFF8000  }
0x109: {  	_ =	swait.ge [sflag:s18], $0x8000  }
0x10a: {  	[sflag:s18] =	ssyncset.done $0x0  }
0x10b: {  	[sflag:s18] =	ssyncadd.s32 $0xFFFF8000  }
.LBB2_19:
0x10c: {  	s21 =	sadd.s32 $0x1, s21  }
0x10d: {  	p0 =	sne.s32 s21, $0x100  }
.Ltmp4:
0x10e: {  	_ = 	snop;
	(pc) =	sbr.rel @!p0 .LBB2_20-.Ltmp4, $1  }
0x10f: {  	_ =	sdelay $0x3  }
.LBB2_4:
0x110: {  	s0 =	sshll.u32 s21, $0x7  }
0x111: {  	v2 =	vld [tilespmem:s0+$0x0];
	_ =	sdelay $0x4  }
0x112: {  	(v2sf) =	vpush v2, $0x2;
	v3 =	vadd.s32 s15, v2  }
0x113: {  	(v2sf) =	vpush v2, $0x3;
	v3 =	vshra.s32 v3, $0x5  }
0x114: {  	(v2sf) =	vpush v3, $0x0  }
0x115: {  	(v2sf) =	vpush v3, $0x1;
	_ =	sdelay $0xb  }
0x116: {  	s29 =	spop (v2sf)  }
0x117: {  	s1 =	spop (v2sf)  }
0x118: {  	s22 =	spop (v2sf)  }
0x119: {  	s23 =	spop (v2sf)  }
0x11a: {  	p0 =	sgt.s32 s22, $0x0;
	p1 =	slt.s32 s23, $0xA  }
0x11b: {  	s22 =	simm.s32 @!p0 $0x0;
	p0 =	sge.s32 s29, s1;
	s23 =	simm.s32 @!p1 $0xA  }
0x11c: {  	p1 =	sle.s32 @!p0 s23, s22  }
0x11d: {  	p0 =	por p0, p1  }
.Ltmp5:
0x11e: {  	_ = 	snop;
	(pc) =	sbr.rel @p0 .LBB2_19-.Ltmp5, $1  }
0x11f: {  	_ =	sdelay $0x3  }
0x120: {  	v5 =	vld [tilespmem:s0+$0x8000];
	_ =	sdelay $0x4  }
0x121: {  	(v2sf) =	vpush v5, $0x3;
	_ =	sdelay $0xe  }
0x122: {  	s31 =	spop (v2sf)  }
0x123: {  	p1 =	sne.f32 s31, $0.0e+00  }
.Ltmp6:
0x124: {  	s26 =	sand.u32 $0xFFFFFFF0, s29;
	v3 =	vbroadcast v2, $0x2;
	(pc) =	sbr.rel @!p1 .LBB2_6-.Ltmp6, $4  }
0x125: {  	v6 =	vbroadcast v2, $0x3;
	v4 =	vor.u32 s26, v1  }
0x126: {  	s28 =	sadd.s32 $0xFFFFFFFF, s1;
	vm0 =	vge.s32 v4, v3  }
0x127: {  	s25 =	sshra.s32 s29, $0x4;
	s24 =	sshra.s32 s28, $0x4;
	vm1 =	vlt.s32 v4, v6;
	v3 =	vbroadcast v5, $0x1;
	v4 =	vbroadcast v5, $0x2  }
0x128: {  	p0 =	sne.s32 s24, s25;
	vm0 =	vmand vm0, vm1;
	v2 =	vbroadcast v5, $0x0  }
.Ltmp7:
0x129: {  	(pc) =	sbr.rel @p0 .LBB2_35-.Ltmp7, $2  }
0x12a: {  	_ =	sdelay $0x1  }
0x12b: {  	v5 =	vbroadcast v5, $0x3;
	_ =	sdelay $0x1  }
0x12c: {  	s0 =	ssub.s32 s23, s22  }
0x12d: {  	s1 =	sand.u32 $0x80, s0  }
0x12e: {  	s1 =	sshrl.u32 s1, $0x7  }
0x12f: {  	s1 =	sadd.s32 s1, s0  }
0x130: {  	s1 =	sand.u32 $0xFE, s1  }
0x131: {  	s1 =	ssub.s32 s0, s1  }
0x132: {  	s1 =	sshll.u32 s1, $0x18  }
0x133: {  	s30 =	sshra.s32 s1, $0x18  }
0x134: {  	s0 =	ssub.s32 s0, s30  }
0x135: {  	p0 =	slt.s32 s0, $0x1  }
.Ltmp8:
0x136: {  	_ = 	snop;
	(pc) =	sbr.rel @p0 .LBB2_32-.Ltmp8, $2  }
0x137: {  	_ =	sdelay $0x2  }
0x138: {  	s31 =	sadd.s32 s22, s0  }
0x139: {  	s0 =	smul.u32 $0x4C0, s22;
	s1 =	sshll.u32 s29, $0x2  }
0x13a: {  	s1 =	sand.u32 $0xFFFFFFC0, s1  }
0x13b: {  	s0 =	sadd.s32 s1, s0  }
0x13c: {  	s0 =	sshra.s32 s0, $0x2  }
0x13d: {  	s1 =	sadd.s32 $0x10D10, s0  }
0x13e: {  	s3 =	sadd.s32 $0x2, s22;
	v9 =	vld [tilespmem:s1+$0xBE0]  }
0x13f: {  	p1 =	slt.s32 s3, s31;
	v11 =	vld [tilespmem:s1+$0xFFFFFED0]  }
.Ltmp9:
0x140: {  	v7 =	vld [tilespmem:s1+$0xFFFFF2F0];
	(pc) =	sbr.rel @!p1 .LBB2_31-.Ltmp9, $4  }
0x141: {  	_ = 	snop  }
0x142: {  	v16 =	vld [tilespmem:s1+$0xAB0]  }
0x143: {  	v12 =	vld [tilespmem:s1+$0xFFFFF420]  }
0x144: {  	p0 =	por $0x0, $0x0;
	v10 =	vld [tilespmem:s1+$0x0];
	s0 =	sadd.s32 $0x260, s1;
	v17 =	vmul.f32 v9, v5;
	v18 =	vmul.f32 v11, v5  }
0x145: {  	_ =	sdelay $0x1  }
0x146: {  	v13 =	vld [tilespmem:s0+$0xBE0];
	s3 =	sadd.s32 $0x2, s3;
	v15 =	vadd.f32 v17, v4;
	v17 =	vadd.f32 v18, v3;
	v14 =	vmul.f32 v16, v5  }
0x147: {  	v8 =	vld [tilespmem:s0+$0xFFFFFED0];
	p1 =	slt.s32 s3, s31;
	v18 =	vmul.f32 v12, v5  }
.Ltmp10:
0x148: {  	v11 =	vsel vm0, v17, v11;
	v19 =	vadd.f32 v14, v4;
	v20 =	vmul.f32 v10, v5;
	(pc) =	sbr.rel @!p1 .LBB2_42-.Ltmp10, $4  }
0x149: {  	v21 =	vmul.f32 v7, v5;
	v14 =	vsel vm0, v15, v9;
	v9 =	vld [tilespmem:s0+$0xAB0];
	[tilespmem:s1+$0xFFFFFED0] =	vst v11;
	v18 =	vadd.f32 v18, v2  }
0x14a: {  	v15 =	vld [tilespmem:s0+$0x0];
	[tilespmem:s1+$0xBE0] =	vst v14;
	v11 =	vsel vm0, v19, v16;
	v16 =	vadd.f32 v20, v3  }
0x14b: {  	v14 =	vld [tilespmem:s0+$0xFFFFF420];
	v19 =	vadd.f32 v21, v2;
	[tilespmem:s1+$0xAB0] =	vst v11;
	v12 =	vsel vm0, v18, v12  }
0x14c: {  	s4 =	sadd.s32 $0x260, s0;
	p0 =	por $0x1, $0x1;
	v17 =	vmul.f32 v13, v5;
	v11 =	vld [tilespmem:s0+$0xFFFFF2F0];
	v18 =	vmul.f32 v8, v5;
	[tilespmem:s1+$0xFFFFF420] =	vst v12;
	v20 =	vsel vm0, v16, v10  }
.LBB2_43:
0x14d: {  	v7 =	vsel vm0, v19, v7;
	_ =	sdelay $0x1  }
0x14e: {  	v10 =	vld [tilespmem:s4+$0xBE0];
	s3 =	sadd.s32 $0x2, s3;
	v12 =	vmul.f32 v9, v5;
	v22 =	vadd.f32 v17, v4;
	[tilespmem:s1+$0x0] =	vst v20  }
0x14f: {  	v21 =	vld [tilespmem:s4+$0xFFFFFED0];
	p1 =	slt.s32 s3, s31;
	v17 =	vadd.f32 v18, v3;
	v18 =	vmul.f32 v14, v5;
	[tilespmem:s1+$0xFFFFF2F0] =	vst v7;
	v20 =	vmovc v14;
	s1 =	smov.u32 s0;
	s0 =	smov.u32 s4;
	v7 =	vmov v9  }
.Ltmp11:
0x150: {  	v12 =	vadd.f32 v12, v4;
	v19 =	vmul.f32 v15, v5;
	v13 =	vsel vm0, v22, v13;
	v16 =	vmovc v15;
	v9 =	vld [tilespmem:s4+$0xAB0];
	(pc) =	sbr.rel @p1 .LBB2_43-.Ltmp11, $4  }
0x151: {  	v22 =	vmul.f32 v11, v5;
	v8 =	vsel vm0, v17, v8;
	v18 =	vadd.f32 v18, v2;
	v14 =	vld [tilespmem:s4+$0xFFFFF420];
	[tilespmem:s1+$0xBE0] =	vst v13  }
0x152: {  	v23 =	vsel vm0, v12, v7;
	v12 =	vadd.f32 v19, v3;
	v15 =	vld [tilespmem:s4+$0x0];
	[tilespmem:s1+$0xFFFFFED0] =	vst v8;
	v7 =	vmov v11  }
0x153: {  	v17 =	vmul.f32 v10, v5;
	v19 =	vadd.f32 v22, v2;
	v22 =	vsel vm0, v18, v20;
	v11 =	vld [tilespmem:s4+$0xFFFFF2F0];
	[tilespmem:s1+$0xAB0] =	vst v23  }
0x154: {  	v13 =	vmovc v10;
	v18 =	vmul.f32 v21, v5;
	v20 =	vsel vm0, v12, v16;
	v8 =	vmov v21;
	s4 =	sadd.s32 $0x260, s4;
	[tilespmem:s1+$0xFFFFF420] =	vst v22  }
0x155: {  	_ =	sdelay $0x1  }
0x156: {  	v21 =	vmov v7;
	v16 =	vmov v9  }
0x157: {  	s3 =	smov.u32 s1;
	s1 =	smov.u32 s0;
	v9 =	vmovc v13;
	v12 =	vmovc v14;
	v10 =	vmov v15;
	v7 =	vmov v11;
	v11 =	vmov v8  }
.LBB2_45:
0x158: {  	v8 =	vmul.f32 v16, v5;
	v13 =	vadd.f32 v17, v4  }
0x159: {  	v14 =	vsel @p0 vm0, v19, v21;
	[tilespmem:s3+$0x0] =	vst @p0 v20;
	v15 =	vadd.f32 v18, v3;
	v60 =	vmul.f32 v7, v5  }
0x15a: {  	v58 =	vmul.f32 v12, v5;
	[tilespmem:s3+$0xFFFFF2F0] =	vst @p0 v14;
	v8 =	vadd.f32 v8, v4;
	v9 =	vsel vm0, v13, v9  }
0x15b: {  	v59 =	vmul.f32 v10, v5;
	v11 =	vsel vm0, v15, v11;
	v63 =	vadd.f32 v60, v2;
	[tilespmem:s1+$0xBE0] =	vst v9  }
0x15c: {  	v61 =	vadd.f32 v58, v2;
	[tilespmem:s1+$0xFFFFFED0] =	vst v11;
	v8 =	vsel vm0, v8, v16  }
0x15d: {  	v62 =	vadd.f32 v59, v3;
	v7 =	vsel vm0, v63, v7;
	[tilespmem:s1+$0xAB0] =	vst v8  }
0x15e: {  	v8 =	vsel vm0, v61, v12;
	[tilespmem:s1+$0xFFFFF2F0] =	vst v7  }
0x15f: {  	[tilespmem:s1+$0xFFFFF420] =	vst v8;
	v8 =	vsel vm0, v62, v10  }
0x160: {  	[tilespmem:s1+$0x0] =	vst v8  }
.LBB2_32:
0x161: {  	p0 =	sge.s32 s31, s23  }
.Ltmp12:
0x162: {  	_ = 	snop;
	(pc) =	sbr.rel @p0 .LBB2_35-.Ltmp12, $1  }
0x163: {  	_ =	sdelay $0x3  }
0x164: {  	s0 =	smul.u32 $0x4C0, s23;
	s1 =	sshll.u32 s29, $0x2  }
0x165: {  	s3 =	smul.u32 $0x4C0, s30;
	s1 =	sand.u32 $0xFFFFFFC0, s1  }
0x166: {  	s0 =	sadd.s32 s1, s0  }
0x167: {  	s0 =	ssub.s32 s0, s3  }
0x168: {  	s0 =	sshra.s32 s0, $0x2  }
0x169: {  	s0 =	sadd.s32 $0x10BE0, s0  }
.LBB2_34:
0x16a: {  	v7 =	vld [tilespmem:s0+$0xFFFFF420]  }
0x16b: {  	v8 =	vld [tilespmem:s0+$0x0]  }
0x16c: {  	v9 =	vld [tilespmem:s0+$0xBE0];
	_ =	sdelay $0x2  }
0x16d: {  	v10 =	vmul.f32 v7, v5  }
0x16e: {  	v11 =	vmul.f32 v8, v5  }
0x16f: {  	p0 =	sne.s32 s30, $0x1;
	v12 =	vmul.f32 v9, v5;
	v10 =	vadd.f32 v10, v2  }
.Ltmp13:
0x170: {  	v11 =	vadd.f32 v11, v3;
	(pc) =	sbr.rel @p0 .LBB2_34-.Ltmp13, $4  }
0x171: {  	v63 =	vadd.f32 v12, v4;
	v7 =	vsel vm0, v10, v7  }
0x172: {  	[tilespmem:s0+$0xFFFFF420] =	vst v7;
	v7 =	vsel vm0, v11, v8  }
0x173: {  	[tilespmem:s0+$0x0] =	vst v7;
	v7 =	vsel vm0, v63, v9  }
0x174: {  	s30 =	sadd.s32 $0xFFFFFFFF, s30;
	[tilespmem:s0+$0xBE0] =	vst v7;
	s0 =	sadd.s32 $0x130, s0  }
.LBB2_35:
0x175: {  	p0 =	sle.s32 s24, s25  }
.Ltmp14:
0x176: {  	_ = 	snop;
	(pc) =	sbr.rel @p0 .LBB2_19-.Ltmp14, $1  }
0x177: {  	_ =	sdelay $0x3  }
0x178: {  	s29 =	sadd.s32 $0x1, s25  }
0x179: {  	s0 =	ssub.s32 s24, s29  }
0x17a: {  	s1 =	sshrl.u32 s0, $0x1E  }
0x17b: {  	s3 =	sand.u32 $0xFFFFFFF0, s28;
	s4 =	sadd.s32 $0x10000, s26;
	s1 =	sadd.s32 s1, s0  }
0x17c: {  	s28 =	smul.u32 $0x4C0, s22;
	s25 =	sshll.u32 s25, $0x6;
	s1 =	sand.u32 $0xFFFFFFFC, s1  }
.Ltmp15:
0x17d: {  	s31 =	sshll.u32 s24, $0x6;
	s26 =	ssub.s32 s0, s1;
	(pc) =	sbr.rel .LBB2_37-.Ltmp15, $4  }
0x17e: {  	s0 =	sadd.s32 s25, s28;
	s25 =	sadd.s32 s31, s28;
	s28 =	sshll.u32 s26, $0x6  }
0x17f: {  	s31 =	sadd.s32 $0x10000, s3;
	p0 =	slt.s32 s1, $0x1;
	s30 =	ssub.s32 s25, s28  }
0x180: {  	v7 =	vor.u32 s3, v1;
	s0 =	sshra.s32 s0, $0x2;
	s25 =	sadd.s32 s29, s1;
	s3 =	sshra.s32 s30, $0x2  }
0x181: {  	vm1 =	vlt.s32 v7, v6;
	v6 =	vmov s4;
	v7 =	vmov s31;
	s28 =	sadd.s32 $0x10C00, s0;
	p1 =	sge.s32 s25, s24;
	s30 =	sadd.s32 $0x10BE0, s3  }
.LBB2_40:
0x182: {  	_ =	sdelay $0x3  }
0x183: {  	v8 =	vld.idx.msk [tilespmem:v7+s24+$0x0 ss:$0x1], $0xffff  }
0x184: {  	v9 =	vld.idx.msk [tilespmem:v7+s24+$0xBE0 ss:$0x1], $0xffff  }
0x185: {  	v10 =	vld.idx.msk [tilespmem:v7+s24+$0x17C0 ss:$0x1], $0xffff;
	_ =	sdelay $0x2  }
0x186: {  	v11 =	vmul.f32 v8, v5  }
0x187: {  	s22 =	sadd.s32 $0x1, s22;
	v12 =	vmul.f32 v9, v5  }
0x188: {  	p2 =	sne.s32 s22, s23;
	v13 =	vmul.f32 v10, v5;
	v11 =	vadd.f32 v11, v2  }
.Ltmp16:
0x189: {  	v12 =	vadd.f32 v12, v3;
	(pc) =	sbr.rel @!p2 .LBB2_19-.Ltmp16, $4  }
0x18a: {  	v63 =	vadd.f32 v13, v4;
	v8 =	vsel vm1, v11, v8  }
0x18b: {  	[tilespmem:v7+s24+$0x0 ss:$0x1] =	vst.idx.msk $0xffff, v8;
	v8 =	vsel vm1, v12, v9  }
0x18c: {  	[tilespmem:v7+s24+$0xBE0 ss:$0x1] =	vst.idx.msk $0xffff, v8;
	v8 =	vsel vm1, v63, v10  }
0x18d: {  	s28 =	sadd.s32 $0x130, s28;
	s30 =	sadd.s32 $0x130, s30;
	[tilespmem:v7+s24+$0x17C0 ss:$0x1] =	vst.idx.msk $0xffff, v8  }
.LBB2_37:
0x18e: {  	_ =	sdelay $0x1  }
0x18f: {  	s24 =	smul.u32 $0x130, s22;
	_ =	sdelay $0x1  }
0x190: {  	v8 =	vld.idx.msk [tilespmem:v6+s24+$0x0 ss:$0x1], $0xffff  }
0x191: {  	v9 =	vld.idx.msk [tilespmem:v6+s24+$0xBE0 ss:$0x1], $0xffff  }
0x192: {  	v10 =	vld.idx.msk [tilespmem:v6+s24+$0x17C0 ss:$0x1], $0xffff;
	_ =	sdelay $0x2  }
0x193: {  	v11 =	vmul.f32 v8, v5  }
0x194: {  	v12 =	vmul.f32 v9, v5  }
0x195: {  	v13 =	vmul.f32 v10, v5;
	v11 =	vadd.f32 v11, v2  }
.Ltmp17:
0x196: {  	v12 =	vadd.f32 v12, v3;
	(pc) =	sbr.rel @p0 .LBB2_38-.Ltmp17, $4  }
0x197: {  	v63 =	vadd.f32 v13, v4;
	v8 =	vsel vm0, v11, v8  }
0x198: {  	[tilespmem:v6+s24+$0x0 ss:$0x1] =	vst.idx.msk $0xffff, v8;
	v8 =	vsel vm0, v12, v9  }
0x199: {  	[tilespmem:v6+s24+$0xBE0 ss:$0x1] =	vst.idx.msk $0xffff, v8;
	v8 =	vsel vm0, v63, v10  }
0x19a: {  	[tilespmem:v6+s24+$0x17C0 ss:$0x1] =	vst.idx.msk $0xffff, v8  }
0x19b: {  	v8 =	vld [tilespmem:s28+$0xFFFFFFF0]  }
0x19c: {  	v9 =	vld [tilespmem:s28+$0xC00]  }
0x19d: {  	v10 =	vld [tilespmem:s28+$0xBD0]  }
0x19e: {  	v11 =	vld [tilespmem:s28+$0xFFFFF420]  }
0x19f: {  	v12 =	vld [tilespmem:s28+$0x0]  }
0x1a0: {  	v14 =	vld [tilespmem:s28+$0xBE0];
	s1 =	sadd.s32 $0x4, s29;
	v13 =	vmul.f32 v8, v5  }
0x1a1: {  	v16 =	vld [tilespmem:s28+$0xFFFFF430];
	p2 =	slt.s32 s1, s25;
	v9 =	vmul.f32 v9, v5  }
.Ltmp18:
0x1a2: {  	v10 =	vmul.f32 v10, v5;
	v8 =	vld [tilespmem:s28+$0x10];
	v13 =	vadd.f32 v13, v3;
	(pc) =	sbr.rel @!p2 .LBB2_48-.Ltmp18, $4  }
0x1a3: {  	v11 =	vmul.f32 v11, v5;
	v15 =	vadd.f32 v9, v4;
	v9 =	vld [tilespmem:s28+$0xBF0]  }
0x1a4: {  	v18 =	vmul.f32 v12, v5;
	v17 =	vadd.f32 v10, v4;
	v10 =	vld [tilespmem:s28+$0xFFFFF440];
	[tilespmem:s28+$0xFFFFFFF0] =	vst v13  }
0x1a5: {  	v14 =	vmul.f32 v14, v5;
	v12 =	vld [tilespmem:s28+$0x20];
	[tilespmem:s28+$0xC00] =	vst v15;
	v13 =	vadd.f32 v11, v2  }
0x1a6: {  	s31 =	sadd.s32 $0x40, s28;
	s0 =	smov.u32 s28;
	v16 =	vmul.f32 v16, v5;
	v11 =	vld [tilespmem:s28+$0xFFFFF410];
	[tilespmem:s28+$0xBD0] =	vst v17;
	v15 =	vadd.f32 v18, v3  }
.LBB2_47:
0x1a7: {  	v17 =	vld [tilespmem:s31+$0xC00];
	s1 =	sadd.s32 $0x4, s1;
	[tilespmem:s0+$0xFFFFF420] =	vst v13;
	v13 =	vadd.f32 v14, v4;
	v8 =	vmul.f32 v8, v5  }
0x1a8: {  	v14 =	vld [tilespmem:s31+$0xFFFFFFF0];
	p2 =	slt.s32 s1, s25;
	[tilespmem:s0+$0x0] =	vst v15;
	v15 =	vadd.f32 v16, v2;
	v9 =	vmul.f32 v9, v5  }
0x1a9: {  	v16 =	vld [tilespmem:s31+$0xBD0];
	[tilespmem:s0+$0xBE0] =	vst v13;
	v8 =	vadd.f32 v8, v3;
	v10 =	vmul.f32 v10, v5  }
0x1aa: {  	v13 =	vld [tilespmem:s31+$0xFFFFF420];
	[tilespmem:s0+$0xFFFFF430] =	vst v15;
	v9 =	vadd.f32 v9, v4;
	v12 =	vmul.f32 v12, v5  }
0x1ab: {  	v15 =	vld [tilespmem:s31+$0x0];
	v11 =	vmul.f32 v11, v5;
	[tilespmem:s0+$0x10] =	vst v8;
	v8 =	vadd.f32 v10, v2  }
0x1ac: {  	v18 =	vld [tilespmem:s31+$0xBE0];
	v10 =	vmul.f32 v17, v5;
	[tilespmem:s0+$0xBF0] =	vst v9;
	v9 =	vadd.f32 v12, v3  }
0x1ad: {  	v12 =	vmul.f32 v14, v5;
	v17 =	vld [tilespmem:s31+$0xFFFFF430];
	v11 =	vadd.f32 v11, v2;
	[tilespmem:s0+$0xFFFFF440] =	vst v8  }
.Ltmp19:
0x1ae: {  	v14 =	vmul.f32 v16, v5;
	v8 =	vld [tilespmem:s31+$0x10];
	v16 =	vadd.f32 v10, v4;
	[tilespmem:s0+$0x20] =	vst v9;
	(pc) =	sbr.rel @p2 .LBB2_47-.Ltmp19, $4  }
0x1af: {  	v12 =	vadd.f32 v12, v3;
	v13 =	vmul.f32 v13, v5;
	v9 =	vld [tilespmem:s31+$0xBF0];
	[tilespmem:s0+$0xFFFFF410] =	vst v11;
	s0 =	smov.u32 s31  }
0x1b0: {  	v19 =	vadd.f32 v14, v4;
	v15 =	vmul.f32 v15, v5;
	v10 =	vld [tilespmem:s31+$0xFFFFF440];
	[tilespmem:s31+$0xC00] =	vst v16  }
0x1b1: {  	[tilespmem:s31+$0xFFFFFFF0] =	vst v12;
	v13 =	vadd.f32 v13, v2;
	v14 =	vmul.f32 v18, v5;
	v12 =	vld [tilespmem:s31+$0x20]  }
0x1b2: {  	s31 =	sadd.s32 $0x40, s31;
	v11 =	vld [tilespmem:s0+$0xFFFFF410];
	[tilespmem:s0+$0xBD0] =	vst v19;
	v15 =	vadd.f32 v15, v3;
	v16 =	vmul.f32 v17, v5  }
.LBB2_48:
0x1b3: {  	[tilespmem:s0+$0xFFFFF420] =	vst v13;
	v60 =	vadd.f32 v14, v4;
	v8 =	vmul.f32 v8, v5  }
0x1b4: {  	[tilespmem:s0+$0x0] =	vst v15;
	v61 =	vadd.f32 v16, v2;
	v9 =	vmul.f32 v9, v5  }
0x1b5: {  	[tilespmem:s0+$0xBE0] =	vst v60;
	v8 =	vadd.f32 v8, v3;
	v10 =	vmul.f32 v10, v5  }
0x1b6: {  	[tilespmem:s0+$0xFFFFF430] =	vst v61;
	v9 =	vadd.f32 v9, v4;
	v12 =	vmul.f32 v12, v5  }
0x1b7: {  	v11 =	vmul.f32 v11, v5;
	[tilespmem:s0+$0x10] =	vst v8;
	v8 =	vadd.f32 v10, v2  }
0x1b8: {  	[tilespmem:s0+$0xBF0] =	vst v9;
	v62 =	vadd.f32 v12, v3  }
0x1b9: {  	v63 =	vadd.f32 v11, v2;
	[tilespmem:s0+$0xFFFFF440] =	vst v8  }
0x1ba: {  	[tilespmem:s0+$0x20] =	vst v62  }
0x1bb: {  	[tilespmem:s0+$0xFFFFF410] =	vst v63  }
.LBB2_38:
.Ltmp20:
0x1bc: {  	(pc) =	sbr.rel @p1 .LBB2_40-.Ltmp20, $2  }
0x1bd: {  	_ =	sdelay $0x2  }
0x1be: {  	s0 =	smov.u32 s30;
	s1 =	smov.u32 s26  }
.LBB2_39:
0x1bf: {  	v8 =	vld [tilespmem:s0+$0xFFFFF420]  }
0x1c0: {  	v9 =	vld [tilespmem:s0+$0x0]  }
0x1c1: {  	v10 =	vld [tilespmem:s0+$0xBE0];
	_ =	sdelay $0x2  }
0x1c2: {  	v8 =	vmul.f32 v8, v5  }
0x1c3: {  	p2 =	sne.s32 s1, $0x1;
	v9 =	vmul.f32 v9, v5  }
.Ltmp21:
0x1c4: {  	v10 =	vmul.f32 v10, v5;
	v8 =	vadd.f32 v8, v2;
	(pc) =	sbr.rel @p2 .LBB2_39-.Ltmp21, $4  }
0x1c5: {  	v9 =	vadd.f32 v9, v3  }
0x1c6: {  	[tilespmem:s0+$0xFFFFF420] =	vst v8;
	v8 =	vadd.f32 v10, v4  }
0x1c7: {  	[tilespmem:s0+$0x0] =	vst v9  }
0x1c8: {  	s1 =	sadd.s32 $0xFFFFFFFF, s1;
	[tilespmem:s0+$0xBE0] =	vst v8;
	s0 =	sadd.s32 $0x10, s0  }
.Ltmp22:
0x1c9: {  	_ = 	snop;
	(pc) =	sbr.rel .LBB2_40-.Ltmp22, $1  }
0x1ca: {  	_ =	sdelay $0x3  }
.LBB2_6:
.Ltmp23:
0x1cb: {  	(pc) =	sbr.rel @p0 .LBB2_13-.Ltmp23, $1  }
0x1cc: {  	_ =	sdelay $0x3  }
0x1cd: {  	s0 =	ssub.s32 s23, s22  }
0x1ce: {  	s1 =	sand.u32 $0x80, s0  }
0x1cf: {  	s1 =	sshrl.u32 s1, $0x7  }
0x1d0: {  	s1 =	sadd.s32 s1, s0  }
0x1d1: {  	s1 =	sand.u32 $0xFE, s1  }
0x1d2: {  	s1 =	ssub.s32 s0, s1  }
0x1d3: {  	s1 =	sshll.u32 s1, $0x18  }
0x1d4: {  	s1 =	sshra.s32 s1, $0x18  }
0x1d5: {  	s0 =	ssub.s32 s0, s1  }
0x1d6: {  	p0 =	slt.s32 s0, $0x1  }
.Ltmp24:
0x1d7: {  	_ = 	snop;
	(pc) =	sbr.rel @p0 .LBB2_10-.Ltmp24, $3  }
0x1d8: {  	_ =	sdelay $0x1  }
0x1d9: {  	s3 =	sshll.u32 s29, $0x2  }
0x1da: {  	s29 =	sand.u32 $0xFFFFFFC0, s3;
	s30 =	sadd.s32 s22, s0  }
0x1db: {  	s0 =	smul.u32 $0x4C0, s22;
	_ =	sdelay $0x1  }
0x1dc: {  	s0 =	sadd.s32 s29, s0  }
0x1dd: {  	s3 =	sadd.s32 $0x2, s22;
	s0 =	sshra.s32 s0, $0x2  }
0x1de: {  	p1 =	slt.s32 s3, s30;
	s0 =	sadd.s32 $0x10D10, s0  }
.Ltmp25:
0x1df: {  	v10 =	vld [tilespmem:s0+$0xFFFFF2F0];
	(pc) =	sbr.rel @!p1 .LBB2_9-.Ltmp25, $4  }
0x1e0: {  	v5 =	vld [tilespmem:s0+$0xBE0]  }
0x1e1: {  	v8 =	vld [tilespmem:s0+$0x0]  }
0x1e2: {  	v9 =	vld [tilespmem:s0+$0xFFFFF420]  }
0x1e3: {  	p0 =	por $0x0, $0x0;
	v7 =	vld [tilespmem:s0+$0xAB0]  }
0x1e4: {  	s3 =	sadd.s32 $0x2, s3  }
0x1e5: {  	v11 =	vsel vm0, v2, v10;
	v12 =	vld [tilespmem:s0+$0xFFFFFED0];
	s31 =	sadd.s32 $0x260, s0;
	p1 =	slt.s32 s3, s30  }
.Ltmp26:
0x1e6: {  	v10 =	vld [tilespmem:s31+$0xFFFFF2F0];
	[tilespmem:s0+$0xFFFFF2F0] =	vst v11;
	v11 =	vsel vm0, v4, v5;
	(pc) =	sbr.rel @!p1 .LBB2_24-.Ltmp26, $4  }
0x1e7: {  	v5 =	vld [tilespmem:s31+$0xBE0];
	v13 =	vsel vm0, v3, v8;
	[tilespmem:s0+$0xBE0] =	vst v11  }
0x1e8: {  	v8 =	vld [tilespmem:s31+$0x0];
	v11 =	vsel vm0, v2, v9;
	[tilespmem:s0+$0x0] =	vst v13  }
0x1e9: {  	v9 =	vld [tilespmem:s31+$0xFFFFF420];
	v63 =	vsel vm0, v4, v7;
	[tilespmem:s0+$0xFFFFF420] =	vst v11  }
0x1ea: {  	p0 =	por $0x1, $0x1;
	v7 =	vld [tilespmem:s31+$0xAB0];
	v11 =	vsel vm0, v3, v12;
	[tilespmem:s0+$0xAB0] =	vst v63  }
.LBB2_23:
0x1eb: {  	s3 =	sadd.s32 $0x2, s3  }
0x1ec: {  	v12 =	vsel vm0, v2, v10;
	v13 =	vld [tilespmem:s31+$0xFFFFFED0];
	[tilespmem:s0+$0xFFFFFED0] =	vst v11;
	s0 =	smov.u32 s31;
	s31 =	sadd.s32 $0x260, s31;
	p1 =	slt.s32 s3, s30  }
.Ltmp27:
0x1ed: {  	v10 =	vld [tilespmem:s31+$0xFFFFF2F0];
	[tilespmem:s0+$0xFFFFF2F0] =	vst v12;
	v11 =	vsel vm0, v4, v5;
	(pc) =	sbr.rel @p1 .LBB2_23-.Ltmp27, $4  }
0x1ee: {  	v5 =	vld [tilespmem:s31+$0xBE0];
	v12 =	vsel vm0, v3, v8;
	[tilespmem:s0+$0xBE0] =	vst v11  }
0x1ef: {  	v8 =	vld [tilespmem:s31+$0x0];
	v11 =	vsel vm0, v2, v9;
	[tilespmem:s0+$0x0] =	vst v12  }
0x1f0: {  	v9 =	vld [tilespmem:s31+$0xFFFFF420];
	v12 =	vsel vm0, v4, v7;
	[tilespmem:s0+$0xFFFFF420] =	vst v11  }
0x1f1: {  	v7 =	vld [tilespmem:s31+$0xAB0];
	v11 =	vsel vm0, v3, v13;
	[tilespmem:s0+$0xAB0] =	vst v12  }
.LBB2_24:
0x1f2: {  	v10 =	vsel vm0, v2, v10;
	v12 =	vld [tilespmem:s31+$0xFFFFFED0];
	[tilespmem:s0+$0xFFFFFED0] =	vst @p0 v11  }
0x1f3: {  	[tilespmem:s31+$0xFFFFF2F0] =	vst v10;
	v5 =	vsel vm0, v4, v5  }
0x1f4: {  	v8 =	vsel vm0, v3, v8;
	[tilespmem:s31+$0xBE0] =	vst v5  }
0x1f5: {  	v5 =	vsel vm0, v2, v9;
	[tilespmem:s31+$0x0] =	vst v8  }
0x1f6: {  	v7 =	vsel vm0, v4, v7;
	[tilespmem:s31+$0xFFFFF420] =	vst v5  }
0x1f7: {  	v5 =	vsel vm0, v3, v12;
	[tilespmem:s31+$0xAB0] =	vst v7  }
0x1f8: {  	[tilespmem:s31+$0xFFFFFED0] =	vst v5  }
.LBB2_10:
0x1f9: {  	p0 =	sge.s32 s30, s23  }
.Ltmp28:
0x1fa: {  	_ = 	snop;
	(pc) =	sbr.rel @p0 .LBB2_13-.Ltmp28, $1  }
0x1fb: {  	_ =	sdelay $0x3  }
0x1fc: {  	s0 =	smul.u32 $0x4C0, s23  }
0x1fd: {  	s3 =	smul.u32 $0x4C0, s1  }
0x1fe: {  	s0 =	sadd.s32 s29, s0  }
0x1ff: {  	s0 =	ssub.s32 s0, s3  }
0x200: {  	s0 =	sshra.s32 s0, $0x2  }
0x201: {  	s0 =	sadd.s32 $0x10BE0, s0  }
.LBB2_12:
0x202: {  	v5 =	vld [tilespmem:s0+$0xFFFFF420]  }
0x203: {  	v7 =	vld [tilespmem:s0+$0x0]  }
0x204: {  	v8 =	vld [tilespmem:s0+$0xBE0]  }
0x205: {  	p0 =	sne.s32 s1, $0x1  }
.Ltmp29:
0x206: {  	_ = 	snop;
	(pc) =	sbr.rel @p0 .LBB2_12-.Ltmp29, $4  }
0x207: {  	v5 =	vsel vm0, v2, v5  }
0x208: {  	[tilespmem:s0+$0xFFFFF420] =	vst v5;
	v5 =	vsel vm0, v3, v7  }
0x209: {  	[tilespmem:s0+$0x0] =	vst v5;
	v5 =	vsel vm0, v4, v8  }
0x20a: {  	s1 =	sadd.s32 $0xFFFFFFFF, s1;
	[tilespmem:s0+$0xBE0] =	vst v5;
	s0 =	sadd.s32 $0x130, s0  }
.LBB2_13:
0x20b: {  	p0 =	sle.s32 s24, s25  }
.Ltmp30:
0x20c: {  	_ = 	snop;
	(pc) =	sbr.rel @p0 .LBB2_19-.Ltmp30, $1  }
0x20d: {  	_ =	sdelay $0x3  }
0x20e: {  	s1 =	sadd.s32 $0x1, s25  }
0x20f: {  	s0 =	ssub.s32 s24, s1  }
0x210: {  	s3 =	sshrl.u32 s0, $0x1E  }
0x211: {  	s4 =	sand.u32 $0xFFFFFFF0, s28;
	s30 =	sadd.s32 $0x10000, s26;
	s3 =	sadd.s32 s3, s0  }
0x212: {  	s28 =	smul.u32 $0x4C0, s22;
	s25 =	sshll.u32 s25, $0x6;
	s3 =	sand.u32 $0xFFFFFFFC, s3  }
.Ltmp31:
0x213: {  	s31 =	sshll.u32 s24, $0x6;
	s26 =	ssub.s32 s0, s3;
	(pc) =	sbr.rel .LBB2_15-.Ltmp31, $4  }
0x214: {  	s0 =	sadd.s32 s25, s28;
	s25 =	sadd.s32 s31, s28;
	s28 =	sshll.u32 s26, $0x6  }
0x215: {  	s31 =	sadd.s32 $0x10000, s4;
	p0 =	slt.s32 s3, $0x1;
	s29 =	ssub.s32 s25, s28  }
0x216: {  	v5 =	vor.u32 s4, v1;
	s0 =	sshra.s32 s0, $0x2;
	s25 =	sadd.s32 s1, s3;
	s4 =	sshra.s32 s29, $0x2  }
0x217: {  	vm1 =	vlt.s32 v5, v6;
	v5 =	vmov s30;
	v6 =	vmov s31;
	s28 =	sadd.s32 $0x10C00, s0;
	p1 =	sge.s32 s25, s24;
	s29 =	sadd.s32 $0x10BE0, s4  }
.LBB2_18:
0x218: {  	_ =	sdelay $0x3  }
0x219: {  	v7 =	vld.idx.msk [tilespmem:v6+s0+$0x0 ss:$0x1], $0xffff  }
0x21a: {  	v8 =	vld.idx.msk [tilespmem:v6+s0+$0xBE0 ss:$0x1], $0xffff  }
0x21b: {  	v9 =	vld.idx.msk [tilespmem:v6+s0+$0x17C0 ss:$0x1], $0xffff;
	s22 =	sadd.s32 $0x1, s22  }
0x21c: {  	p2 =	seq.s32 s22, s23  }
.Ltmp32:
0x21d: {  	_ = 	snop;
	(pc) =	sbr.rel @p2 .LBB2_19-.Ltmp32, $4  }
0x21e: {  	v7 =	vsel vm1, v2, v7  }
0x21f: {  	[tilespmem:v6+s0+$0x0 ss:$0x1] =	vst.idx.msk $0xffff, v7;
	v7 =	vsel vm1, v3, v8  }
0x220: {  	[tilespmem:v6+s0+$0xBE0 ss:$0x1] =	vst.idx.msk $0xffff, v7;
	v7 =	vsel vm1, v4, v9  }
0x221: {  	s28 =	sadd.s32 $0x130, s28;
	s29 =	sadd.s32 $0x130, s29;
	[tilespmem:v6+s0+$0x17C0 ss:$0x1] =	vst.idx.msk $0xffff, v7  }
.LBB2_15:
0x222: {  	_ =	sdelay $0x1  }
0x223: {  	s0 =	smul.u32 $0x130, s22;
	_ =	sdelay $0x1  }
0x224: {  	v7 =	vld.idx.msk [tilespmem:v5+s0+$0x0 ss:$0x1], $0xffff  }
0x225: {  	v8 =	vld.idx.msk [tilespmem:v5+s0+$0xBE0 ss:$0x1], $0xffff  }
0x226: {  	v9 =	vld.idx.msk [tilespmem:v5+s0+$0x17C0 ss:$0x1], $0xffff;
	_ =	sdelay $0x1  }
.Ltmp33:
0x227: {  	_ = 	snop;
	(pc) =	sbr.rel @p0 .LBB2_16-.Ltmp33, $4  }
0x228: {  	v7 =	vsel vm0, v2, v7  }
0x229: {  	[tilespmem:v5+s0+$0x0 ss:$0x1] =	vst.idx.msk $0xffff, v7;
	v7 =	vsel vm0, v3, v8  }
0x22a: {  	[tilespmem:v5+s0+$0xBE0 ss:$0x1] =	vst.idx.msk $0xffff, v7;
	v7 =	vsel vm0, v4, v9  }
0x22b: {  	[tilespmem:v5+s0+$0x17C0 ss:$0x1] =	vst.idx.msk $0xffff, v7  }
0x22c: {  	[tilespmem:s28+$0xFFFFF410] =	vst v2  }
0x22d: {  	[tilespmem:s28+$0xC00] =	vst v4  }
0x22e: {  	[tilespmem:s28+$0x20] =	vst v3  }
0x22f: {  	[tilespmem:s28+$0xFFFFF440] =	vst v2  }
0x230: {  	[tilespmem:s28+$0xBF0] =	vst v4;
	s3 =	sadd.s32 $0x4, s1  }
0x231: {  	[tilespmem:s28+$0x10] =	vst v3;
	p2 =	slt.s32 s3, s25  }
.Ltmp34:
0x232: {  	[tilespmem:s28+$0xFFFFF430] =	vst v2;
	(pc) =	sbr.rel @!p2 .LBB2_27-.Ltmp34, $4  }
0x233: {  	[tilespmem:s28+$0xBE0] =	vst v4  }
0x234: {  	[tilespmem:s28+$0x0] =	vst v3  }
0x235: {  	[tilespmem:s28+$0xFFFFF420] =	vst v2  }
0x236: {  	[tilespmem:s28+$0xBD0] =	vst v4;
	s4 =	smov.u32 s28  }
.LBB2_26:
0x237: {  	s3 =	sadd.s32 $0x4, s3;
	[tilespmem:s4+$0xFFFFFFF0] =	vst v3;
	s4 =	sadd.s32 $0x40, s4  }
0x238: {  	[tilespmem:s4+$0xFFFFF410] =	vst v2;
	p2 =	slt.s32 s3, s25  }
0x239: {  	[tilespmem:s4+$0xC00] =	vst v4  }
0x23a: {  	[tilespmem:s4+$0x20] =	vst v3  }
0x23b: {  	[tilespmem:s4+$0xFFFFF440] =	vst v2  }
0x23c: {  	[tilespmem:s4+$0xBF0] =	vst v4  }
0x23d: {  	[tilespmem:s4+$0x10] =	vst v3  }
.Ltmp35:
0x23e: {  	[tilespmem:s4+$0xFFFFF430] =	vst v2;
	(pc) =	sbr.rel @p2 .LBB2_26-.Ltmp35, $4  }
0x23f: {  	[tilespmem:s4+$0xBE0] =	vst v4  }
0x240: {  	[tilespmem:s4+$0x0] =	vst v3  }
0x241: {  	[tilespmem:s4+$0xFFFFF420] =	vst v2  }
0x242: {  	[tilespmem:s4+$0xBD0] =	vst v4  }
.LBB2_27:
0x243: {  	[tilespmem:s4+$0xFFFFFFF0] =	vst v3  }
.LBB2_16:
.Ltmp36:
0x244: {  	(pc) =	sbr.rel @p1 .LBB2_18-.Ltmp36, $2  }
0x245: {  	_ =	sdelay $0x2  }
0x246: {  	s3 =	smov.u32 s29;
	s4 =	smov.u32 s26  }
.LBB2_17:
0x247: {  	p2 =	sne.s32 s4, $0x1  }
.Ltmp37:
0x248: {  	_ = 	snop;
	(pc) =	sbr.rel @p2 .LBB2_17-.Ltmp37, $4  }
0x249: {  	_ = 	snop  }
0x24a: {  	[tilespmem:s3+$0xFFFFF420] =	vst v2  }
0x24b: {  	[tilespmem:s3+$0x0] =	vst v3  }
0x24c: {  	[tilespmem:s3+$0xBE0] =	vst v4;
	s3 =	sadd.s32 $0x10, s3;
	s4 =	sadd.s32 $0xFFFFFFFF, s4  }
.Ltmp38:
0x24d: {  	_ = 	snop;
	(pc) =	sbr.rel .LBB2_18-.Ltmp38, $1  }
0x24e: {  	_ =	sdelay $0x3  }
.LBB2_31:
.Ltmp39:
0x24f: {  	(pc) =	sbr.rel .LBB2_45-.Ltmp39, $2  }
0x250: {  	_ =	sdelay $0x2  }
0x251: {  	_ = 	snop  }
.LBB2_42:
.Ltmp40:
0x252: {  	_ = 	snop;
	(pc) =	sbr.rel .LBB2_45-.Ltmp40, $3  }
0x253: {  	_ =	sdelay $0x1  }
0x254: {  	v21 =	vmov v7;
	v16 =	vmov v9  }
0x255: {  	s3 =	smov.u32 s1;
	s1 =	smov.u32 s0;
	v9 =	vmovc v13;
	v10 =	vmovc v15;
	v12 =	vmov v14;
	v7 =	vmov v11;
	v11 =	vmov v8  }
.LBB2_9:
.Ltmp41:
0x256: {  	(pc) =	sbr.rel .LBB2_24-.Ltmp41, $2  }
0x257: {  	_ =	sdelay $0x2  }
0x258: {  	s31 =	smov.u32 s0  }
.LBB2_21:
0x259: {  	_ =	sfence.sel $0x180000  }
0x25a: {  	[bflag:$0x0] =	sbarrier.arrive $0xFFFF  }
0x25b: {  	_ =	strace $0x90000047  }
0x25c: {  	s0 =	stileid.u32;
	[bflag:$0x2] =	sbarrier.arrive $0xFFFF  }
0x25d: {  	p0 =	sne.s32 s0, $0x0;
	s0 =	rddreg [dreg:$0x2]  }
0x25e: {  	s0 =	sadd.s32 @!p0 $0x100000, s0  }
0x25f: {  	[sflag:s0] =	ssyncadd.tile.s32 @!p0 $0x1;
	_ =	shalt  }
.Lfunc_end2:
_tile_overlayer_lowered:
.L_overlay_start_2:
0x260: {  	(tag) =	ssettag $0x2  }
0x261: {  	s0 =	rddreg [dreg:$0x0];
	s2 =	stileid.u32  }
0x262: {  	s1 =	rddreg [dreg:$0x1];
	p0 =	sne.s32 s2, $0x0  }
0x263: {  	s3 =	rddreg [dreg:$0x2];
	[bflag:$0x3] =	sbarrier.arrive $0xFFFF;
	s2 =	simm.s32 @!p0 $0x1C03  }
0x264: {  	[timem:s3], [sflag:s2] =	dma.local @!p0 [hbm:s0], s1  }
0x265: {  	s0 =	simm.s32 @!p0 $0x3  }
0x266: {  	_ =	swait.ge @!p0 [sflag:s0], s1  }
0x267: {  	s1 =	ssub.s32 @!p0 $0x0, s1;
	[sflag:s0] =	ssyncset.done @!p0 $0x0  }
0x268: {  	[sflag:s0] =	ssyncadd.s32 @!p0 s1  }
0x269: {  	[bflag:$0x3] =	sbarrier.arrive $0xFFFF  }
0x26a: {  	_ =	shalt  }

</sc_bundles>
